<compile_context>
chip_gen: v7x
topology: tpu7x:2x2x1
jax: 0.10.2.dev20260603
libtpu: 0.0.44.dev20260713+nightly
codegen_flags: <defaults>
</compile_context>

<pallas_src>
import functools

import jax
import jax.numpy as jnp
from jax import lax
from jax.experimental import pallas as pl
from jax.experimental.pallas import tpu as pltpu
from jax.experimental.pallas import tpu_sc as plsc

VOCAB = 1000000
D = 64
B = 4096
S = 50
NC = 2
NS = 16
NW = NC * NS
BPW = B // NW
DL = D // 16
SP = 56

_mesh = plsc.VectorSubcoreMesh(core_axis_name="c", subcore_axis_name="s")


@functools.partial(
    pl.kernel,
    mesh=_mesh,
    out_type=jax.ShapeDtypeStruct((NW * SP * BPW,), jnp.int32),
    scratch_types=[
        pltpu.SemaphoreType.DMA,
    ],
    compiler_params=pltpu.CompilerParams(use_tc_tiling_on_sc=True),
)
def _stage_idx(idxt_hbm, out_hbm, sem):
    c = lax.axis_index("c")
    s = lax.axis_index("s")
    w = c * NS + s
    for t in range(SP):
        pltpu.async_copy(idxt_hbm.at[t, pl.ds(BPW * w, BPW)],
                         out_hbm.at[pl.ds(BPW * (SP * w + t), BPW)], sem)
    for t in range(SP):
        pltpu.make_async_copy(idxt_hbm.at[t, pl.ds(BPW * w, BPW)],
                              out_hbm.at[pl.ds(BPW * (SP * w + t), BPW)],
                              sem).wait()


@functools.partial(
    pl.kernel,
    mesh=_mesh,
    out_type=jax.ShapeDtypeStruct((B, D), jnp.float32),
    scratch_types=[
        pltpu.VMEM((SP * BPW,), jnp.int32),
        pltpu.VMEM((BPW, 2 * D), jnp.float32),
        pltpu.VMEM((BPW, 2 * D), jnp.float32),
        pltpu.VMEM((BPW, D), jnp.float32),
        pltpu.SemaphoreType.DMA,
        pltpu.SemaphoreType.DMA,
    ],
    compiler_params=pltpu.CompilerParams(use_tc_tiling_on_sc=True),
)
def _embed_sum(table_hbm, idx_hbm, out_hbm, idx_v, rows_v0, rows_v1,
               out_v, sem0, sem1):
    c = lax.axis_index("c")
    s = lax.axis_index("s")
    w = c * NS + s
    base = w * BPW

    pltpu.sync_copy(idx_hbm.at[pl.ds(SP * BPW * w, SP * BPW)], idx_v)

    bufs = (rows_v0, rows_v1)
    sems = (sem0, sem1)

    def start(t, par):
        pltpu.async_copy(table_hbm.at[idx_v.at[pl.ds(BPW * t, BPW)]],
                         bufs[par], sems[par])

    def wait(t, par):
        pltpu.make_async_copy(table_hbm.at[idx_v.at[pl.ds(BPW * t, BPW)]],
                              bufs[par], sems[par]).wait()

    start(0, 0)
    start(1, 1)
    wait(0, 0)

    def init_body(r, carry):
        for d in range(DL):
            out_v[r, pl.ds(d * 16, 16)] = rows_v0[r, pl.ds(d * 16, 16)]
        return carry
    lax.fori_loop(0, BPW, init_body, 0)

    def acc_from(buf):
        def body(r, carry):
            for d in range(DL):
                x = buf[r, pl.ds(d * 16, 16)]
                y = out_v[r, pl.ds(d * 16, 16)]
                out_v[r, pl.ds(d * 16, 16)] = x + y
            return carry
        lax.fori_loop(0, BPW, body, 0)

    def outer(ss, carry):
        for i in range(2):
            t = 2 * ss + 1 + i
            par = (1 + i) % 2

            @pl.when(t + 1 < S)
            def _():
                start(t + 1, (par + 1) % 2)

            wait(t, par)
            acc_from(bufs[par])
        return carry

    lax.fori_loop(0, (S - 1) // 2, outer, 0)
    wait(S - 1, 1)
    acc_from(bufs[1])

    pltpu.sync_copy(out_v, out_hbm.at[pl.ds(base, BPW)])


def kernel(inputs, table_pri):
    idxt = jnp.transpose(inputs.astype(jnp.int32))
    idxt = jnp.pad(idxt, ((0, SP - S), (0, 0)))
    table_padded = jnp.pad(table_pri, ((0, 0), (0, D)))
    return _embed_sum(table_padded, _stage_idx(idxt))

# --- scband reference (transcript-rebuilt; emitter-appended) ---
"""Pipeline reference for scband-bi-lingual-44341242364621 (READ-ONLY COPY).

The authoritative reference and input builder live on the scoring server;
editing this copy changes nothing except your own understanding.
"""

import jax, jax.numpy as jnp
import numpy as np

VOCAB_PRI = 1000000
EMBED_DIM = 64
BATCH = 4096
SEQ = 50

def setup_inputs(seed: int = 0) -> dict:
    key = jax.random.key(seed)
    k_idx, k_pri = jax.random.split(key)
    inputs = jax.random.randint(k_idx, (BATCH, SEQ), 0, VOCAB_PRI)
    # nn.Embedding default init is N(0, 1)
    table_pri = jax.random.normal(k_pri, (VOCAB_PRI, EMBED_DIM), dtype=jnp.float32)
    return {"inputs": inputs, "table_pri": table_pri}

def reference(inputs, table_pri):
    # forwardPri: embedding gather followed by cAdd, which is an
    # elementwise accumulation over the sentence dimension == sum over axis 1.
    embeds_pri = jnp.take(table_pri, inputs, axis=0)      # [B, S, D] gather
    out_pri = jnp.sum(embeds_pri, axis=1)                  # [B, D]
    return out_pri

if __name__ == "__main__":
    import jax
    _d = setup_inputs()
    print(jax.jit(kernel)(*tuple(_d.values())))

</pallas_src>

<mosaic_0001>
#map = affine_map<(d0, d1) -> (0, 0)>
#map1 = affine_map<(d0, d1) -> (0)>
module attributes {stable_mosaic.version = 14 : i64} {
  func.func @_stage_idx(%arg0: i32, %arg1: i32, %arg2: memref<56x4096xi32, #tpu.memory_space<hbm>>, %arg3: memref<229376xi32, #tpu.memory_space<hbm>>, %arg4: memref<!tpu.dma_semaphore, #tpu.memory_space<semaphore_mem>>) attributes {dimension_semantics = [#tpu.dimension_semantics<core_parallel>, #tpu.dimension_semantics<subcore_parallel>], iteration_bounds = array<i64: 2, 16>, scalar_prefetch = 0 : i64, scratch_operands = 1 : i64, tpu.core_type = #tpu.core_type<sc_vector_subcore>, window_params = [{transform_indices = #map}, {transform_indices = #map1}]} {
    %mul3A = arith.constant 16 : i32
    %mul3A_0 = arith.muli %arg0, %mul3A : i32
    %add3A = arith.addi %mul3A_0, %arg1 : i32
    %mul3A_1 = arith.constant 128 : i32
    %mul3A_2 = arith.muli %mul3A_1, %add3A : i32
    %mul3A_3 = arith.constant 56 : i32
    %mul3A_4 = arith.muli %mul3A_3, %add3A : i32
    %add3A_5 = arith.constant 0 : i32
    %add3A_6 = arith.addi %mul3A_4, %add3A_5 : i32
    %mul3A_7 = arith.constant 128 : i32
    %mul3A_8 = arith.muli %mul3A_7, %add3A_6 : i32
    %dma_start3A = arith.constant 0 : i32
    %dma_start3A_9 = tpu.memref_slice %arg3[%mul3A_8] : memref<229376xi32, #tpu.memory_space<hbm>> -> memref<128xi32, #tpu.memory_space<hbm>>
    %dma_start3A_10 = tpu.memref_slice %arg2[%dma_start3A, %mul3A_2] : memref<56x4096xi32, #tpu.memory_space<hbm>> -> memref<1x128xi32, #tpu.memory_space<hbm>>
    %dma_start3A_11 = tpu.memref_squeeze %dma_start3A_10 : memref<1x128xi32, #tpu.memory_space<hbm>> -> memref<128xi32, #tpu.memory_space<hbm>>
    tpu.enqueue_dma source(%dma_start3A_11 : memref<128xi32, #tpu.memory_space<hbm>>) target(%dma_start3A_9 : memref<128xi32, #tpu.memory_space<hbm>>) target_semaphore(%arg4 : memref<!tpu.dma_semaphore, #tpu.memory_space<semaphore_mem>>)
    %mul3A_12 = arith.constant 128 : i32
    %mul3A_13 = arith.muli %mul3A_12, %add3A : i32
    %mul3A_14 = arith.constant 56 : i32
    %mul3A_15 = arith.muli %mul3A_14, %add3A : i32
    %add3A_16 = arith.constant 1 : i32
    %add3A_17 = arith.addi %mul3A_15, %add3A_16 : i32
    %mul3A_18 = arith.constant 128 : i32
    %mul3A_19 = arith.muli %mul3A_18, %add3A_17 : i32
    %dma_start3A_20 = arith.constant 1 : i32
    %dma_start3A_21 = tpu.memref_slice %arg3[%mul3A_19] : memref<229376xi32, #tpu.memory_space<hbm>> -> memref<128xi32, #tpu.memory_space<hbm>>
    %dma_start3A_22 = tpu.memref_slice %arg2[%dma_start3A_20, %mul3A_13] : memref<56x4096xi32, #tpu.memory_space<hbm>> -> memref<1x128xi32, #tpu.memory_space<hbm>>
    %dma_start3A_23 = tpu.memref_squeeze %dma_start3A_22 : memref<1x128xi32, #tpu.memory_space<hbm>> -> memref<128xi32, #tpu.memory_space<hbm>>
    tpu.enqueue_dma source(%dma_start3A_23 : memref<128xi32, #tpu.memory_space<hbm>>) target(%dma_start3A_21 : memref<128xi32, #tpu.memory_space<hbm>>) target_semaphore(%arg4 : memref<!tpu.dma_semaphore, #tpu.memory_space<semaphore_mem>>)
    %mul3A_24 = arith.constant 128 : i32
    %mul3A_25 = arith.muli %mul3A_24, %add3A : i32
    %mul3A_26 = arith.constant 56 : i32
    %mul3A_27 = arith.muli %mul3A_26, %add3A : i32
    %add3A_28 = arith.constant 2 : i32
    %add3A_29 = arith.addi %mul3A_27, %add3A_28 : i32
    %mul3A_30 = arith.constant 128 : i32
    %mul3A_31 = arith.muli %mul3A_30, %add3A_29 : i32
    %dma_start3A_32 = arith.constant 2 : i32
    %dma_start3A_33 = tpu.memref_slice %arg3[%mul3A_31] : memref<229376xi32, #tpu.memory_space<hbm>> -> memref<128xi32, #tpu.memory_space<hbm>>
    %dma_start3A_34 = tpu.memref_slice %arg2[%dma_start3A_32, %mul3A_25] : memref<56x4096xi32, #tpu.memory_space<hbm>> -> memref<1x128xi32, #tpu.memory_space<hbm>>
    %dma_start3A_35 = tpu.memref_squeeze %dma_start3A_34 : memref<1x128xi32, #tpu.memory_space<hbm>> -> memref<128xi32, #tpu.memory_space<hbm>>
    tpu.enqueue_dma source(%dma_start3A_35 : memref<128xi32, #tpu.memory_space<hbm>>) target(%dma_start3A_33 : memref<128xi32, #tpu.memory_space<hbm>>) target_semaphore(%arg4 : memref<!tpu.dma_semaphore, #tpu.memory_space<semaphore_mem>>)
    %mul3A_36 = arith.constant 128 : i32
    %mul3A_37 = arith.muli %mul3A_36, %add3A : i32
    %mul3A_38 = arith.constant 56 : i32
    %mul3A_39 = arith.muli %mul3A_38, %add3A : i32
    %add3A_40 = arith.constant 3 : i32
    %add3A_41 = arith.addi %mul3A_39, %add3A_40 : i32
    %mul3A_42 = arith.constant 128 : i32
    %mul3A_43 = arith.muli %mul3A_42, %add3A_41 : i32
    %dma_start3A_44 = arith.constant 3 : i32
    %dma_start3A_45 = tpu.memref_slice %arg3[%mul3A_43] : memref<229376xi32, #tpu.memory_space<hbm>> -> memref<128xi32, #tpu.memory_space<hbm>>
    %dma_start3A_46 = tpu.memref_slice %arg2[%dma_start3A_44, %mul3A_37] : memref<56x4096xi32, #tpu.memory_space<hbm>> -> memref<1x128xi32, #tpu.memory_space<hbm>>
    %dma_start3A_47 = tpu.memref_squeeze %dma_start3A_46 : memref<1x128xi32, #tpu.memory_space<hbm>> -> memref<128xi32, #tpu.memory_space<hbm>>
    tpu.enqueue_dma source(%dma_start3A_47 : memref<128xi32, #tpu.memory_space<hbm>>) target(%dma_start3A_45 : memref<128xi32, #tpu.memory_space<hbm>>) target_semaphore(%arg4 : memref<!tpu.dma_semaphore, #tpu.memory_space<semaphore_mem>>)
    %mul3A_48 = arith.constant 128 : i32
    %mul3A_49 = arith.muli %mul3A_48, %add3A : i32
    %mul3A_50 = arith.constant 56 : i32
    %mul3A_51 = arith.muli %mul3A_50, %add3A : i32
    %add3A_52 = arith.constant 4 : i32
    %add3A_53 = arith.addi %mul3A_51, %add3A_52 : i32
    %mul3A_54 = arith.constant 128 : i32
    %mul3A_55 = arith.muli %mul3A_54, %add3A_53 : i32
    %dma_start3A_56 = arith.constant 4 : i32
    %dma_start3A_57 = tpu.memref_slice %arg3[%mul3A_55] : memref<229376xi32, #tpu.memory_space<hbm>> -> memref<128xi32, #tpu.memory_space<hbm>>
    %dma_start3A_58 = tpu.memref_slice %arg2[%dma_start3A_56, %mul3A_49] : memref<56x4096xi32, #tpu.memory_space<hbm>> -> memref<1x128xi32, #tpu.memory_space<hbm>>
    %dma_start3A_59 = tpu.memref_squeeze %dma_start3A_58 : memref<1x128xi32, #tpu.memory_space<hbm>> -> memref<128xi32, #tpu.memory_space<hbm>>
    tpu.enqueue_dma source(%dma_start3A_59 : memref<128xi32, #tpu.memory_space<hbm>>) target(%dma_start3A_57 : memref<128xi32, #tpu.memory_space<hbm>>) target_semaphore(%arg4 : memref<!tpu.dma_semaphore, #tpu.memory_space<semaphore_mem>>)
    %mul3A_60 = arith.constant 128 : i32
    %mul3A_61 = arith.muli %mul3A_60, %add3A : i32
    %mul3A_62 = arith.constant 56 : i32
    %mul3A_63 = arith.muli %mul3A_62, %add3A : i32
    %add3A_64 = arith.constant 5 : i32
    %add3A_65 = arith.addi %mul3A_63, %add3A_64 : i32
    %mul3A_66 = arith.constant 128 : i32
    %mul3A_67 = arith.muli %mul3A_66, %add3A_65 : i32
    %dma_start3A_68 = arith.constant 5 : i32
    %dma_start3A_69 = tpu.memref_slice %arg3[%mul3A_67] : memref<229376xi32, #tpu.memory_space<hbm>> -> memref<128xi32, #tpu.memory_space<hbm>>
    %dma_start3A_70 = tpu.memref_slice %arg2[%dma_start3A_68, %mul3A_61] : memref<56x4096xi32, #tpu.memory_space<hbm>> -> memref<1x128xi32, #tpu.memory_space<hbm>>
    %dma_start3A_71 = tpu.memref_squeeze %dma_start3A_70 : memref<1x128xi32, #tpu.memory_space<hbm>> -> memref<128xi32, #tpu.memory_space<hbm>>
    tpu.enqueue_dma source(%dma_start3A_71 : memref<128xi32, #tpu.memory_space<hbm>>) target(%dma_start3A_69 : memref<128xi32, #tpu.memory_space<hbm>>) target_semaphore(%arg4 : memref<!tpu.dma_semaphore, #tpu.memory_space<semaphore_mem>>)
    %mul3A_72 = arith.constant 128 : i32
    %mul3A_73 = arith.muli %mul3A_72, %add3A : i32
    %mul3A_74 = arith.constant 56 : i32
    %mul3A_75 = arith.muli %mul3A_74, %add3A : i32
    %add3A_76 = arith.constant 6 : i32
    %add3A_77 = arith.addi %mul3A_75, %add3A_76 : i32
    %mul3A_78 = arith.constant 128 : i32
    %mul3A_79 = arith.muli %mul3A_78, %add3A_77 : i32
    %dma_start3A_80 = arith.constant 6 : i32
    %dma_start3A_81 = tpu.memref_slice %arg3[%mul3A_79] : memref<229376xi32, #tpu.memory_space<hbm>> -> memref<128xi32, #tpu.memory_space<hbm>>
    %dma_start3A_82 = tpu.memref_slice %arg2[%dma_start3A_80, %mul3A_73] : memref<56x4096xi32, #tpu.memory_space<hbm>> -> memref<1x128xi32, #tpu.memory_space<hbm>>
    %dma_start3A_83 = tpu.memref_squeeze %dma_start3A_82 : memref<1x128xi32, #tpu.memory_space<hbm>> -> memref<128xi32, #tpu.memory_space<hbm>>
    tpu.enqueue_dma source(%dma_start3A_83 : memref<128xi32, #tpu.memory_space<hbm>>) target(%dma_start3A_81 : memref<128xi32, #tpu.memory_space<hbm>>) target_semaphore(%arg4 : memref<!tpu.dma_semaphore, #tpu.memory_space<semaphore_mem>>)
    %mul3A_84 = arith.constant 128 : i32
    %mul3A_85 = arith.muli %mul3A_84, %add3A : i32
    %mul3A_86 = arith.constant 56 : i32
    %mul3A_87 = arith.muli %mul3A_86, %add3A : i32
    %add3A_88 = arith.constant 7 : i32
    %add3A_89 = arith.addi %mul3A_87, %add3A_88 : i32
    %mul3A_90 = arith.constant 128 : i32
    %mul3A_91 = arith.muli %mul3A_90, %add3A_89 : i32
    %dma_start3A_92 = arith.constant 7 : i32
    %dma_start3A_93 = tpu.memref_slice %arg3[%mul3A_91] : memref<229376xi32, #tpu.memory_space<hbm>> -> memref<128xi32, #tpu.memory_space<hbm>>
    %dma_start3A_94 = tpu.memref_slice %arg2[%dma_start3A_92, %mul3A_85] : memref<56x4096xi32, #tpu.memory_space<hbm>> -> memref<1x128xi32, #tpu.memory_space<hbm>>
    %dma_start3A_95 = tpu.memref_squeeze %dma_start3A_94 : memref<1x128xi32, #tpu.memory_space<hbm>> -> memref<128xi32, #tpu.memory_space<hbm>>
    tpu.enqueue_dma source(%dma_start3A_95 : memref<128xi32, #tpu.memory_space<hbm>>) target(%dma_start3A_93 : memref<128xi32, #tpu.memory_space<hbm>>) target_semaphore(%arg4 : memref<!tpu.dma_semaphore, #tpu.memory_space<semaphore_mem>>)
    %mul3A_96 = arith.constant 128 : i32
    %mul3A_97 = arith.muli %mul3A_96, %add3A : i32
    %mul3A_98 = arith.constant 56 : i32
    %mul3A_99 = arith.muli %mul3A_98, %add3A : i32
    %add3A_100 = arith.constant 8 : i32
    %add3A_101 = arith.addi %mul3A_99, %add3A_100 : i32
    %mul3A_102 = arith.constant 128 : i32
    %mul3A_103 = arith.muli %mul3A_102, %add3A_101 : i32
    %dma_start3A_104 = arith.constant 8 : i32
    %dma_start3A_105 = tpu.memref_slice %arg3[%mul3A_103] : memref<229376xi32, #tpu.memory_space<hbm>> -> memref<128xi32, #tpu.memory_space<hbm>>
    %dma_start3A_106 = tpu.memref_slice %arg2[%dma_start3A_104, %mul3A_97] : memref<56x4096xi32, #tpu.memory_space<hbm>> -> memref<1x128xi32, #tpu.memory_space<hbm>>
    %dma_start3A_107 = tpu.memref_squeeze %dma_start3A_106 : memref<1x128xi32, #tpu.memory_space<hbm>> -> memref<128xi32, #tpu.memory_space<hbm>>
    tpu.enqueue_dma source(%dma_start3A_107 : memref<128xi32, #tpu.memory_space<hbm>>) target(%dma_start3A_105 : memref<128xi32, #tpu.memory_space<hbm>>) target_semaphore(%arg4 : memref<!tpu.dma_semaphore, #tpu.memory_space<semaphore_mem>>)
    %mul3A_108 = arith.constant 128 : i32
    %mul3A_109 = arith.muli %mul3A_108, %add3A : i32
    %mul3A_110 = arith.constant 56 : i32
    %mul3A_111 = arith.muli %mul3A_110, %add3A : i32
    %add3A_112 = arith.constant 9 : i32
    %add3A_113 = arith.addi %mul3A_111, %add3A_112 : i32
    %mul3A_114 = arith.constant 128 : i32
    %mul3A_115 = arith.muli %mul3A_114, %add3A_113 : i32
    %dma_start3A_116 = arith.constant 9 : i32
    %dma_start3A_117 = tpu.memref_slice %arg3[%mul3A_115] : memref<229376xi32, #tpu.memory_space<hbm>> -> memref<128xi32, #tpu.memory_space<hbm>>
    %dma_start3A_118 = tpu.memref_slice %arg2[%dma_start3A_116, %mul3A_109] : memref<56x4096xi32, #tpu.memory_space<hbm>> -> memref<1x128xi32, #tpu.memory_space<hbm>>
    %dma_start3A_119 = tpu.memref_squeeze %dma_start3A_118 : memref<1x128xi32, #tpu.memory_space<hbm>> -> memref<128xi32, #tpu.memory_space<hbm>>
    tpu.enqueue_dma source(%dma_start3A_119 : memref<128xi32, #tpu.memory_space<hbm>>) target(%dma_start3A_117 : memref<128xi32, #tpu.memory_space<hbm>>) target_semaphore(%arg4 : memref<!tpu.dma_semaphore, #tpu.memory_space<semaphore_mem>>)
    %mul3A_120 = arith.constant 128 : i32
    %mul3A_121 = arith.muli %mul3A_120, %add3A : i32
    %mul3A_122 = arith.constant 56 : i32
    %mul3A_123 = arith.muli %mul3A_122, %add3A : i32
    %add3A_124 = arith.constant 10 : i32
    %add3A_125 = arith.addi %mul3A_123, %add3A_124 : i32
    %mul3A_126 = arith.constant 128 : i32
    %mul3A_127 = arith.muli %mul3A_126, %add3A_125 : i32
    %dma_start3A_128 = arith.constant 10 : i32
    %dma_start3A_129 = tpu.memref_slice %arg3[%mul3A_127] : memref<229376xi32, #tpu.memory_space<hbm>> -> memref<128xi32, #tpu.memory_space<hbm>>
    %dma_start3A_130 = tpu.memref_slice %arg2[%dma_start3A_128, %mul3A_121] : memref<56x4096xi32, #tpu.memory_space<hbm>> -> memref<1x128xi32, #tpu.memory_space<hbm>>
    %dma_start3A_131 = tpu.memref_squeeze %dma_start3A_130 : memref<1x128xi32, #tpu.memory_space<hbm>> -> memref<128xi32, #tpu.memory_space<hbm>>
    tpu.enqueue_dma source(%dma_start3A_131 : memref<128xi32, #tpu.memory_space<hbm>>) target(%dma_start3A_129 : memref<128xi32, #tpu.memory_space<hbm>>) target_semaphore(%arg4 : memref<!tpu.dma_semaphore, #tpu.memory_space<semaphore_mem>>)
    %mul3A_132 = arith.constant 128 : i32
    %mul3A_133 = arith.muli %mul3A_132, %add3A : i32
    %mul3A_134 = arith.constant 56 : i32
    %mul3A_135 = arith.muli %mul3A_134, %add3A : i32
    %add3A_136 = arith.constant 11 : i32
    %add3A_137 = arith.addi %mul3A_135, %add3A_136 : i32
    %mul3A_138 = arith.constant 128 : i32
    %mul3A_139 = arith.muli %mul3A_138, %add3A_137 : i32
    %dma_start3A_140 = arith.constant 11 : i32
    %dma_start3A_141 = tpu.memref_slice %arg3[%mul3A_139] : memref<229376xi32, #tpu.memory_space<hbm>> -> memref<128xi32, #tpu.memory_space<hbm>>
    %dma_start3A_142 = tpu.memref_slice %arg2[%dma_start3A_140, %mul3A_133] : memref<56x4096xi32, #tpu.memory_space<hbm>> -> memref<1x128xi32, #tpu.memory_space<hbm>>
    %dma_start3A_143 = tpu.memref_squeeze %dma_start3A_142 : memref<1x128xi32, #tpu.memory_space<hbm>> -> memref<128xi32, #tpu.memory_space<hbm>>
    tpu.enqueue_dma source(%dma_start3A_143 : memref<128xi32, #tpu.memory_space<hbm>>) target(%dma_start3A_141 : memref<128xi32, #tpu.memory_space<hbm>>) target_semaphore(%arg4 : memref<!tpu.dma_semaphore, #tpu.memory_space<semaphore_mem>>)
    %mul3A_144 = arith.constant 128 : i32
    %mul3A_145 = arith.muli %mul3A_144, %add3A : i32
    %mul3A_146 = arith.constant 56 : i32
    %mul3A_147 = arith.muli %mul3A_146, %add3A : i32
    %add3A_148 = arith.constant 12 : i32
    %add3A_149 = arith.addi %mul3A_147, %add3A_148 : i32
    %mul3A_150 = arith.constant 128 : i32
    %mul3A_151 = arith.muli %mul3A_150, %add3A_149 : i32
    %dma_start3A_152 = arith.constant 12 : i32
    %dma_start3A_153 = tpu.memref_slice %arg3[%mul3A_151] : memref<229376xi32, #tpu.memory_space<hbm>> -> memref<128xi32, #tpu.memory_space<hbm>>
    %dma_start3A_154 = tpu.memref_slice %arg2[%dma_start3A_152, %mul3A_145] : memref<56x4096xi32, #tpu.memory_space<hbm>> -> memref<1x128xi32, #tpu.memory_space<hbm>>
    %dma_start3A_155 = tpu.memref_squeeze %dma_start3A_154 : memref<1x128xi32, #tpu.memory_space<hbm>> -> memref<128xi32, #tpu.memory_space<hbm>>
    tpu.enqueue_dma source(%dma_start3A_155 : memref<128xi32, #tpu.memory_space<hbm>>) target(%dma_start3A_153 : memref<128xi32, #tpu.memory_space<hbm>>) target_semaphore(%arg4 : memref<!tpu.dma_semaphore, #tpu.memory_space<semaphore_mem>>)
    %mul3A_156 = arith.constant 128 : i32
    %mul3A_157 = arith.muli %mul3A_156, %add3A : i32
    %mul3A_158 = arith.constant 56 : i32
    %mul3A_159 = arith.muli %mul3A_158, %add3A : i32
    %add3A_160 = arith.constant 13 : i32
    %add3A_161 = arith.addi %mul3A_159, %add3A_160 : i32
    %mul3A_162 = arith.constant 128 : i32
    %mul3A_163 = arith.muli %mul3A_162, %add3A_161 : i32
    %dma_start3A_164 = arith.constant 13 : i32
    %dma_start3A_165 = tpu.memref_slice %arg3[%mul3A_163] : memref<229376xi32, #tpu.memory_space<hbm>> -> memref<128xi32, #tpu.memory_space<hbm>>
    %dma_start3A_166 = tpu.memref_slice %arg2[%dma_start3A_164, %mul3A_157] : memref<56x4096xi32, #tpu.memory_space<hbm>> -> memref<1x128xi32, #tpu.memory_space<hbm>>
    %dma_start3A_167 = tpu.memref_squeeze %dma_start3A_166 : memref<1x128xi32, #tpu.memory_space<hbm>> -> memref<128xi32, #tpu.memory_space<hbm>>
    tpu.enqueue_dma source(%dma_start3A_167 : memref<128xi32, #tpu.memory_space<hbm>>) target(%dma_start3A_165 : memref<128xi32, #tpu.memory_space<hbm>>) target_semaphore(%arg4 : memref<!tpu.dma_semaphore, #tpu.memory_space<semaphore_mem>>)
    %mul3A_168 = arith.constant 128 : i32
    %mul3A_169 = arith.muli %mul3A_168, %add3A : i32
    %mul3A_170 = arith.constant 56 : i32
    %mul3A_171 = arith.muli %mul3A_170, %add3A : i32
    %add3A_172 = arith.constant 14 : i32
    %add3A_173 = arith.addi %mul3A_171, %add3A_172 : i32
    %mul3A_174 = arith.constant 128 : i32
    %mul3A_175 = arith.muli %mul3A_174, %add3A_173 : i32
    %dma_start3A_176 = arith.constant 14 : i32
    %dma_start3A_177 = tpu.memref_slice %arg3[%mul3A_175] : memref<229376xi32, #tpu.memory_space<hbm>> -> memref<128xi32, #tpu.memory_space<hbm>>
    %dma_start3A_178 = tpu.memref_slice %arg2[%dma_start3A_176, %mul3A_169] : memref<56x4096xi32, #tpu.memory_space<hbm>> -> memref<1x128xi32, #tpu.memory_space<hbm>>
    %dma_start3A_179 = tpu.memref_squeeze %dma_start3A_178 : memref<1x128xi32, #tpu.memory_space<hbm>> -> memref<128xi32, #tpu.memory_space<hbm>>
    tpu.enqueue_dma source(%dma_start3A_179 : memref<128xi32, #tpu.memory_space<hbm>>) target(%dma_start3A_177 : memref<128xi32, #tpu.memory_space<hbm>>) target_semaphore(%arg4 : memref<!tpu.dma_semaphore, #tpu.memory_space<semaphore_mem>>)
    %mul3A_180 = arith.constant 128 : i32
    %mul3A_181 = arith.muli %mul3A_180, %add3A : i32
    %mul3A_182 = arith.constant 56 : i32
    %mul3A_183 = arith.muli %mul3A_182, %add3A : i32
    %add3A_184 = arith.constant 15 : i32
    %add3A_185 = arith.addi %mul3A_183, %add3A_184 : i32
    %mul3A_186 = arith.constant 128 : i32
    %mul3A_187 = arith.muli %mul3A_186, %add3A_185 : i32
    %dma_start3A_188 = arith.constant 15 : i32
    %dma_start3A_189 = tpu.memref_slice %arg3[%mul3A_187] : memref<229376xi32, #tpu.memory_space<hbm>> -> memref<128xi32, #tpu.memory_space<hbm>>
    %dma_start3A_190 = tpu.memref_slice %arg2[%dma_start3A_188, %mul3A_181] : memref<56x4096xi32, #tpu.memory_space<hbm>> -> memref<1x128xi32, #tpu.memory_space<hbm>>
    %dma_start3A_191 = tpu.memref_squeeze %dma_start3A_190 : memref<1x128xi32, #tpu.memory_space<hbm>> -> memref<128xi32, #tpu.memory_space<hbm>>
    tpu.enqueue_dma source(%dma_start3A_191 : memref<128xi32, #tpu.memory_space<hbm>>) target(%dma_start3A_189 : memref<128xi32, #tpu.memory_space<hbm>>) target_semaphore(%arg4 : memref<!tpu.dma_semaphore, #tpu.memory_space<semaphore_mem>>)
    %mul3A_192 = arith.constant 128 : i32
    %mul3A_193 = arith.muli %mul3A_192, %add3A : i32
    %mul3A_194 = arith.constant 56 : i32
    %mul3A_195 = arith.muli %mul3A_194, %add3A : i32
    %add3A_196 = arith.constant 16 : i32
    %add3A_197 = arith.addi %mul3A_195, %add3A_196 : i32
    %mul3A_198 = arith.constant 128 : i32
    %mul3A_199 = arith.muli %mul3A_198, %add3A_197 : i32
    %dma_start3A_200 = arith.constant 16 : i32
    %dma_start3A_201 = tpu.memref_slice %arg3[%mul3A_199] : memref<229376xi32, #tpu.memory_space<hbm>> -> memref<128xi32, #tpu.memory_space<hbm>>
    %dma_start3A_202 = tpu.memref_slice %arg2[%dma_start3A_200, %mul3A_193] : memref<56x4096xi32, #tpu.memory_space<hbm>> -> memref<1x128xi32, #tpu.memory_space<hbm>>
    %dma_start3A_203 = tpu.memref_squeeze %dma_start3A_202 : memref<1x128xi32, #tpu.memory_space<hbm>> -> memref<128xi32, #tpu.memory_space<hbm>>
    tpu.enqueue_dma source(%dma_start3A_203 : memref<128xi32, #tpu.memory_space<hbm>>) target(%dma_start3A_201 : memref<128xi32, #tpu.memory_space<hbm>>) target_semaphore(%arg4 : memref<!tpu.dma_semaphore, #tpu.memory_space<semaphore_mem>>)
    %mul3A_204 = arith.constant 128 : i32
    %mul3A_205 = arith.muli %mul3A_204, %add3A : i32
    %mul3A_206 = arith.constant 56 : i32
    %mul3A_207 = arith.muli %mul3A_206, %add3A : i32
    %add3A_208 = arith.constant 17 : i32
    %add3A_209 = arith.addi %mul3A_207, %add3A_208 : i32
    %mul3A_210 = arith.constant 128 : i32
    %mul3A_211 = arith.muli %mul3A_210, %add3A_209 : i32
    %dma_start3A_212 = arith.constant 17 : i32
    %dma_start3A_213 = tpu.memref_slice %arg3[%mul3A_211] : memref<229376xi32, #tpu.memory_space<hbm>> -> memref<128xi32, #tpu.memory_space<hbm>>
    %dma_start3A_214 = tpu.memref_slice %arg2[%dma_start3A_212, %mul3A_205] : memref<56x4096xi32, #tpu.memory_space<hbm>> -> memref<1x128xi32, #tpu.memory_space<hbm>>
    %dma_start3A_215 = tpu.memref_squeeze %dma_start3A_214 : memref<1x128xi32, #tpu.memory_space<hbm>> -> memref<128xi32, #tpu.memory_space<hbm>>
    tpu.enqueue_dma source(%dma_start3A_215 : memref<128xi32, #tpu.memory_space<hbm>>) target(%dma_start3A_213 : memref<128xi32, #tpu.memory_space<hbm>>) target_semaphore(%arg4 : memref<!tpu.dma_semaphore, #tpu.memory_space<semaphore_mem>>)
    %mul3A_216 = arith.constant 128 : i32
    %mul3A_217 = arith.muli %mul3A_216, %add3A : i32
    %mul3A_218 = arith.constant 56 : i32
    %mul3A_219 = arith.muli %mul3A_218, %add3A : i32
    %add3A_220 = arith.constant 18 : i32
    %add3A_221 = arith.addi %mul3A_219, %add3A_220 : i32
    %mul3A_222 = arith.constant 128 : i32
    %mul3A_223 = arith.muli %mul3A_222, %add3A_221 : i32
    %dma_start3A_224 = arith.constant 18 : i32
    %dma_start3A_225 = tpu.memref_slice %arg3[%mul3A_223] : memref<229376xi32, #tpu.memory_space<hbm>> -> memref<128xi32, #tpu.memory_space<hbm>>
    %dma_start3A_226 = tpu.memref_slice %arg2[%dma_start3A_224, %mul3A_217] : memref<56x4096xi32, #tpu.memory_space<hbm>> -> memref<1x128xi32, #tpu.memory_space<hbm>>
    %dma_start3A_227 = tpu.memref_squeeze %dma_start3A_226 : memref<1x128xi32, #tpu.memory_space<hbm>> -> memref<128xi32, #tpu.memory_space<hbm>>
    tpu.enqueue_dma source(%dma_start3A_227 : memref<128xi32, #tpu.memory_space<hbm>>) target(%dma_start3A_225 : memref<128xi32, #tpu.memory_space<hbm>>) target_semaphore(%arg4 : memref<!tpu.dma_semaphore, #tpu.memory_space<semaphore_mem>>)
    %mul3A_228 = arith.constant 128 : i32
    %mul3A_229 = arith.muli %mul3A_228, %add3A : i32
    %mul3A_230 = arith.constant 56 : i32
    %mul3A_231 = arith.muli %mul3A_230, %add3A : i32
    %add3A_232 = arith.constant 19 : i32
    %add3A_233 = arith.addi %mul3A_231, %add3A_232 : i32
    %mul3A_234 = arith.constant 128 : i32
    %mul3A_235 = arith.muli %mul3A_234, %add3A_233 : i32
    %dma_start3A_236 = arith.constant 19 : i32
    %dma_start3A_237 = tpu.memref_slice %arg3[%mul3A_235] : memref<229376xi32, #tpu.memory_space<hbm>> -> memref<128xi32, #tpu.memory_space<hbm>>
    %dma_start3A_238 = tpu.memref_slice %arg2[%dma_start3A_236, %mul3A_229] : memref<56x4096xi32, #tpu.memory_space<hbm>> -> memref<1x128xi32, #tpu.memory_space<hbm>>
    %dma_start3A_239 = tpu.memref_squeeze %dma_start3A_238 : memref<1x128xi32, #tpu.memory_space<hbm>> -> memref<128xi32, #tpu.memory_space<hbm>>
    tpu.enqueue_dma source(%dma_start3A_239 : memref<128xi32, #tpu.memory_space<hbm>>) target(%dma_start3A_237 : memref<128xi32, #tpu.memory_space<hbm>>) target_semaphore(%arg4 : memref<!tpu.dma_semaphore, #tpu.memory_space<semaphore_mem>>)
    %mul3A_240 = arith.constant 128 : i32
    %mul3A_241 = arith.muli %mul3A_240, %add3A : i32
    %mul3A_242 = arith.constant 56 : i32
    %mul3A_243 = arith.muli %mul3A_242, %add3A : i32
    %add3A_244 = arith.constant 20 : i32
    %add3A_245 = arith.addi %mul3A_243, %add3A_244 : i32
    %mul3A_246 = arith.constant 128 : i32
    %mul3A_247 = arith.muli %mul3A_246, %add3A_245 : i32
    %dma_start3A_248 = arith.constant 20 : i32
    %dma_start3A_249 = tpu.memref_slice %arg3[%mul3A_247] : memref<229376xi32, #tpu.memory_space<hbm>> -> memref<128xi32, #tpu.memory_space<hbm>>
    %dma_start3A_250 = tpu.memref_slice %arg2[%dma_start3A_248, %mul3A_241] : memref<56x4096xi32, #tpu.memory_space<hbm>> -> memref<1x128xi32, #tpu.memory_space<hbm>>
    %dma_start3A_251 = tpu.memref_squeeze %dma_start3A_250 : memref<1x128xi32, #tpu.memory_space<hbm>> -> memref<128xi32, #tpu.memory_space<hbm>>
    tpu.enqueue_dma source(%dma_start3A_251 : memref<128xi32, #tpu.memory_space<hbm>>) target(%dma_start3A_249 : memref<128xi32, #tpu.memory_space<hbm>>) target_semaphore(%arg4 : memref<!tpu.dma_semaphore, #tpu.memory_space<semaphore_mem>>)
    %mul3A_252 = arith.constant 128 : i32
    %mul3A_253 = arith.muli %mul3A_252, %add3A : i32
    %mul3A_254 = arith.constant 56 : i32
    %mul3A_255 = arith.muli %mul3A_254, %add3A : i32
    %add3A_256 = arith.constant 21 : i32
    %add3A_257 = arith.addi %mul3A_255, %add3A_256 : i32
    %mul3A_258 = arith.constant 128 : i32
    %mul3A_259 = arith.muli %mul3A_258, %add3A_257 : i32
    %dma_start3A_260 = arith.constant 21 : i32
    %dma_start3A_261 = tpu.memref_slice %arg3[%mul3A_259] : memref<229376xi32, #tpu.memory_space<hbm>> -> memref<128xi32, #tpu.memory_space<hbm>>
    %dma_start3A_262 = tpu.memref_slice %arg2[%dma_start3A_260, %mul3A_253] : memref<56x4096xi32, #tpu.memory_space<hbm>> -> memref<1x128xi32, #tpu.memory_space<hbm>>
    %dma_start3A_263 = tpu.memref_squeeze %dma_start3A_262 : memref<1x128xi32, #tpu.memory_space<hbm>> -> memref<128xi32, #tpu.memory_space<hbm>>
    tpu.enqueue_dma source(%dma_start3A_263 : memref<128xi32, #tpu.memory_space<hbm>>) target(%dma_start3A_261 : memref<128xi32, #tpu.memory_space<hbm>>) target_semaphore(%arg4 : memref<!tpu.dma_semaphore, #tpu.memory_space<semaphore_mem>>)
    %mul3A_264 = arith.constant 128 : i32
    %mul3A_265 = arith.muli %mul3A_264, %add3A : i32
    %mul3A_266 = arith.constant 56 : i32
    %mul3A_267 = arith.muli %mul3A_266, %add3A : i32
    %add3A_268 = arith.constant 22 : i32
    %add3A_269 = arith.addi %mul3A_267, %add3A_268 : i32
    %mul3A_270 = arith.constant 128 : i32
    %mul3A_271 = arith.muli %mul3A_270, %add3A_269 : i32
    %dma_start3A_272 = arith.constant 22 : i32
    %dma_start3A_273 = tpu.memref_slice %arg3[%mul3A_271] : memref<229376xi32, #tpu.memory_space<hbm>> -> memref<128xi32, #tpu.memory_space<hbm>>
    %dma_start3A_274 = tpu.memref_slice %arg2[%dma_start3A_272, %mul3A_265] : memref<56x4096xi32, #tpu.memory_space<hbm>> -> memref<1x128xi32, #tpu.memory_space<hbm>>
    %dma_start3A_275 = tpu.memref_squeeze %dma_start3A_274 : memref<1x128xi32, #tpu.memory_space<hbm>> -> memref<128xi32, #tpu.memory_space<hbm>>
    tpu.enqueue_dma source(%dma_start3A_275 : memref<128xi32, #tpu.memory_space<hbm>>) target(%dma_start3A_273 : memref<128xi32, #tpu.memory_space<hbm>>) target_semaphore(%arg4 : memref<!tpu.dma_semaphore, #tpu.memory_space<semaphore_mem>>)
    %mul3A_276 = arith.constant 128 : i32
    %mul3A_277 = arith.muli %mul3A_276, %add3A : i32
    %mul3A_278 = arith.constant 56 : i32
    %mul3A_279 = arith.muli %mul3A_278, %add3A : i32
    %add3A_280 = arith.constant 23 : i32
    %add3A_281 = arith.addi %mul3A_279, %add3A_280 : i32
    %mul3A_282 = arith.constant 128 : i32
    %mul3A_283 = arith.muli %mul3A_282, %add3A_281 : i32
    %dma_start3A_284 = arith.constant 23 : i32
    %dma_start3A_285 = tpu.memref_slice %arg3[%mul3A_283] : memref<229376xi32, #tpu.memory_space<hbm>> -> memref<128xi32, #tpu.memory_space<hbm>>
    %dma_start3A_286 = tpu.memref_slice %arg2[%dma_start3A_284, %mul3A_277] : memref<56x4096xi32, #tpu.memory_space<hbm>> -> memref<1x128xi32, #tpu.memory_space<hbm>>
    %dma_start3A_287 = tpu.memref_squeeze %dma_start3A_286 : memref<1x128xi32, #tpu.memory_space<hbm>> -> memref<128xi32, #tpu.memory_space<hbm>>
    tpu.enqueue_dma source(%dma_start3A_287 : memref<128xi32, #tpu.memory_space<hbm>>) target(%dma_start3A_285 : memref<128xi32, #tpu.memory_space<hbm>>) target_semaphore(%arg4 : memref<!tpu.dma_semaphore, #tpu.memory_space<semaphore_mem>>)
    %mul3A_288 = arith.constant 128 : i32
    %mul3A_289 = arith.muli %mul3A_288, %add3A : i32
    %mul3A_290 = arith.constant 56 : i32
    %mul3A_291 = arith.muli %mul3A_290, %add3A : i32
    %add3A_292 = arith.constant 24 : i32
    %add3A_293 = arith.addi %mul3A_291, %add3A_292 : i32
    %mul3A_294 = arith.constant 128 : i32
    %mul3A_295 = arith.muli %mul3A_294, %add3A_293 : i32
    %dma_start3A_296 = arith.constant 24 : i32
    %dma_start3A_297 = tpu.memref_slice %arg3[%mul3A_295] : memref<229376xi32, #tpu.memory_space<hbm>> -> memref<128xi32, #tpu.memory_space<hbm>>
    %dma_start3A_298 = tpu.memref_slice %arg2[%dma_start3A_296, %mul3A_289] : memref<56x4096xi32, #tpu.memory_space<hbm>> -> memref<1x128xi32, #tpu.memory_space<hbm>>
    %dma_start3A_299 = tpu.memref_squeeze %dma_start3A_298 : memref<1x128xi32, #tpu.memory_space<hbm>> -> memref<128xi32, #tpu.memory_space<hbm>>
    tpu.enqueue_dma source(%dma_start3A_299 : memref<128xi32, #tpu.memory_space<hbm>>) target(%dma_start3A_297 : memref<128xi32, #tpu.memory_space<hbm>>) target_semaphore(%arg4 : memref<!tpu.dma_semaphore, #tpu.memory_space<semaphore_mem>>)
    %mul3A_300 = arith.constant 128 : i32
    %mul3A_301 = arith.muli %mul3A_300, %add3A : i32
    %mul3A_302 = arith.constant 56 : i32
    %mul3A_303 = arith.muli %mul3A_302, %add3A : i32
    %add3A_304 = arith.constant 25 : i32
    %add3A_305 = arith.addi %mul3A_303, %add3A_304 : i32
    %mul3A_306 = arith.constant 128 : i32
    %mul3A_307 = arith.muli %mul3A_306, %add3A_305 : i32
    %dma_start3A_308 = arith.constant 25 : i32
    %dma_start3A_309 = tpu.memref_slice %arg3[%mul3A_307] : memref<229376xi32, #tpu.memory_space<hbm>> -> memref<128xi32, #tpu.memory_space<hbm>>
    %dma_start3A_310 = tpu.memref_slice %arg2[%dma_start3A_308, %mul3A_301] : memref<56x4096xi32, #tpu.memory_space<hbm>> -> memref<1x128xi32, #tpu.memory_space<hbm>>
    %dma_start3A_311 = tpu.memref_squeeze %dma_start3A_310 : memref<1x128xi32, #tpu.memory_space<hbm>> -> memref<128xi32, #tpu.memory_space<hbm>>
    tpu.enqueue_dma source(%dma_start3A_311 : memref<128xi32, #tpu.memory_space<hbm>>) target(%dma_start3A_309 : memref<128xi32, #tpu.memory_space<hbm>>) target_semaphore(%arg4 : memref<!tpu.dma_semaphore, #tpu.memory_space<semaphore_mem>>)
    %mul3A_312 = arith.constant 128 : i32
    %mul3A_313 = arith.muli %mul3A_312, %add3A : i32
    %mul3A_314 = arith.constant 56 : i32
    %mul3A_315 = arith.muli %mul3A_314, %add3A : i32
    %add3A_316 = arith.constant 26 : i32
    %add3A_317 = arith.addi %mul3A_315, %add3A_316 : i32
    %mul3A_318 = arith.constant 128 : i32
    %mul3A_319 = arith.muli %mul3A_318, %add3A_317 : i32
    %dma_start3A_320 = arith.constant 26 : i32
    %dma_start3A_321 = tpu.memref_slice %arg3[%mul3A_319] : memref<229376xi32, #tpu.memory_space<hbm>> -> memref<128xi32, #tpu.memory_space<hbm>>
    %dma_start3A_322 = tpu.memref_slice %arg2[%dma_start3A_320, %mul3A_313] : memref<56x4096xi32, #tpu.memory_space<hbm>> -> memref<1x128xi32, #tpu.memory_space<hbm>>
    %dma_start3A_323 = tpu.memref_squeeze %dma_start3A_322 : memref<1x128xi32, #tpu.memory_space<hbm>> -> memref<128xi32, #tpu.memory_space<hbm>>
    tpu.enqueue_dma source(%dma_start3A_323 : memref<128xi32, #tpu.memory_space<hbm>>) target(%dma_start3A_321 : memref<128xi32, #tpu.memory_space<hbm>>) target_semaphore(%arg4 : memref<!tpu.dma_semaphore, #tpu.memory_space<semaphore_mem>>)
    %mul3A_324 = arith.constant 128 : i32
    %mul3A_325 = arith.muli %mul3A_324, %add3A : i32
    %mul3A_326 = arith.constant 56 : i32
    %mul3A_327 = arith.muli %mul3A_326, %add3A : i32
    %add3A_328 = arith.constant 27 : i32
    %add3A_329 = arith.addi %mul3A_327, %add3A_328 : i32
    %mul3A_330 = arith.constant 128 : i32
    %mul3A_331 = arith.muli %mul3A_330, %add3A_329 : i32
    %dma_start3A_332 = arith.constant 27 : i32
    %dma_start3A_333 = tpu.memref_slice %arg3[%mul3A_331] : memref<229376xi32, #tpu.memory_space<hbm>> -> memref<128xi32, #tpu.memory_space<hbm>>
    %dma_start3A_334 = tpu.memref_slice %arg2[%dma_start3A_332, %mul3A_325] : memref<56x4096xi32, #tpu.memory_space<hbm>> -> memref<1x128xi32, #tpu.memory_space<hbm>>
    %dma_start3A_335 = tpu.memref_squeeze %dma_start3A_334 : memref<1x128xi32, #tpu.memory_space<hbm>> -> memref<128xi32, #tpu.memory_space<hbm>>
    tpu.enqueue_dma source(%dma_start3A_335 : memref<128xi32, #tpu.memory_space<hbm>>) target(%dma_start3A_333 : memref<128xi32, #tpu.memory_space<hbm>>) target_semaphore(%arg4 : memref<!tpu.dma_semaphore, #tpu.memory_space<semaphore_mem>>)
    %mul3A_336 = arith.constant 128 : i32
    %mul3A_337 = arith.muli %mul3A_336, %add3A : i32
    %mul3A_338 = arith.constant 56 : i32
    %mul3A_339 = arith.muli %mul3A_338, %add3A : i32
    %add3A_340 = arith.constant 28 : i32
    %add3A_341 = arith.addi %mul3A_339, %add3A_340 : i32
    %mul3A_342 = arith.constant 128 : i32
    %mul3A_343 = arith.muli %mul3A_342, %add3A_341 : i32
    %dma_start3A_344 = arith.constant 28 : i32
    %dma_start3A_345 = tpu.memref_slice %arg3[%mul3A_343] : memref<229376xi32, #tpu.memory_space<hbm>> -> memref<128xi32, #tpu.memory_space<hbm>>
    %dma_start3A_346 = tpu.memref_slice %arg2[%dma_start3A_344, %mul3A_337] : memref<56x4096xi32, #tpu.memory_space<hbm>> -> memref<1x128xi32, #tpu.memory_space<hbm>>
    %dma_start3A_347 = tpu.memref_squeeze %dma_start3A_346 : memref<1x128xi32, #tpu.memory_space<hbm>> -> memref<128xi32, #tpu.memory_space<hbm>>
    tpu.enqueue_dma source(%dma_start3A_347 : memref<128xi32, #tpu.memory_space<hbm>>) target(%dma_start3A_345 : memref<128xi32, #tpu.memory_space<hbm>>) target_semaphore(%arg4 : memref<!tpu.dma_semaphore, #tpu.memory_space<semaphore_mem>>)
    %mul3A_348 = arith.constant 128 : i32
    %mul3A_349 = arith.muli %mul3A_348, %add3A : i32
    %mul3A_350 = arith.constant 56 : i32
    %mul3A_351 = arith.muli %mul3A_350, %add3A : i32
    %add3A_352 = arith.constant 29 : i32
    %add3A_353 = arith.addi %mul3A_351, %add3A_352 : i32
    %mul3A_354 = arith.constant 128 : i32
    %mul3A_355 = arith.muli %mul3A_354, %add3A_353 : i32
    %dma_start3A_356 = arith.constant 29 : i32
    %dma_start3A_357 = tpu.memref_slice %arg3[%mul3A_355] : memref<229376xi32, #tpu.memory_space<hbm>> -> memref<128xi32, #tpu.memory_space<hbm>>
    %dma_start3A_358 = tpu.memref_slice %arg2[%dma_start3A_356, %mul3A_349] : memref<56x4096xi32, #tpu.memory_space<hbm>> -> memref<1x128xi32, #tpu.memory_space<hbm>>
    %dma_start3A_359 = tpu.memref_squeeze %dma_start3A_358 : memref<1x128xi32, #tpu.memory_space<hbm>> -> memref<128xi32, #tpu.memory_space<hbm>>
    tpu.enqueue_dma source(%dma_start3A_359 : memref<128xi32, #tpu.memory_space<hbm>>) target(%dma_start3A_357 : memref<128xi32, #tpu.memory_space<hbm>>) target_semaphore(%arg4 : memref<!tpu.dma_semaphore, #tpu.memory_space<semaphore_mem>>)
    %mul3A_360 = arith.constant 128 : i32
    %mul3A_361 = arith.muli %mul3A_360, %add3A : i32
    %mul3A_362 = arith.constant 56 : i32
    %mul3A_363 = arith.muli %mul3A_362, %add3A : i32
    %add3A_364 = arith.constant 30 : i32
    %add3A_365 = arith.addi %mul3A_363, %add3A_364 : i32
    %mul3A_366 = arith.constant 128 : i32
    %mul3A_367 = arith.muli %mul3A_366, %add3A_365 : i32
    %dma_start3A_368 = arith.constant 30 : i32
    %dma_start3A_369 = tpu.memref_slice %arg3[%mul3A_367] : memref<229376xi32, #tpu.memory_space<hbm>> -> memref<128xi32, #tpu.memory_space<hbm>>
    %dma_start3A_370 = tpu.memref_slice %arg2[%dma_start3A_368, %mul3A_361] : memref<56x4096xi32, #tpu.memory_space<hbm>> -> memref<1x128xi32, #tpu.memory_space<hbm>>
    %dma_start3A_371 = tpu.memref_squeeze %dma_start3A_370 : memref<1x128xi32, #tpu.memory_space<hbm>> -> memref<128xi32, #tpu.memory_space<hbm>>
    tpu.enqueue_dma source(%dma_start3A_371 : memref<128xi32, #tpu.memory_space<hbm>>) target(%dma_start3A_369 : memref<128xi32, #tpu.memory_space<hbm>>) target_semaphore(%arg4 : memref<!tpu.dma_semaphore, #tpu.memory_space<semaphore_mem>>)
    %mul3A_372 = arith.constant 128 : i32
    %mul3A_373 = arith.muli %mul3A_372, %add3A : i32
    %mul3A_374 = arith.constant 56 : i32
    %mul3A_375 = arith.muli %mul3A_374, %add3A : i32
    %add3A_376 = arith.constant 31 : i32
    %add3A_377 = arith.addi %mul3A_375, %add3A_376 : i32
    %mul3A_378 = arith.constant 128 : i32
    %mul3A_379 = arith.muli %mul3A_378, %add3A_377 : i32
    %dma_start3A_380 = arith.constant 31 : i32
    %dma_start3A_381 = tpu.memref_slice %arg3[%mul3A_379] : memref<229376xi32, #tpu.memory_space<hbm>> -> memref<128xi32, #tpu.memory_space<hbm>>
    %dma_start3A_382 = tpu.memref_slice %arg2[%dma_start3A_380, %mul3A_373] : memref<56x4096xi32, #tpu.memory_space<hbm>> -> memref<1x128xi32, #tpu.memory_space<hbm>>
    %dma_start3A_383 = tpu.memref_squeeze %dma_start3A_382 : memref<1x128xi32, #tpu.memory_space<hbm>> -> memref<128xi32, #tpu.memory_space<hbm>>
    tpu.enqueue_dma source(%dma_start3A_383 : memref<128xi32, #tpu.memory_space<hbm>>) target(%dma_start3A_381 : memref<128xi32, #tpu.memory_space<hbm>>) target_semaphore(%arg4 : memref<!tpu.dma_semaphore, #tpu.memory_space<semaphore_mem>>)
    %mul3A_384 = arith.constant 128 : i32
    %mul3A_385 = arith.muli %mul3A_384, %add3A : i32
    %mul3A_386 = arith.constant 56 : i32
    %mul3A_387 = arith.muli %mul3A_386, %add3A : i32
    %add3A_388 = arith.constant 32 : i32
    %add3A_389 = arith.addi %mul3A_387, %add3A_388 : i32
    %mul3A_390 = arith.constant 128 : i32
    %mul3A_391 = arith.muli %mul3A_390, %add3A_389 : i32
    %dma_start3A_392 = arith.constant 32 : i32
    %dma_start3A_393 = tpu.memref_slice %arg3[%mul3A_391] : memref<229376xi32, #tpu.memory_space<hbm>> -> memref<128xi32, #tpu.memory_space<hbm>>
    %dma_start3A_394 = tpu.memref_slice %arg2[%dma_start3A_392, %mul3A_385] : memref<56x4096xi32, #tpu.memory_space<hbm>> -> memref<1x128xi32, #tpu.memory_space<hbm>>
    %dma_start3A_395 = tpu.memref_squeeze %dma_start3A_394 : memref<1x128xi32, #tpu.memory_space<hbm>> -> memref<128xi32, #tpu.memory_space<hbm>>
    tpu.enqueue_dma source(%dma_start3A_395 : memref<128xi32, #tpu.memory_space<hbm>>) target(%dma_start3A_393 : memref<128xi32, #tpu.memory_space<hbm>>) target_semaphore(%arg4 : memref<!tpu.dma_semaphore, #tpu.memory_space<semaphore_mem>>)
    %mul3A_396 = arith.constant 128 : i32
    %mul3A_397 = arith.muli %mul3A_396, %add3A : i32
    %mul3A_398 = arith.constant 56 : i32
    %mul3A_399 = arith.muli %mul3A_398, %add3A : i32
    %add3A_400 = arith.constant 33 : i32
    %add3A_401 = arith.addi %mul3A_399, %add3A_400 : i32
    %mul3A_402 = arith.constant 128 : i32
    %mul3A_403 = arith.muli %mul3A_402, %add3A_401 : i32
    %dma_start3A_404 = arith.constant 33 : i32
    %dma_start3A_405 = tpu.memref_slice %arg3[%mul3A_403] : memref<229376xi32, #tpu.memory_space<hbm>> -> memref<128xi32, #tpu.memory_space<hbm>>
    %dma_start3A_406 = tpu.memref_slice %arg2[%dma_start3A_404, %mul3A_397] : memref<56x4096xi32, #tpu.memory_space<hbm>> -> memref<1x128xi32, #tpu.memory_space<hbm>>
    %dma_start3A_407 = tpu.memref_squeeze %dma_start3A_406 : memref<1x128xi32, #tpu.memory_space<hbm>> -> memref<128xi32, #tpu.memory_space<hbm>>
    tpu.enqueue_dma source(%dma_start3A_407 : memref<128xi32, #tpu.memory_space<hbm>>) target(%dma_start3A_405 : memref<128xi32, #tpu.memory_space<hbm>>) target_semaphore(%arg4 : memref<!tpu.dma_semaphore, #tpu.memory_space<semaphore_mem>>)
    %mul3A_408 = arith.constant 128 : i32
    %mul3A_409 = arith.muli %mul3A_408, %add3A : i32
    %mul3A_410 = arith.constant 56 : i32
    %mul3A_411 = arith.muli %mul3A_410, %add3A : i32
    %add3A_412 = arith.constant 34 : i32
    %add3A_413 = arith.addi %mul3A_411, %add3A_412 : i32
    %mul3A_414 = arith.constant 128 : i32
    %mul3A_415 = arith.muli %mul3A_414, %add3A_413 : i32
    %dma_start3A_416 = arith.constant 34 : i32
    %dma_start3A_417 = tpu.memref_slice %arg3[%mul3A_415] : memref<229376xi32, #tpu.memory_space<hbm>> -> memref<128xi32, #tpu.memory_space<hbm>>
    %dma_start3A_418 = tpu.memref_slice %arg2[%dma_start3A_416, %mul3A_409] : memref<56x4096xi32, #tpu.memory_space<hbm>> -> memref<1x128xi32, #tpu.memory_space<hbm>>
    %dma_start3A_419 = tpu.memref_squeeze %dma_start3A_418 : memref<1x128xi32, #tpu.memory_space<hbm>> -> memref<128xi32, #tpu.memory_space<hbm>>
    tpu.enqueue_dma source(%dma_start3A_419 : memref<128xi32, #tpu.memory_space<hbm>>) target(%dma_start3A_417 : memref<128xi32, #tpu.memory_space<hbm>>) target_semaphore(%arg4 : memref<!tpu.dma_semaphore, #tpu.memory_space<semaphore_mem>>)
    %mul3A_420 = arith.constant 128 : i32
    %mul3A_421 = arith.muli %mul3A_420, %add3A : i32
    %mul3A_422 = arith.constant 56 : i32
    %mul3A_423 = arith.muli %mul3A_422, %add3A : i32
    %add3A_424 = arith.constant 35 : i32
    %add3A_425 = arith.addi %mul3A_423, %add3A_424 : i32
    %mul3A_426 = arith.constant 128 : i32
    %mul3A_427 = arith.muli %mul3A_426, %add3A_425 : i32
    %dma_start3A_428 = arith.constant 35 : i32
    %dma_start3A_429 = tpu.memref_slice %arg3[%mul3A_427] : memref<229376xi32, #tpu.memory_space<hbm>> -> memref<128xi32, #tpu.memory_space<hbm>>
    %dma_start3A_430 = tpu.memref_slice %arg2[%dma_start3A_428, %mul3A_421] : memref<56x4096xi32, #tpu.memory_space<hbm>> -> memref<1x128xi32, #tpu.memory_space<hbm>>
    %dma_start3A_431 = tpu.memref_squeeze %dma_start3A_430 : memref<1x128xi32, #tpu.memory_space<hbm>> -> memref<128xi32, #tpu.memory_space<hbm>>
    tpu.enqueue_dma source(%dma_start3A_431 : memref<128xi32, #tpu.memory_space<hbm>>) target(%dma_start3A_429 : memref<128xi32, #tpu.memory_space<hbm>>) target_semaphore(%arg4 : memref<!tpu.dma_semaphore, #tpu.memory_space<semaphore_mem>>)
    %mul3A_432 = arith.constant 128 : i32
    %mul3A_433 = arith.muli %mul3A_432, %add3A : i32
    %mul3A_434 = arith.constant 56 : i32
    %mul3A_435 = arith.muli %mul3A_434, %add3A : i32
    %add3A_436 = arith.constant 36 : i32
    %add3A_437 = arith.addi %mul3A_435, %add3A_436 : i32
    %mul3A_438 = arith.constant 128 : i32
    %mul3A_439 = arith.muli %mul3A_438, %add3A_437 : i32
    %dma_start3A_440 = arith.constant 36 : i32
    %dma_start3A_441 = tpu.memref_slice %arg3[%mul3A_439] : memref<229376xi32, #tpu.memory_space<hbm>> -> memref<128xi32, #tpu.memory_space<hbm>>
    %dma_start3A_442 = tpu.memref_slice %arg2[%dma_start3A_440, %mul3A_433] : memref<56x4096xi32, #tpu.memory_space<hbm>> -> memref<1x128xi32, #tpu.memory_space<hbm>>
    %dma_start3A_443 = tpu.memref_squeeze %dma_start3A_442 : memref<1x128xi32, #tpu.memory_space<hbm>> -> memref<128xi32, #tpu.memory_space<hbm>>
    tpu.enqueue_dma source(%dma_start3A_443 : memref<128xi32, #tpu.memory_space<hbm>>) target(%dma_start3A_441 : memref<128xi32, #tpu.memory_space<hbm>>) target_semaphore(%arg4 : memref<!tpu.dma_semaphore, #tpu.memory_space<semaphore_mem>>)
    %mul3A_444 = arith.constant 128 : i32
    %mul3A_445 = arith.muli %mul3A_444, %add3A : i32
    %mul3A_446 = arith.constant 56 : i32
    %mul3A_447 = arith.muli %mul3A_446, %add3A : i32
    %add3A_448 = arith.constant 37 : i32
    %add3A_449 = arith.addi %mul3A_447, %add3A_448 : i32
    %mul3A_450 = arith.constant 128 : i32
    %mul3A_451 = arith.muli %mul3A_450, %add3A_449 : i32
    %dma_start3A_452 = arith.constant 37 : i32
    %dma_start3A_453 = tpu.memref_slice %arg3[%mul3A_451] : memref<229376xi32, #tpu.memory_space<hbm>> -> memref<128xi32, #tpu.memory_space<hbm>>
    %dma_start3A_454 = tpu.memref_slice %arg2[%dma_start3A_452, %mul3A_445] : memref<56x4096xi32, #tpu.memory_space<hbm>> -> memref<1x128xi32, #tpu.memory_space<hbm>>
    %dma_start3A_455 = tpu.memref_squeeze %dma_start3A_454 : memref<1x128xi32, #tpu.memory_space<hbm>> -> memref<128xi32, #tpu.memory_space<hbm>>
    tpu.enqueue_dma source(%dma_start3A_455 : memref<128xi32, #tpu.memory_space<hbm>>) target(%dma_start3A_453 : memref<128xi32, #tpu.memory_space<hbm>>) target_semaphore(%arg4 : memref<!tpu.dma_semaphore, #tpu.memory_space<semaphore_mem>>)
    %mul3A_456 = arith.constant 128 : i32
    %mul3A_457 = arith.muli %mul3A_456, %add3A : i32
    %mul3A_458 = arith.constant 56 : i32
    %mul3A_459 = arith.muli %mul3A_458, %add3A : i32
    %add3A_460 = arith.constant 38 : i32
    %add3A_461 = arith.addi %mul3A_459, %add3A_460 : i32
    %mul3A_462 = arith.constant 128 : i32
    %mul3A_463 = arith.muli %mul3A_462, %add3A_461 : i32
    %dma_start3A_464 = arith.constant 38 : i32
    %dma_start3A_465 = tpu.memref_slice %arg3[%mul3A_463] : memref<229376xi32, #tpu.memory_space<hbm>> -> memref<128xi32, #tpu.memory_space<hbm>>
    %dma_start3A_466 = tpu.memref_slice %arg2[%dma_start3A_464, %mul3A_457] : memref<56x4096xi32, #tpu.memory_space<hbm>> -> memref<1x128xi32, #tpu.memory_space<hbm>>
    %dma_start3A_467 = tpu.memref_squeeze %dma_start3A_466 : memref<1x128xi32, #tpu.memory_space<hbm>> -> memref<128xi32, #tpu.memory_space<hbm>>
    tpu.enqueue_dma source(%dma_start3A_467 : memref<128xi32, #tpu.memory_space<hbm>>) target(%dma_start3A_465 : memref<128xi32, #tpu.memory_space<hbm>>) target_semaphore(%arg4 : memref<!tpu.dma_semaphore, #tpu.memory_space<semaphore_mem>>)
    %mul3A_468 = arith.constant 128 : i32
    %mul3A_469 = arith.muli %mul3A_468, %add3A : i32
    %mul3A_470 = arith.constant 56 : i32
    %mul3A_471 = arith.muli %mul3A_470, %add3A : i32
    %add3A_472 = arith.constant 39 : i32
    %add3A_473 = arith.addi %mul3A_471, %add3A_472 : i32
    %mul3A_474 = arith.constant 128 : i32
    %mul3A_475 = arith.muli %mul3A_474, %add3A_473 : i32
    %dma_start3A_476 = arith.constant 39 : i32
    %dma_start3A_477 = tpu.memref_slice %arg3[%mul3A_475] : memref<229376xi32, #tpu.memory_space<hbm>> -> memref<128xi32, #tpu.memory_space<hbm>>
    %dma_start3A_478 = tpu.memref_slice %arg2[%dma_start3A_476, %mul3A_469] : memref<56x4096xi32, #tpu.memory_space<hbm>> -> memref<1x128xi32, #tpu.memory_space<hbm>>
    %dma_start3A_479 = tpu.memref_squeeze %dma_start3A_478 : memref<1x128xi32, #tpu.memory_space<hbm>> -> memref<128xi32, #tpu.memory_space<hbm>>
    tpu.enqueue_dma source(%dma_start3A_479 : memref<128xi32, #tpu.memory_space<hbm>>) target(%dma_start3A_477 : memref<128xi32, #tpu.memory_space<hbm>>) target_semaphore(%arg4 : memref<!tpu.dma_semaphore, #tpu.memory_space<semaphore_mem>>)
    %mul3A_480 = arith.constant 128 : i32
    %mul3A_481 = arith.muli %mul3A_480, %add3A : i32
    %mul3A_482 = arith.constant 56 : i32
    %mul3A_483 = arith.muli %mul3A_482, %add3A : i32
    %add3A_484 = arith.constant 40 : i32
    %add3A_485 = arith.addi %mul3A_483, %add3A_484 : i32
    %mul3A_486 = arith.constant 128 : i32
    %mul3A_487 = arith.muli %mul3A_486, %add3A_485 : i32
    %dma_start3A_488 = arith.constant 40 : i32
    %dma_start3A_489 = tpu.memref_slice %arg3[%mul3A_487] : memref<229376xi32, #tpu.memory_space<hbm>> -> memref<128xi32, #tpu.memory_space<hbm>>
    %dma_start3A_490 = tpu.memref_slice %arg2[%dma_start3A_488, %mul3A_481] : memref<56x4096xi32, #tpu.memory_space<hbm>> -> memref<1x128xi32, #tpu.memory_space<hbm>>
    %dma_start3A_491 = tpu.memref_squeeze %dma_start3A_490 : memref<1x128xi32, #tpu.memory_space<hbm>> -> memref<128xi32, #tpu.memory_space<hbm>>
    tpu.enqueue_dma source(%dma_start3A_491 : memref<128xi32, #tpu.memory_space<hbm>>) target(%dma_start3A_489 : memref<128xi32, #tpu.memory_space<hbm>>) target_semaphore(%arg4 : memref<!tpu.dma_semaphore, #tpu.memory_space<semaphore_mem>>)
    %mul3A_492 = arith.constant 128 : i32
    %mul3A_493 = arith.muli %mul3A_492, %add3A : i32
    %mul3A_494 = arith.constant 56 : i32
    %mul3A_495 = arith.muli %mul3A_494, %add3A : i32
    %add3A_496 = arith.constant 41 : i32
    %add3A_497 = arith.addi %mul3A_495, %add3A_496 : i32
    %mul3A_498 = arith.constant 128 : i32
    %mul3A_499 = arith.muli %mul3A_498, %add3A_497 : i32
    %dma_start3A_500 = arith.constant 41 : i32
    %dma_start3A_501 = tpu.memref_slice %arg3[%mul3A_499] : memref<229376xi32, #tpu.memory_space<hbm>> -> memref<128xi32, #tpu.memory_space<hbm>>
    %dma_start3A_502 = tpu.memref_slice %arg2[%dma_start3A_500, %mul3A_493] : memref<56x4096xi32, #tpu.memory_space<hbm>> -> memref<1x128xi32, #tpu.memory_space<hbm>>
    %dma_start3A_503 = tpu.memref_squeeze %dma_start3A_502 : memref<1x128xi32, #tpu.memory_space<hbm>> -> memref<128xi32, #tpu.memory_space<hbm>>
    tpu.enqueue_dma source(%dma_start3A_503 : memref<128xi32, #tpu.memory_space<hbm>>) target(%dma_start3A_501 : memref<128xi32, #tpu.memory_space<hbm>>) target_semaphore(%arg4 : memref<!tpu.dma_semaphore, #tpu.memory_space<semaphore_mem>>)
    %mul3A_504 = arith.constant 128 : i32
    %mul3A_505 = arith.muli %mul3A_504, %add3A : i32
    %mul3A_506 = arith.constant 56 : i32
    %mul3A_507 = arith.muli %mul3A_506, %add3A : i32
    %add3A_508 = arith.constant 42 : i32
    %add3A_509 = arith.addi %mul3A_507, %add3A_508 : i32
    %mul3A_510 = arith.constant 128 : i32
    %mul3A_511 = arith.muli %mul3A_510, %add3A_509 : i32
    %dma_start3A_512 = arith.constant 42 : i32
    %dma_start3A_513 = tpu.memref_slice %arg3[%mul3A_511] : memref<229376xi32, #tpu.memory_space<hbm>> -> memref<128xi32, #tpu.memory_space<hbm>>
    %dma_start3A_514 = tpu.memref_slice %arg2[%dma_start3A_512, %mul3A_505] : memref<56x4096xi32, #tpu.memory_space<hbm>> -> memref<1x128xi32, #tpu.memory_space<hbm>>
    %dma_start3A_515 = tpu.memref_squeeze %dma_start3A_514 : memref<1x128xi32, #tpu.memory_space<hbm>> -> memref<128xi32, #tpu.memory_space<hbm>>
    tpu.enqueue_dma source(%dma_start3A_515 : memref<128xi32, #tpu.memory_space<hbm>>) target(%dma_start3A_513 : memref<128xi32, #tpu.memory_space<hbm>>) target_semaphore(%arg4 : memref<!tpu.dma_semaphore, #tpu.memory_space<semaphore_mem>>)
    %mul3A_516 = arith.constant 128 : i32
    %mul3A_517 = arith.muli %mul3A_516, %add3A : i32
    %mul3A_518 = arith.constant 56 : i32
    %mul3A_519 = arith.muli %mul3A_518, %add3A : i32
    %add3A_520 = arith.constant 43 : i32
    %add3A_521 = arith.addi %mul3A_519, %add3A_520 : i32
    %mul3A_522 = arith.constant 128 : i32
    %mul3A_523 = arith.muli %mul3A_522, %add3A_521 : i32
    %dma_start3A_524 = arith.constant 43 : i32
    %dma_start3A_525 = tpu.memref_slice %arg3[%mul3A_523] : memref<229376xi32, #tpu.memory_space<hbm>> -> memref<128xi32, #tpu.memory_space<hbm>>
    %dma_start3A_526 = tpu.memref_slice %arg2[%dma_start3A_524, %mul3A_517] : memref<56x4096xi32, #tpu.memory_space<hbm>> -> memref<1x128xi32, #tpu.memory_space<hbm>>
    %dma_start3A_527 = tpu.memref_squeeze %dma_start3A_526 : memref<1x128xi32, #tpu.memory_space<hbm>> -> memref<128xi32, #tpu.memory_space<hbm>>
    tpu.enqueue_dma source(%dma_start3A_527 : memref<128xi32, #tpu.memory_space<hbm>>) target(%dma_start3A_525 : memref<128xi32, #tpu.memory_space<hbm>>) target_semaphore(%arg4 : memref<!tpu.dma_semaphore, #tpu.memory_space<semaphore_mem>>)
    %mul3A_528 = arith.constant 128 : i32
    %mul3A_529 = arith.muli %mul3A_528, %add3A : i32
    %mul3A_530 = arith.constant 56 : i32
    %mul3A_531 = arith.muli %mul3A_530, %add3A : i32
    %add3A_532 = arith.constant 44 : i32
    %add3A_533 = arith.addi %mul3A_531, %add3A_532 : i32
    %mul3A_534 = arith.constant 128 : i32
    %mul3A_535 = arith.muli %mul3A_534, %add3A_533 : i32
    %dma_start3A_536 = arith.constant 44 : i32
    %dma_start3A_537 = tpu.memref_slice %arg3[%mul3A_535] : memref<229376xi32, #tpu.memory_space<hbm>> -> memref<128xi32, #tpu.memory_space<hbm>>
    %dma_start3A_538 = tpu.memref_slice %arg2[%dma_start3A_536, %mul3A_529] : memref<56x4096xi32, #tpu.memory_space<hbm>> -> memref<1x128xi32, #tpu.memory_space<hbm>>
    %dma_start3A_539 = tpu.memref_squeeze %dma_start3A_538 : memref<1x128xi32, #tpu.memory_space<hbm>> -> memref<128xi32, #tpu.memory_space<hbm>>
    tpu.enqueue_dma source(%dma_start3A_539 : memref<128xi32, #tpu.memory_space<hbm>>) target(%dma_start3A_537 : memref<128xi32, #tpu.memory_space<hbm>>) target_semaphore(%arg4 : memref<!tpu.dma_semaphore, #tpu.memory_space<semaphore_mem>>)
    %mul3A_540 = arith.constant 128 : i32
    %mul3A_541 = arith.muli %mul3A_540, %add3A : i32
    %mul3A_542 = arith.constant 56 : i32
    %mul3A_543 = arith.muli %mul3A_542, %add3A : i32
    %add3A_544 = arith.constant 45 : i32
    %add3A_545 = arith.addi %mul3A_543, %add3A_544 : i32
    %mul3A_546 = arith.constant 128 : i32
    %mul3A_547 = arith.muli %mul3A_546, %add3A_545 : i32
    %dma_start3A_548 = arith.constant 45 : i32
    %dma_start3A_549 = tpu.memref_slice %arg3[%mul3A_547] : memref<229376xi32, #tpu.memory_space<hbm>> -> memref<128xi32, #tpu.memory_space<hbm>>
    %dma_start3A_550 = tpu.memref_slice %arg2[%dma_start3A_548, %mul3A_541] : memref<56x4096xi32, #tpu.memory_space<hbm>> -> memref<1x128xi32, #tpu.memory_space<hbm>>
    %dma_start3A_551 = tpu.memref_squeeze %dma_start3A_550 : memref<1x128xi32, #tpu.memory_space<hbm>> -> memref<128xi32, #tpu.memory_space<hbm>>
    tpu.enqueue_dma source(%dma_start3A_551 : memref<128xi32, #tpu.memory_space<hbm>>) target(%dma_start3A_549 : memref<128xi32, #tpu.memory_space<hbm>>) target_semaphore(%arg4 : memref<!tpu.dma_semaphore, #tpu.memory_space<semaphore_mem>>)
    %mul3A_552 = arith.constant 128 : i32
    %mul3A_553 = arith.muli %mul3A_552, %add3A : i32
    %mul3A_554 = arith.constant 56 : i32
    %mul3A_555 = arith.muli %mul3A_554, %add3A : i32
    %add3A_556 = arith.constant 46 : i32
    %add3A_557 = arith.addi %mul3A_555, %add3A_556 : i32
    %mul3A_558 = arith.constant 128 : i32
    %mul3A_559 = arith.muli %mul3A_558, %add3A_557 : i32
    %dma_start3A_560 = arith.constant 46 : i32
    %dma_start3A_561 = tpu.memref_slice %arg3[%mul3A_559] : memref<229376xi32, #tpu.memory_space<hbm>> -> memref<128xi32, #tpu.memory_space<hbm>>
    %dma_start3A_562 = tpu.memref_slice %arg2[%dma_start3A_560, %mul3A_553] : memref<56x4096xi32, #tpu.memory_space<hbm>> -> memref<1x128xi32, #tpu.memory_space<hbm>>
    %dma_start3A_563 = tpu.memref_squeeze %dma_start3A_562 : memref<1x128xi32, #tpu.memory_space<hbm>> -> memref<128xi32, #tpu.memory_space<hbm>>
    tpu.enqueue_dma source(%dma_start3A_563 : memref<128xi32, #tpu.memory_space<hbm>>) target(%dma_start3A_561 : memref<128xi32, #tpu.memory_space<hbm>>) target_semaphore(%arg4 : memref<!tpu.dma_semaphore, #tpu.memory_space<semaphore_mem>>)
    %mul3A_564 = arith.constant 128 : i32
    %mul3A_565 = arith.muli %mul3A_564, %add3A : i32
    %mul3A_566 = arith.constant 56 : i32
    %mul3A_567 = arith.muli %mul3A_566, %add3A : i32
    %add3A_568 = arith.constant 47 : i32
    %add3A_569 = arith.addi %mul3A_567, %add3A_568 : i32
    %mul3A_570 = arith.constant 128 : i32
    %mul3A_571 = arith.muli %mul3A_570, %add3A_569 : i32
    %dma_start3A_572 = arith.constant 47 : i32
    %dma_start3A_573 = tpu.memref_slice %arg3[%mul3A_571] : memref<229376xi32, #tpu.memory_space<hbm>> -> memref<128xi32, #tpu.memory_space<hbm>>
    %dma_start3A_574 = tpu.memref_slice %arg2[%dma_start3A_572, %mul3A_565] : memref<56x4096xi32, #tpu.memory_space<hbm>> -> memref<1x128xi32, #tpu.memory_space<hbm>>
    %dma_start3A_575 = tpu.memref_squeeze %dma_start3A_574 : memref<1x128xi32, #tpu.memory_space<hbm>> -> memref<128xi32, #tpu.memory_space<hbm>>
    tpu.enqueue_dma source(%dma_start3A_575 : memref<128xi32, #tpu.memory_space<hbm>>) target(%dma_start3A_573 : memref<128xi32, #tpu.memory_space<hbm>>) target_semaphore(%arg4 : memref<!tpu.dma_semaphore, #tpu.memory_space<semaphore_mem>>)
    %mul3A_576 = arith.constant 128 : i32
    %mul3A_577 = arith.muli %mul3A_576, %add3A : i32
    %mul3A_578 = arith.constant 56 : i32
    %mul3A_579 = arith.muli %mul3A_578, %add3A : i32
    %add3A_580 = arith.constant 48 : i32
    %add3A_581 = arith.addi %mul3A_579, %add3A_580 : i32
    %mul3A_582 = arith.constant 128 : i32
    %mul3A_583 = arith.muli %mul3A_582, %add3A_581 : i32
    %dma_start3A_584 = arith.constant 48 : i32
    %dma_start3A_585 = tpu.memref_slice %arg3[%mul3A_583] : memref<229376xi32, #tpu.memory_space<hbm>> -> memref<128xi32, #tpu.memory_space<hbm>>
    %dma_start3A_586 = tpu.memref_slice %arg2[%dma_start3A_584, %mul3A_577] : memref<56x4096xi32, #tpu.memory_space<hbm>> -> memref<1x128xi32, #tpu.memory_space<hbm>>
    %dma_start3A_587 = tpu.memref_squeeze %dma_start3A_586 : memref<1x128xi32, #tpu.memory_space<hbm>> -> memref<128xi32, #tpu.memory_space<hbm>>
    tpu.enqueue_dma source(%dma_start3A_587 : memref<128xi32, #tpu.memory_space<hbm>>) target(%dma_start3A_585 : memref<128xi32, #tpu.memory_space<hbm>>) target_semaphore(%arg4 : memref<!tpu.dma_semaphore, #tpu.memory_space<semaphore_mem>>)
    %mul3A_588 = arith.constant 128 : i32
    %mul3A_589 = arith.muli %mul3A_588, %add3A : i32
    %mul3A_590 = arith.constant 56 : i32
    %mul3A_591 = arith.muli %mul3A_590, %add3A : i32
    %add3A_592 = arith.constant 49 : i32
    %add3A_593 = arith.addi %mul3A_591, %add3A_592 : i32
    %mul3A_594 = arith.constant 128 : i32
    %mul3A_595 = arith.muli %mul3A_594, %add3A_593 : i32
    %dma_start3A_596 = arith.constant 49 : i32
    %dma_start3A_597 = tpu.memref_slice %arg3[%mul3A_595] : memref<229376xi32, #tpu.memory_space<hbm>> -> memref<128xi32, #tpu.memory_space<hbm>>
    %dma_start3A_598 = tpu.memref_slice %arg2[%dma_start3A_596, %mul3A_589] : memref<56x4096xi32, #tpu.memory_space<hbm>> -> memref<1x128xi32, #tpu.memory_space<hbm>>
    %dma_start3A_599 = tpu.memref_squeeze %dma_start3A_598 : memref<1x128xi32, #tpu.memory_space<hbm>> -> memref<128xi32, #tpu.memory_space<hbm>>
    tpu.enqueue_dma source(%dma_start3A_599 : memref<128xi32, #tpu.memory_space<hbm>>) target(%dma_start3A_597 : memref<128xi32, #tpu.memory_space<hbm>>) target_semaphore(%arg4 : memref<!tpu.dma_semaphore, #tpu.memory_space<semaphore_mem>>)
    %mul3A_600 = arith.constant 128 : i32
    %mul3A_601 = arith.muli %mul3A_600, %add3A : i32
    %mul3A_602 = arith.constant 56 : i32
    %mul3A_603 = arith.muli %mul3A_602, %add3A : i32
    %add3A_604 = arith.constant 50 : i32
    %add3A_605 = arith.addi %mul3A_603, %add3A_604 : i32
    %mul3A_606 = arith.constant 128 : i32
    %mul3A_607 = arith.muli %mul3A_606, %add3A_605 : i32
    %dma_start3A_608 = arith.constant 50 : i32
    %dma_start3A_609 = tpu.memref_slice %arg3[%mul3A_607] : memref<229376xi32, #tpu.memory_space<hbm>> -> memref<128xi32, #tpu.memory_space<hbm>>
    %dma_start3A_610 = tpu.memref_slice %arg2[%dma_start3A_608, %mul3A_601] : memref<56x4096xi32, #tpu.memory_space<hbm>> -> memref<1x128xi32, #tpu.memory_space<hbm>>
    %dma_start3A_611 = tpu.memref_squeeze %dma_start3A_610 : memref<1x128xi32, #tpu.memory_space<hbm>> -> memref<128xi32, #tpu.memory_space<hbm>>
    tpu.enqueue_dma source(%dma_start3A_611 : memref<128xi32, #tpu.memory_space<hbm>>) target(%dma_start3A_609 : memref<128xi32, #tpu.memory_space<hbm>>) target_semaphore(%arg4 : memref<!tpu.dma_semaphore, #tpu.memory_space<semaphore_mem>>)
    %mul3A_612 = arith.constant 128 : i32
    %mul3A_613 = arith.muli %mul3A_612, %add3A : i32
    %mul3A_614 = arith.constant 56 : i32
    %mul3A_615 = arith.muli %mul3A_614, %add3A : i32
    %add3A_616 = arith.constant 51 : i32
    %add3A_617 = arith.addi %mul3A_615, %add3A_616 : i32
    %mul3A_618 = arith.constant 128 : i32
    %mul3A_619 = arith.muli %mul3A_618, %add3A_617 : i32
    %dma_start3A_620 = arith.constant 51 : i32
    %dma_start3A_621 = tpu.memref_slice %arg3[%mul3A_619] : memref<229376xi32, #tpu.memory_space<hbm>> -> memref<128xi32, #tpu.memory_space<hbm>>
    %dma_start3A_622 = tpu.memref_slice %arg2[%dma_start3A_620, %mul3A_613] : memref<56x4096xi32, #tpu.memory_space<hbm>> -> memref<1x128xi32, #tpu.memory_space<hbm>>
    %dma_start3A_623 = tpu.memref_squeeze %dma_start3A_622 : memref<1x128xi32, #tpu.memory_space<hbm>> -> memref<128xi32, #tpu.memory_space<hbm>>
    tpu.enqueue_dma source(%dma_start3A_623 : memref<128xi32, #tpu.memory_space<hbm>>) target(%dma_start3A_621 : memref<128xi32, #tpu.memory_space<hbm>>) target_semaphore(%arg4 : memref<!tpu.dma_semaphore, #tpu.memory_space<semaphore_mem>>)
    %mul3A_624 = arith.constant 128 : i32
    %mul3A_625 = arith.muli %mul3A_624, %add3A : i32
    %mul3A_626 = arith.constant 56 : i32
    %mul3A_627 = arith.muli %mul3A_626, %add3A : i32
    %add3A_628 = arith.constant 52 : i32
    %add3A_629 = arith.addi %mul3A_627, %add3A_628 : i32
    %mul3A_630 = arith.constant 128 : i32
    %mul3A_631 = arith.muli %mul3A_630, %add3A_629 : i32
    %dma_start3A_632 = arith.constant 52 : i32
    %dma_start3A_633 = tpu.memref_slice %arg3[%mul3A_631] : memref<229376xi32, #tpu.memory_space<hbm>> -> memref<128xi32, #tpu.memory_space<hbm>>
    %dma_start3A_634 = tpu.memref_slice %arg2[%dma_start3A_632, %mul3A_625] : memref<56x4096xi32, #tpu.memory_space<hbm>> -> memref<1x128xi32, #tpu.memory_space<hbm>>
    %dma_start3A_635 = tpu.memref_squeeze %dma_start3A_634 : memref<1x128xi32, #tpu.memory_space<hbm>> -> memref<128xi32, #tpu.memory_space<hbm>>
    tpu.enqueue_dma source(%dma_start3A_635 : memref<128xi32, #tpu.memory_space<hbm>>) target(%dma_start3A_633 : memref<128xi32, #tpu.memory_space<hbm>>) target_semaphore(%arg4 : memref<!tpu.dma_semaphore, #tpu.memory_space<semaphore_mem>>)
    %mul3A_636 = arith.constant 128 : i32
    %mul3A_637 = arith.muli %mul3A_636, %add3A : i32
    %mul3A_638 = arith.constant 56 : i32
    %mul3A_639 = arith.muli %mul3A_638, %add3A : i32
    %add3A_640 = arith.constant 53 : i32
    %add3A_641 = arith.addi %mul3A_639, %add3A_640 : i32
    %mul3A_642 = arith.constant 128 : i32
    %mul3A_643 = arith.muli %mul3A_642, %add3A_641 : i32
    %dma_start3A_644 = arith.constant 53 : i32
    %dma_start3A_645 = tpu.memref_slice %arg3[%mul3A_643] : memref<229376xi32, #tpu.memory_space<hbm>> -> memref<128xi32, #tpu.memory_space<hbm>>
    %dma_start3A_646 = tpu.memref_slice %arg2[%dma_start3A_644, %mul3A_637] : memref<56x4096xi32, #tpu.memory_space<hbm>> -> memref<1x128xi32, #tpu.memory_space<hbm>>
    %dma_start3A_647 = tpu.memref_squeeze %dma_start3A_646 : memref<1x128xi32, #tpu.memory_space<hbm>> -> memref<128xi32, #tpu.memory_space<hbm>>
    tpu.enqueue_dma source(%dma_start3A_647 : memref<128xi32, #tpu.memory_space<hbm>>) target(%dma_start3A_645 : memref<128xi32, #tpu.memory_space<hbm>>) target_semaphore(%arg4 : memref<!tpu.dma_semaphore, #tpu.memory_space<semaphore_mem>>)
    %mul3A_648 = arith.constant 128 : i32
    %mul3A_649 = arith.muli %mul3A_648, %add3A : i32
    %mul3A_650 = arith.constant 56 : i32
    %mul3A_651 = arith.muli %mul3A_650, %add3A : i32
    %add3A_652 = arith.constant 54 : i32
    %add3A_653 = arith.addi %mul3A_651, %add3A_652 : i32
    %mul3A_654 = arith.constant 128 : i32
    %mul3A_655 = arith.muli %mul3A_654, %add3A_653 : i32
    %dma_start3A_656 = arith.constant 54 : i32
    %dma_start3A_657 = tpu.memref_slice %arg3[%mul3A_655] : memref<229376xi32, #tpu.memory_space<hbm>> -> memref<128xi32, #tpu.memory_space<hbm>>
    %dma_start3A_658 = tpu.memref_slice %arg2[%dma_start3A_656, %mul3A_649] : memref<56x4096xi32, #tpu.memory_space<hbm>> -> memref<1x128xi32, #tpu.memory_space<hbm>>
    %dma_start3A_659 = tpu.memref_squeeze %dma_start3A_658 : memref<1x128xi32, #tpu.memory_space<hbm>> -> memref<128xi32, #tpu.memory_space<hbm>>
    tpu.enqueue_dma source(%dma_start3A_659 : memref<128xi32, #tpu.memory_space<hbm>>) target(%dma_start3A_657 : memref<128xi32, #tpu.memory_space<hbm>>) target_semaphore(%arg4 : memref<!tpu.dma_semaphore, #tpu.memory_space<semaphore_mem>>)
    %mul3A_660 = arith.constant 128 : i32
    %mul3A_661 = arith.muli %mul3A_660, %add3A : i32
    %mul3A_662 = arith.constant 56 : i32
    %mul3A_663 = arith.muli %mul3A_662, %add3A : i32
    %add3A_664 = arith.constant 55 : i32
    %add3A_665 = arith.addi %mul3A_663, %add3A_664 : i32
    %mul3A_666 = arith.constant 128 : i32
    %mul3A_667 = arith.muli %mul3A_666, %add3A_665 : i32
    %dma_start3A_668 = arith.constant 55 : i32
    %dma_start3A_669 = tpu.memref_slice %arg3[%mul3A_667] : memref<229376xi32, #tpu.memory_space<hbm>> -> memref<128xi32, #tpu.memory_space<hbm>>
    %dma_start3A_670 = tpu.memref_slice %arg2[%dma_start3A_668, %mul3A_661] : memref<56x4096xi32, #tpu.memory_space<hbm>> -> memref<1x128xi32, #tpu.memory_space<hbm>>
    %dma_start3A_671 = tpu.memref_squeeze %dma_start3A_670 : memref<1x128xi32, #tpu.memory_space<hbm>> -> memref<128xi32, #tpu.memory_space<hbm>>
    tpu.enqueue_dma source(%dma_start3A_671 : memref<128xi32, #tpu.memory_space<hbm>>) target(%dma_start3A_669 : memref<128xi32, #tpu.memory_space<hbm>>) target_semaphore(%arg4 : memref<!tpu.dma_semaphore, #tpu.memory_space<semaphore_mem>>)
    %mul3A_672 = arith.constant 128 : i32
    %mul3A_673 = arith.muli %mul3A_672, %add3A : i32
    %mul3A_674 = arith.constant 56 : i32
    %mul3A_675 = arith.muli %mul3A_674, %add3A : i32
    %add3A_676 = arith.constant 0 : i32
    %add3A_677 = arith.addi %mul3A_675, %add3A_676 : i32
    %mul3A_678 = arith.constant 128 : i32
    %mul3A_679 = arith.muli %mul3A_678, %add3A_677 : i32
    %dma_wait3A = arith.constant 0 : i32
    %dma_wait3A_680 = tpu.memref_slice %arg3[%mul3A_679] : memref<229376xi32, #tpu.memory_space<hbm>> -> memref<128xi32, #tpu.memory_space<hbm>>
    %dma_wait3A_681 = tpu.memref_slice %arg2[%dma_wait3A, %mul3A_673] : memref<56x4096xi32, #tpu.memory_space<hbm>> -> memref<1x128xi32, #tpu.memory_space<hbm>>
    %dma_wait3A_682 = tpu.memref_squeeze %dma_wait3A_681 : memref<1x128xi32, #tpu.memory_space<hbm>> -> memref<128xi32, #tpu.memory_space<hbm>>
    tpu.wait_dma2 semaphore(%arg4 : memref<!tpu.dma_semaphore, #tpu.memory_space<semaphore_mem>>) src(%dma_wait3A_682 : memref<128xi32, #tpu.memory_space<hbm>>) dst(%dma_wait3A_680 : memref<128xi32, #tpu.memory_space<hbm>>)
    %mul3A_683 = arith.constant 128 : i32
    %mul3A_684 = arith.muli %mul3A_683, %add3A : i32
    %mul3A_685 = arith.constant 56 : i32
    %mul3A_686 = arith.muli %mul3A_685, %add3A : i32
    %add3A_687 = arith.constant 1 : i32
    %add3A_688 = arith.addi %mul3A_686, %add3A_687 : i32
    %mul3A_689 = arith.constant 128 : i32
    %mul3A_690 = arith.muli %mul3A_689, %add3A_688 : i32
    %dma_wait3A_691 = arith.constant 1 : i32
    %dma_wait3A_692 = tpu.memref_slice %arg3[%mul3A_690] : memref<229376xi32, #tpu.memory_space<hbm>> -> memref<128xi32, #tpu.memory_space<hbm>>
    %dma_wait3A_693 = tpu.memref_slice %arg2[%dma_wait3A_691, %mul3A_684] : memref<56x4096xi32, #tpu.memory_space<hbm>> -> memref<1x128xi32, #tpu.memory_space<hbm>>
    %dma_wait3A_694 = tpu.memref_squeeze %dma_wait3A_693 : memref<1x128xi32, #tpu.memory_space<hbm>> -> memref<128xi32, #tpu.memory_space<hbm>>
    tpu.wait_dma2 semaphore(%arg4 : memref<!tpu.dma_semaphore, #tpu.memory_space<semaphore_mem>>) src(%dma_wait3A_694 : memref<128xi32, #tpu.memory_space<hbm>>) dst(%dma_wait3A_692 : memref<128xi32, #tpu.memory_space<hbm>>)
    %mul3A_695 = arith.constant 128 : i32
    %mul3A_696 = arith.muli %mul3A_695, %add3A : i32
    %mul3A_697 = arith.constant 56 : i32
    %mul3A_698 = arith.muli %mul3A_697, %add3A : i32
    %add3A_699 = arith.constant 2 : i32
    %add3A_700 = arith.addi %mul3A_698, %add3A_699 : i32
    %mul3A_701 = arith.constant 128 : i32
    %mul3A_702 = arith.muli %mul3A_701, %add3A_700 : i32
    %dma_wait3A_703 = arith.constant 2 : i32
    %dma_wait3A_704 = tpu.memref_slice %arg3[%mul3A_702] : memref<229376xi32, #tpu.memory_space<hbm>> -> memref<128xi32, #tpu.memory_space<hbm>>
    %dma_wait3A_705 = tpu.memref_slice %arg2[%dma_wait3A_703, %mul3A_696] : memref<56x4096xi32, #tpu.memory_space<hbm>> -> memref<1x128xi32, #tpu.memory_space<hbm>>
    %dma_wait3A_706 = tpu.memref_squeeze %dma_wait3A_705 : memref<1x128xi32, #tpu.memory_space<hbm>> -> memref<128xi32, #tpu.memory_space<hbm>>
    tpu.wait_dma2 semaphore(%arg4 : memref<!tpu.dma_semaphore, #tpu.memory_space<semaphore_mem>>) src(%dma_wait3A_706 : memref<128xi32, #tpu.memory_space<hbm>>) dst(%dma_wait3A_704 : memref<128xi32, #tpu.memory_space<hbm>>)
    %mul3A_707 = arith.constant 128 : i32
    %mul3A_708 = arith.muli %mul3A_707, %add3A : i32
    %mul3A_709 = arith.constant 56 : i32
    %mul3A_710 = arith.muli %mul3A_709, %add3A : i32
    %add3A_711 = arith.constant 3 : i32
    %add3A_712 = arith.addi %mul3A_710, %add3A_711 : i32
    %mul3A_713 = arith.constant 128 : i32
    %mul3A_714 = arith.muli %mul3A_713, %add3A_712 : i32
    %dma_wait3A_715 = arith.constant 3 : i32
    %dma_wait3A_716 = tpu.memref_slice %arg3[%mul3A_714] : memref<229376xi32, #tpu.memory_space<hbm>> -> memref<128xi32, #tpu.memory_space<hbm>>
    %dma_wait3A_717 = tpu.memref_slice %arg2[%dma_wait3A_715, %mul3A_708] : memref<56x4096xi32, #tpu.memory_space<hbm>> -> memref<1x128xi32, #tpu.memory_space<hbm>>
    %dma_wait3A_718 = tpu.memref_squeeze %dma_wait3A_717 : memref<1x128xi32, #tpu.memory_space<hbm>> -> memref<128xi32, #tpu.memory_space<hbm>>
    tpu.wait_dma2 semaphore(%arg4 : memref<!tpu.dma_semaphore, #tpu.memory_space<semaphore_mem>>) src(%dma_wait3A_718 : memref<128xi32, #tpu.memory_space<hbm>>) dst(%dma_wait3A_716 : memref<128xi32, #tpu.memory_space<hbm>>)
    %mul3A_719 = arith.constant 128 : i32
    %mul3A_720 = arith.muli %mul3A_719, %add3A : i32
    %mul3A_721 = arith.constant 56 : i32
    %mul3A_722 = arith.muli %mul3A_721, %add3A : i32
    %add3A_723 = arith.constant 4 : i32
    %add3A_724 = arith.addi %mul3A_722, %add3A_723 : i32
    %mul3A_725 = arith.constant 128 : i32
    %mul3A_726 = arith.muli %mul3A_725, %add3A_724 : i32
    %dma_wait3A_727 = arith.constant 4 : i32
    %dma_wait3A_728 = tpu.memref_slice %arg3[%mul3A_726] : memref<229376xi32, #tpu.memory_space<hbm>> -> memref<128xi32, #tpu.memory_space<hbm>>
    %dma_wait3A_729 = tpu.memref_slice %arg2[%dma_wait3A_727, %mul3A_720] : memref<56x4096xi32, #tpu.memory_space<hbm>> -> memref<1x128xi32, #tpu.memory_space<hbm>>
    %dma_wait3A_730 = tpu.memref_squeeze %dma_wait3A_729 : memref<1x128xi32, #tpu.memory_space<hbm>> -> memref<128xi32, #tpu.memory_space<hbm>>
    tpu.wait_dma2 semaphore(%arg4 : memref<!tpu.dma_semaphore, #tpu.memory_space<semaphore_mem>>) src(%dma_wait3A_730 : memref<128xi32, #tpu.memory_space<hbm>>) dst(%dma_wait3A_728 : memref<128xi32, #tpu.memory_space<hbm>>)
    %mul3A_731 = arith.constant 128 : i32
    %mul3A_732 = arith.muli %mul3A_731, %add3A : i32
    %mul3A_733 = arith.constant 56 : i32
    %mul3A_734 = arith.muli %mul3A_733, %add3A : i32
    %add3A_735 = arith.constant 5 : i32
    %add3A_736 = arith.addi %mul3A_734, %add3A_735 : i32
    %mul3A_737 = arith.constant 128 : i32
    %mul3A_738 = arith.muli %mul3A_737, %add3A_736 : i32
    %dma_wait3A_739 = arith.constant 5 : i32
    %dma_wait3A_740 = tpu.memref_slice %arg3[%mul3A_738] : memref<229376xi32, #tpu.memory_space<hbm>> -> memref<128xi32, #tpu.memory_space<hbm>>
    %dma_wait3A_741 = tpu.memref_slice %arg2[%dma_wait3A_739, %mul3A_732] : memref<56x4096xi32, #tpu.memory_space<hbm>> -> memref<1x128xi32, #tpu.memory_space<hbm>>
    %dma_wait3A_742 = tpu.memref_squeeze %dma_wait3A_741 : memref<1x128xi32, #tpu.memory_space<hbm>> -> memref<128xi32, #tpu.memory_space<hbm>>
    tpu.wait_dma2 semaphore(%arg4 : memref<!tpu.dma_semaphore, #tpu.memory_space<semaphore_mem>>) src(%dma_wait3A_742 : memref<128xi32, #tpu.memory_space<hbm>>) dst(%dma_wait3A_740 : memref<128xi32, #tpu.memory_space<hbm>>)
    %mul3A_743 = arith.constant 128 : i32
    %mul3A_744 = arith.muli %mul3A_743, %add3A : i32
    %mul3A_745 = arith.constant 56 : i32
    %mul3A_746 = arith.muli %mul3A_745, %add3A : i32
    %add3A_747 = arith.constant 6 : i32
    %add3A_748 = arith.addi %mul3A_746, %add3A_747 : i32
    %mul3A_749 = arith.constant 128 : i32
    %mul3A_750 = arith.muli %mul3A_749, %add3A_748 : i32
    %dma_wait3A_751 = arith.constant 6 : i32
    %dma_wait3A_752 = tpu.memref_slice %arg3[%mul3A_750] : memref<229376xi32, #tpu.memory_space<hbm>> -> memref<128xi32, #tpu.memory_space<hbm>>
    %dma_wait3A_753 = tpu.memref_slice %arg2[%dma_wait3A_751, %mul3A_744] : memref<56x4096xi32, #tpu.memory_space<hbm>> -> memref<1x128xi32, #tpu.memory_space<hbm>>
    %dma_wait3A_754 = tpu.memref_squeeze %dma_wait3A_753 : memref<1x128xi32, #tpu.memory_space<hbm>> -> memref<128xi32, #tpu.memory_space<hbm>>
    tpu.wait_dma2 semaphore(%arg4 : memref<!tpu.dma_semaphore, #tpu.memory_space<semaphore_mem>>) src(%dma_wait3A_754 : memref<128xi32, #tpu.memory_space<hbm>>) dst(%dma_wait3A_752 : memref<128xi32, #tpu.memory_space<hbm>>)
    %mul3A_755 = arith.constant 128 : i32
    %mul3A_756 = arith.muli %mul3A_755, %add3A : i32
    %mul3A_757 = arith.constant 56 : i32
    %mul3A_758 = arith.muli %mul3A_757, %add3A : i32
    %add3A_759 = arith.constant 7 : i32
    %add3A_760 = arith.addi %mul3A_758, %add3A_759 : i32
    %mul3A_761 = arith.constant 128 : i32
    %mul3A_762 = arith.muli %mul3A_761, %add3A_760 : i32
    %dma_wait3A_763 = arith.constant 7 : i32
    %dma_wait3A_764 = tpu.memref_slice %arg3[%mul3A_762] : memref<229376xi32, #tpu.memory_space<hbm>> -> memref<128xi32, #tpu.memory_space<hbm>>
    %dma_wait3A_765 = tpu.memref_slice %arg2[%dma_wait3A_763, %mul3A_756] : memref<56x4096xi32, #tpu.memory_space<hbm>> -> memref<1x128xi32, #tpu.memory_space<hbm>>
    %dma_wait3A_766 = tpu.memref_squeeze %dma_wait3A_765 : memref<1x128xi32, #tpu.memory_space<hbm>> -> memref<128xi32, #tpu.memory_space<hbm>>
    tpu.wait_dma2 semaphore(%arg4 : memref<!tpu.dma_semaphore, #tpu.memory_space<semaphore_mem>>) src(%dma_wait3A_766 : memref<128xi32, #tpu.memory_space<hbm>>) dst(%dma_wait3A_764 : memref<128xi32, #tpu.memory_space<hbm>>)
    %mul3A_767 = arith.constant 128 : i32
    %mul3A_768 = arith.muli %mul3A_767, %add3A : i32
    %mul3A_769 = arith.constant 56 : i32
    %mul3A_770 = arith.muli %mul3A_769, %add3A : i32
    %add3A_771 = arith.constant 8 : i32
    %add3A_772 = arith.addi %mul3A_770, %add3A_771 : i32
    %mul3A_773 = arith.constant 128 : i32
    %mul3A_774 = arith.muli %mul3A_773, %add3A_772 : i32
    %dma_wait3A_775 = arith.constant 8 : i32
    %dma_wait3A_776 = tpu.memref_slice %arg3[%mul3A_774] : memref<229376xi32, #tpu.memory_space<hbm>> -> memref<128xi32, #tpu.memory_space<hbm>>
    %dma_wait3A_777 = tpu.memref_slice %arg2[%dma_wait3A_775, %mul3A_768] : memref<56x4096xi32, #tpu.memory_space<hbm>> -> memref<1x128xi32, #tpu.memory_space<hbm>>
    %dma_wait3A_778 = tpu.memref_squeeze %dma_wait3A_777 : memref<1x128xi32, #tpu.memory_space<hbm>> -> memref<128xi32, #tpu.memory_space<hbm>>
    tpu.wait_dma2 semaphore(%arg4 : memref<!tpu.dma_semaphore, #tpu.memory_space<semaphore_mem>>) src(%dma_wait3A_778 : memref<128xi32, #tpu.memory_space<hbm>>) dst(%dma_wait3A_776 : memref<128xi32, #tpu.memory_space<hbm>>)
    %mul3A_779 = arith.constant 128 : i32
    %mul3A_780 = arith.muli %mul3A_779, %add3A : i32
    %mul3A_781 = arith.constant 56 : i32
    %mul3A_782 = arith.muli %mul3A_781, %add3A : i32
    %add3A_783 = arith.constant 9 : i32
    %add3A_784 = arith.addi %mul3A_782, %add3A_783 : i32
    %mul3A_785 = arith.constant 128 : i32
    %mul3A_786 = arith.muli %mul3A_785, %add3A_784 : i32
    %dma_wait3A_787 = arith.constant 9 : i32
    %dma_wait3A_788 = tpu.memref_slice %arg3[%mul3A_786] : memref<229376xi32, #tpu.memory_space<hbm>> -> memref<128xi32, #tpu.memory_space<hbm>>
    %dma_wait3A_789 = tpu.memref_slice %arg2[%dma_wait3A_787, %mul3A_780] : memref<56x4096xi32, #tpu.memory_space<hbm>> -> memref<1x128xi32, #tpu.memory_space<hbm>>
    %dma_wait3A_790 = tpu.memref_squeeze %dma_wait3A_789 : memref<1x128xi32, #tpu.memory_space<hbm>> -> memref<128xi32, #tpu.memory_space<hbm>>
    tpu.wait_dma2 semaphore(%arg4 : memref<!tpu.dma_semaphore, #tpu.memory_space<semaphore_mem>>) src(%dma_wait3A_790 : memref<128xi32, #tpu.memory_space<hbm>>) dst(%dma_wait3A_788 : memref<128xi32, #tpu.memory_space<hbm>>)
    %mul3A_791 = arith.constant 128 : i32
    %mul3A_792 = arith.muli %mul3A_791, %add3A : i32
    %mul3A_793 = arith.constant 56 : i32
    %mul3A_794 = arith.muli %mul3A_793, %add3A : i32
    %add3A_795 = arith.constant 10 : i32
    %add3A_796 = arith.addi %mul3A_794, %add3A_795 : i32
    %mul3A_797 = arith.constant 128 : i32
    %mul3A_798 = arith.muli %mul3A_797, %add3A_796 : i32
    %dma_wait3A_799 = arith.constant 10 : i32
    %dma_wait3A_800 = tpu.memref_slice %arg3[%mul3A_798] : memref<229376xi32, #tpu.memory_space<hbm>> -> memref<128xi32, #tpu.memory_space<hbm>>
    %dma_wait3A_801 = tpu.memref_slice %arg2[%dma_wait3A_799, %mul3A_792] : memref<56x4096xi32, #tpu.memory_space<hbm>> -> memref<1x128xi32, #tpu.memory_space<hbm>>
    %dma_wait3A_802 = tpu.memref_squeeze %dma_wait3A_801 : memref<1x128xi32, #tpu.memory_space<hbm>> -> memref<128xi32, #tpu.memory_space<hbm>>
    tpu.wait_dma2 semaphore(%arg4 : memref<!tpu.dma_semaphore, #tpu.memory_space<semaphore_mem>>) src(%dma_wait3A_802 : memref<128xi32, #tpu.memory_space<hbm>>) dst(%dma_wait3A_800 : memref<128xi32, #tpu.memory_space<hbm>>)
    %mul3A_803 = arith.constant 128 : i32
    %mul3A_804 = arith.muli %mul3A_803, %add3A : i32
    %mul3A_805 = arith.constant 56 : i32
    %mul3A_806 = arith.muli %mul3A_805, %add3A : i32
    %add3A_807 = arith.constant 11 : i32
    %add3A_808 = arith.addi %mul3A_806, %add3A_807 : i32
    %mul3A_809 = arith.constant 128 : i32
    %mul3A_810 = arith.muli %mul3A_809, %add3A_808 : i32
    %dma_wait3A_811 = arith.constant 11 : i32
    %dma_wait3A_812 = tpu.memref_slice %arg3[%mul3A_810] : memref<229376xi32, #tpu.memory_space<hbm>> -> memref<128xi32, #tpu.memory_space<hbm>>
    %dma_wait3A_813 = tpu.memref_slice %arg2[%dma_wait3A_811, %mul3A_804] : memref<56x4096xi32, #tpu.memory_space<hbm>> -> memref<1x128xi32, #tpu.memory_space<hbm>>
    %dma_wait3A_814 = tpu.memref_squeeze %dma_wait3A_813 : memref<1x128xi32, #tpu.memory_space<hbm>> -> memref<128xi32, #tpu.memory_space<hbm>>
    tpu.wait_dma2 semaphore(%arg4 : memref<!tpu.dma_semaphore, #tpu.memory_space<semaphore_mem>>) src(%dma_wait3A_814 : memref<128xi32, #tpu.memory_space<hbm>>) dst(%dma_wait3A_812 : memref<128xi32, #tpu.memory_space<hbm>>)
    %mul3A_815 = arith.constant 128 : i32
    %mul3A_816 = arith.muli %mul3A_815, %add3A : i32
    %mul3A_817 = arith.constant 56 : i32
    %mul3A_818 = arith.muli %mul3A_817, %add3A : i32
    %add3A_819 = arith.constant 12 : i32
    %add3A_820 = arith.addi %mul3A_818, %add3A_819 : i32
    %mul3A_821 = arith.constant 128 : i32
    %mul3A_822 = arith.muli %mul3A_821, %add3A_820 : i32
    %dma_wait3A_823 = arith.constant 12 : i32
    %dma_wait3A_824 = tpu.memref_slice %arg3[%mul3A_822] : memref<229376xi32, #tpu.memory_space<hbm>> -> memref<128xi32, #tpu.memory_space<hbm>>
    %dma_wait3A_825 = tpu.memref_slice %arg2[%dma_wait3A_823, %mul3A_816] : memref<56x4096xi32, #tpu.memory_space<hbm>> -> memref<1x128xi32, #tpu.memory_space<hbm>>
    %dma_wait3A_826 = tpu.memref_squeeze %dma_wait3A_825 : memref<1x128xi32, #tpu.memory_space<hbm>> -> memref<128xi32, #tpu.memory_space<hbm>>
    tpu.wait_dma2 semaphore(%arg4 : memref<!tpu.dma_semaphore, #tpu.memory_space<semaphore_mem>>) src(%dma_wait3A_826 : memref<128xi32, #tpu.memory_space<hbm>>) dst(%dma_wait3A_824 : memref<128xi32, #tpu.memory_space<hbm>>)
    %mul3A_827 = arith.constant 128 : i32
    %mul3A_828 = arith.muli %mul3A_827, %add3A : i32
    %mul3A_829 = arith.constant 56 : i32
    %mul3A_830 = arith.muli %mul3A_829, %add3A : i32
    %add3A_831 = arith.constant 13 : i32
    %add3A_832 = arith.addi %mul3A_830, %add3A_831 : i32
    %mul3A_833 = arith.constant 128 : i32
    %mul3A_834 = arith.muli %mul3A_833, %add3A_832 : i32
    %dma_wait3A_835 = arith.constant 13 : i32
    %dma_wait3A_836 = tpu.memref_slice %arg3[%mul3A_834] : memref<229376xi32, #tpu.memory_space<hbm>> -> memref<128xi32, #tpu.memory_space<hbm>>
    %dma_wait3A_837 = tpu.memref_slice %arg2[%dma_wait3A_835, %mul3A_828] : memref<56x4096xi32, #tpu.memory_space<hbm>> -> memref<1x128xi32, #tpu.memory_space<hbm>>
    %dma_wait3A_838 = tpu.memref_squeeze %dma_wait3A_837 : memref<1x128xi32, #tpu.memory_space<hbm>> -> memref<128xi32, #tpu.memory_space<hbm>>
    tpu.wait_dma2 semaphore(%arg4 : memref<!tpu.dma_semaphore, #tpu.memory_space<semaphore_mem>>) src(%dma_wait3A_838 : memref<128xi32, #tpu.memory_space<hbm>>) dst(%dma_wait3A_836 : memref<128xi32, #tpu.memory_space<hbm>>)
    %mul3A_839 = arith.constant 128 : i32
    %mul3A_840 = arith.muli %mul3A_839, %add3A : i32
    %mul3A_841 = arith.constant 56 : i32
    %mul3A_842 = arith.muli %mul3A_841, %add3A : i32
    %add3A_843 = arith.constant 14 : i32
    %add3A_844 = arith.addi %mul3A_842, %add3A_843 : i32
    %mul3A_845 = arith.constant 128 : i32
    %mul3A_846 = arith.muli %mul3A_845, %add3A_844 : i32
    %dma_wait3A_847 = arith.constant 14 : i32
    %dma_wait3A_848 = tpu.memref_slice %arg3[%mul3A_846] : memref<229376xi32, #tpu.memory_space<hbm>> -> memref<128xi32, #tpu.memory_space<hbm>>
    %dma_wait3A_849 = tpu.memref_slice %arg2[%dma_wait3A_847, %mul3A_840] : memref<56x4096xi32, #tpu.memory_space<hbm>> -> memref<1x128xi32, #tpu.memory_space<hbm>>
    %dma_wait3A_850 = tpu.memref_squeeze %dma_wait3A_849 : memref<1x128xi32, #tpu.memory_space<hbm>> -> memref<128xi32, #tpu.memory_space<hbm>>
    tpu.wait_dma2 semaphore(%arg4 : memref<!tpu.dma_semaphore, #tpu.memory_space<semaphore_mem>>) src(%dma_wait3A_850 : memref<128xi32, #tpu.memory_space<hbm>>) dst(%dma_wait3A_848 : memref<128xi32, #tpu.memory_space<hbm>>)
    %mul3A_851 = arith.constant 128 : i32
    %mul3A_852 = arith.muli %mul3A_851, %add3A : i32
    %mul3A_853 = arith.constant 56 : i32
    %mul3A_854 = arith.muli %mul3A_853, %add3A : i32
    %add3A_855 = arith.constant 15 : i32
    %add3A_856 = arith.addi %mul3A_854, %add3A_855 : i32
    %mul3A_857 = arith.constant 128 : i32
    %mul3A_858 = arith.muli %mul3A_857, %add3A_856 : i32
    %dma_wait3A_859 = arith.constant 15 : i32
    %dma_wait3A_860 = tpu.memref_slice %arg3[%mul3A_858] : memref<229376xi32, #tpu.memory_space<hbm>> -> memref<128xi32, #tpu.memory_space<hbm>>
    %dma_wait3A_861 = tpu.memref_slice %arg2[%dma_wait3A_859, %mul3A_852] : memref<56x4096xi32, #tpu.memory_space<hbm>> -> memref<1x128xi32, #tpu.memory_space<hbm>>
    %dma_wait3A_862 = tpu.memref_squeeze %dma_wait3A_861 : memref<1x128xi32, #tpu.memory_space<hbm>> -> memref<128xi32, #tpu.memory_space<hbm>>
    tpu.wait_dma2 semaphore(%arg4 : memref<!tpu.dma_semaphore, #tpu.memory_space<semaphore_mem>>) src(%dma_wait3A_862 : memref<128xi32, #tpu.memory_space<hbm>>) dst(%dma_wait3A_860 : memref<128xi32, #tpu.memory_space<hbm>>)
    %mul3A_863 = arith.constant 128 : i32
    %mul3A_864 = arith.muli %mul3A_863, %add3A : i32
    %mul3A_865 = arith.constant 56 : i32
    %mul3A_866 = arith.muli %mul3A_865, %add3A : i32
    %add3A_867 = arith.constant 16 : i32
    %add3A_868 = arith.addi %mul3A_866, %add3A_867 : i32
    %mul3A_869 = arith.constant 128 : i32
    %mul3A_870 = arith.muli %mul3A_869, %add3A_868 : i32
    %dma_wait3A_871 = arith.constant 16 : i32
    %dma_wait3A_872 = tpu.memref_slice %arg3[%mul3A_870] : memref<229376xi32, #tpu.memory_space<hbm>> -> memref<128xi32, #tpu.memory_space<hbm>>
    %dma_wait3A_873 = tpu.memref_slice %arg2[%dma_wait3A_871, %mul3A_864] : memref<56x4096xi32, #tpu.memory_space<hbm>> -> memref<1x128xi32, #tpu.memory_space<hbm>>
    %dma_wait3A_874 = tpu.memref_squeeze %dma_wait3A_873 : memref<1x128xi32, #tpu.memory_space<hbm>> -> memref<128xi32, #tpu.memory_space<hbm>>
    tpu.wait_dma2 semaphore(%arg4 : memref<!tpu.dma_semaphore, #tpu.memory_space<semaphore_mem>>) src(%dma_wait3A_874 : memref<128xi32, #tpu.memory_space<hbm>>) dst(%dma_wait3A_872 : memref<128xi32, #tpu.memory_space<hbm>>)
    %mul3A_875 = arith.constant 128 : i32
    %mul3A_876 = arith.muli %mul3A_875, %add3A : i32
    %mul3A_877 = arith.constant 56 : i32
    %mul3A_878 = arith.muli %mul3A_877, %add3A : i32
    %add3A_879 = arith.constant 17 : i32
    %add3A_880 = arith.addi %mul3A_878, %add3A_879 : i32
    %mul3A_881 = arith.constant 128 : i32
    %mul3A_882 = arith.muli %mul3A_881, %add3A_880 : i32
    %dma_wait3A_883 = arith.constant 17 : i32
    %dma_wait3A_884 = tpu.memref_slice %arg3[%mul3A_882] : memref<229376xi32, #tpu.memory_space<hbm>> -> memref<128xi32, #tpu.memory_space<hbm>>
    %dma_wait3A_885 = tpu.memref_slice %arg2[%dma_wait3A_883, %mul3A_876] : memref<56x4096xi32, #tpu.memory_space<hbm>> -> memref<1x128xi32, #tpu.memory_space<hbm>>
    %dma_wait3A_886 = tpu.memref_squeeze %dma_wait3A_885 : memref<1x128xi32, #tpu.memory_space<hbm>> -> memref<128xi32, #tpu.memory_space<hbm>>
    tpu.wait_dma2 semaphore(%arg4 : memref<!tpu.dma_semaphore, #tpu.memory_space<semaphore_mem>>) src(%dma_wait3A_886 : memref<128xi32, #tpu.memory_space<hbm>>) dst(%dma_wait3A_884 : memref<128xi32, #tpu.memory_space<hbm>>)
    %mul3A_887 = arith.constant 128 : i32
    %mul3A_888 = arith.muli %mul3A_887, %add3A : i32
    %mul3A_889 = arith.constant 56 : i32
    %mul3A_890 = arith.muli %mul3A_889, %add3A : i32
    %add3A_891 = arith.constant 18 : i32
    %add3A_892 = arith.addi %mul3A_890, %add3A_891 : i32
    %mul3A_893 = arith.constant 128 : i32
    %mul3A_894 = arith.muli %mul3A_893, %add3A_892 : i32
    %dma_wait3A_895 = arith.constant 18 : i32
    %dma_wait3A_896 = tpu.memref_slice %arg3[%mul3A_894] : memref<229376xi32, #tpu.memory_space<hbm>> -> memref<128xi32, #tpu.memory_space<hbm>>
    %dma_wait3A_897 = tpu.memref_slice %arg2[%dma_wait3A_895, %mul3A_888] : memref<56x4096xi32, #tpu.memory_space<hbm>> -> memref<1x128xi32, #tpu.memory_space<hbm>>
    %dma_wait3A_898 = tpu.memref_squeeze %dma_wait3A_897 : memref<1x128xi32, #tpu.memory_space<hbm>> -> memref<128xi32, #tpu.memory_space<hbm>>
    tpu.wait_dma2 semaphore(%arg4 : memref<!tpu.dma_semaphore, #tpu.memory_space<semaphore_mem>>) src(%dma_wait3A_898 : memref<128xi32, #tpu.memory_space<hbm>>) dst(%dma_wait3A_896 : memref<128xi32, #tpu.memory_space<hbm>>)
    %mul3A_899 = arith.constant 128 : i32
    %mul3A_900 = arith.muli %mul3A_899, %add3A : i32
    %mul3A_901 = arith.constant 56 : i32
    %mul3A_902 = arith.muli %mul3A_901, %add3A : i32
    %add3A_903 = arith.constant 19 : i32
    %add3A_904 = arith.addi %mul3A_902, %add3A_903 : i32
    %mul3A_905 = arith.constant 128 : i32
    %mul3A_906 = arith.muli %mul3A_905, %add3A_904 : i32
    %dma_wait3A_907 = arith.constant 19 : i32
    %dma_wait3A_908 = tpu.memref_slice %arg3[%mul3A_906] : memref<229376xi32, #tpu.memory_space<hbm>> -> memref<128xi32, #tpu.memory_space<hbm>>
    %dma_wait3A_909 = tpu.memref_slice %arg2[%dma_wait3A_907, %mul3A_900] : memref<56x4096xi32, #tpu.memory_space<hbm>> -> memref<1x128xi32, #tpu.memory_space<hbm>>
    %dma_wait3A_910 = tpu.memref_squeeze %dma_wait3A_909 : memref<1x128xi32, #tpu.memory_space<hbm>> -> memref<128xi32, #tpu.memory_space<hbm>>
    tpu.wait_dma2 semaphore(%arg4 : memref<!tpu.dma_semaphore, #tpu.memory_space<semaphore_mem>>) src(%dma_wait3A_910 : memref<128xi32, #tpu.memory_space<hbm>>) dst(%dma_wait3A_908 : memref<128xi32, #tpu.memory_space<hbm>>)
    %mul3A_911 = arith.constant 128 : i32
    %mul3A_912 = arith.muli %mul3A_911, %add3A : i32
    %mul3A_913 = arith.constant 56 : i32
    %mul3A_914 = arith.muli %mul3A_913, %add3A : i32
    %add3A_915 = arith.constant 20 : i32
    %add3A_916 = arith.addi %mul3A_914, %add3A_915 : i32
    %mul3A_917 = arith.constant 128 : i32
    %mul3A_918 = arith.muli %mul3A_917, %add3A_916 : i32
    %dma_wait3A_919 = arith.constant 20 : i32
    %dma_wait3A_920 = tpu.memref_slice %arg3[%mul3A_918] : memref<229376xi32, #tpu.memory_space<hbm>> -> memref<128xi32, #tpu.memory_space<hbm>>
    %dma_wait3A_921 = tpu.memref_slice %arg2[%dma_wait3A_919, %mul3A_912] : memref<56x4096xi32, #tpu.memory_space<hbm>> -> memref<1x128xi32, #tpu.memory_space<hbm>>
    %dma_wait3A_922 = tpu.memref_squeeze %dma_wait3A_921 : memref<1x128xi32, #tpu.memory_space<hbm>> -> memref<128xi32, #tpu.memory_space<hbm>>
    tpu.wait_dma2 semaphore(%arg4 : memref<!tpu.dma_semaphore, #tpu.memory_space<semaphore_mem>>) src(%dma_wait3A_922 : memref<128xi32, #tpu.memory_space<hbm>>) dst(%dma_wait3A_920 : memref<128xi32, #tpu.memory_space<hbm>>)
    %mul3A_923 = arith.constant 128 : i32
    %mul3A_924 = arith.muli %mul3A_923, %add3A : i32
    %mul3A_925 = arith.constant 56 : i32
    %mul3A_926 = arith.muli %mul3A_925, %add3A : i32
    %add3A_927 = arith.constant 21 : i32
    %add3A_928 = arith.addi %mul3A_926, %add3A_927 : i32
    %mul3A_929 = arith.constant 128 : i32
    %mul3A_930 = arith.muli %mul3A_929, %add3A_928 : i32
    %dma_wait3A_931 = arith.constant 21 : i32
    %dma_wait3A_932 = tpu.memref_slice %arg3[%mul3A_930] : memref<229376xi32, #tpu.memory_space<hbm>> -> memref<128xi32, #tpu.memory_space<hbm>>
    %dma_wait3A_933 = tpu.memref_slice %arg2[%dma_wait3A_931, %mul3A_924] : memref<56x4096xi32, #tpu.memory_space<hbm>> -> memref<1x128xi32, #tpu.memory_space<hbm>>
    %dma_wait3A_934 = tpu.memref_squeeze %dma_wait3A_933 : memref<1x128xi32, #tpu.memory_space<hbm>> -> memref<128xi32, #tpu.memory_space<hbm>>
    tpu.wait_dma2 semaphore(%arg4 : memref<!tpu.dma_semaphore, #tpu.memory_space<semaphore_mem>>) src(%dma_wait3A_934 : memref<128xi32, #tpu.memory_space<hbm>>) dst(%dma_wait3A_932 : memref<128xi32, #tpu.memory_space<hbm>>)
    %mul3A_935 = arith.constant 128 : i32
    %mul3A_936 = arith.muli %mul3A_935, %add3A : i32
    %mul3A_937 = arith.constant 56 : i32
    %mul3A_938 = arith.muli %mul3A_937, %add3A : i32
    %add3A_939 = arith.constant 22 : i32
    %add3A_940 = arith.addi %mul3A_938, %add3A_939 : i32
    %mul3A_941 = arith.constant 128 : i32
    %mul3A_942 = arith.muli %mul3A_941, %add3A_940 : i32
    %dma_wait3A_943 = arith.constant 22 : i32
    %dma_wait3A_944 = tpu.memref_slice %arg3[%mul3A_942] : memref<229376xi32, #tpu.memory_space<hbm>> -> memref<128xi32, #tpu.memory_space<hbm>>
    %dma_wait3A_945 = tpu.memref_slice %arg2[%dma_wait3A_943, %mul3A_936] : memref<56x4096xi32, #tpu.memory_space<hbm>> -> memref<1x128xi32, #tpu.memory_space<hbm>>
    %dma_wait3A_946 = tpu.memref_squeeze %dma_wait3A_945 : memref<1x128xi32, #tpu.memory_space<hbm>> -> memref<128xi32, #tpu.memory_space<hbm>>
    tpu.wait_dma2 semaphore(%arg4 : memref<!tpu.dma_semaphore, #tpu.memory_space<semaphore_mem>>) src(%dma_wait3A_946 : memref<128xi32, #tpu.memory_space<hbm>>) dst(%dma_wait3A_944 : memref<128xi32, #tpu.memory_space<hbm>>)
    %mul3A_947 = arith.constant 128 : i32
    %mul3A_948 = arith.muli %mul3A_947, %add3A : i32
    %mul3A_949 = arith.constant 56 : i32
    %mul3A_950 = arith.muli %mul3A_949, %add3A : i32
    %add3A_951 = arith.constant 23 : i32
    %add3A_952 = arith.addi %mul3A_950, %add3A_951 : i32
    %mul3A_953 = arith.constant 128 : i32
    %mul3A_954 = arith.muli %mul3A_953, %add3A_952 : i32
    %dma_wait3A_955 = arith.constant 23 : i32
    %dma_wait3A_956 = tpu.memref_slice %arg3[%mul3A_954] : memref<229376xi32, #tpu.memory_space<hbm>> -> memref<128xi32, #tpu.memory_space<hbm>>
    %dma_wait3A_957 = tpu.memref_slice %arg2[%dma_wait3A_955, %mul3A_948] : memref<56x4096xi32, #tpu.memory_space<hbm>> -> memref<1x128xi32, #tpu.memory_space<hbm>>
    %dma_wait3A_958 = tpu.memref_squeeze %dma_wait3A_957 : memref<1x128xi32, #tpu.memory_space<hbm>> -> memref<128xi32, #tpu.memory_space<hbm>>
    tpu.wait_dma2 semaphore(%arg4 : memref<!tpu.dma_semaphore, #tpu.memory_space<semaphore_mem>>) src(%dma_wait3A_958 : memref<128xi32, #tpu.memory_space<hbm>>) dst(%dma_wait3A_956 : memref<128xi32, #tpu.memory_space<hbm>>)
    %mul3A_959 = arith.constant 128 : i32
    %mul3A_960 = arith.muli %mul3A_959, %add3A : i32
    %mul3A_961 = arith.constant 56 : i32
    %mul3A_962 = arith.muli %mul3A_961, %add3A : i32
    %add3A_963 = arith.constant 24 : i32
    %add3A_964 = arith.addi %mul3A_962, %add3A_963 : i32
    %mul3A_965 = arith.constant 128 : i32
    %mul3A_966 = arith.muli %mul3A_965, %add3A_964 : i32
    %dma_wait3A_967 = arith.constant 24 : i32
    %dma_wait3A_968 = tpu.memref_slice %arg3[%mul3A_966] : memref<229376xi32, #tpu.memory_space<hbm>> -> memref<128xi32, #tpu.memory_space<hbm>>
    %dma_wait3A_969 = tpu.memref_slice %arg2[%dma_wait3A_967, %mul3A_960] : memref<56x4096xi32, #tpu.memory_space<hbm>> -> memref<1x128xi32, #tpu.memory_space<hbm>>
    %dma_wait3A_970 = tpu.memref_squeeze %dma_wait3A_969 : memref<1x128xi32, #tpu.memory_space<hbm>> -> memref<128xi32, #tpu.memory_space<hbm>>
    tpu.wait_dma2 semaphore(%arg4 : memref<!tpu.dma_semaphore, #tpu.memory_space<semaphore_mem>>) src(%dma_wait3A_970 : memref<128xi32, #tpu.memory_space<hbm>>) dst(%dma_wait3A_968 : memref<128xi32, #tpu.memory_space<hbm>>)
    %mul3A_971 = arith.constant 128 : i32
    %mul3A_972 = arith.muli %mul3A_971, %add3A : i32
    %mul3A_973 = arith.constant 56 : i32
    %mul3A_974 = arith.muli %mul3A_973, %add3A : i32
    %add3A_975 = arith.constant 25 : i32
    %add3A_976 = arith.addi %mul3A_974, %add3A_975 : i32
    %mul3A_977 = arith.constant 128 : i32
    %mul3A_978 = arith.muli %mul3A_977, %add3A_976 : i32
    %dma_wait3A_979 = arith.constant 25 : i32
    %dma_wait3A_980 = tpu.memref_slice %arg3[%mul3A_978] : memref<229376xi32, #tpu.memory_space<hbm>> -> memref<128xi32, #tpu.memory_space<hbm>>
    %dma_wait3A_981 = tpu.memref_slice %arg2[%dma_wait3A_979, %mul3A_972] : memref<56x4096xi32, #tpu.memory_space<hbm>> -> memref<1x128xi32, #tpu.memory_space<hbm>>
    %dma_wait3A_982 = tpu.memref_squeeze %dma_wait3A_981 : memref<1x128xi32, #tpu.memory_space<hbm>> -> memref<128xi32, #tpu.memory_space<hbm>>
    tpu.wait_dma2 semaphore(%arg4 : memref<!tpu.dma_semaphore, #tpu.memory_space<semaphore_mem>>) src(%dma_wait3A_982 : memref<128xi32, #tpu.memory_space<hbm>>) dst(%dma_wait3A_980 : memref<128xi32, #tpu.memory_space<hbm>>)
    %mul3A_983 = arith.constant 128 : i32
    %mul3A_984 = arith.muli %mul3A_983, %add3A : i32
    %mul3A_985 = arith.constant 56 : i32
    %mul3A_986 = arith.muli %mul3A_985, %add3A : i32
    %add3A_987 = arith.constant 26 : i32
    %add3A_988 = arith.addi %mul3A_986, %add3A_987 : i32
    %mul3A_989 = arith.constant 128 : i32
    %mul3A_990 = arith.muli %mul3A_989, %add3A_988 : i32
    %dma_wait3A_991 = arith.constant 26 : i32
    %dma_wait3A_992 = tpu.memref_slice %arg3[%mul3A_990] : memref<229376xi32, #tpu.memory_space<hbm>> -> memref<128xi32, #tpu.memory_space<hbm>>
    %dma_wait3A_993 = tpu.memref_slice %arg2[%dma_wait3A_991, %mul3A_984] : memref<56x4096xi32, #tpu.memory_space<hbm>> -> memref<1x128xi32, #tpu.memory_space<hbm>>
    %dma_wait3A_994 = tpu.memref_squeeze %dma_wait3A_993 : memref<1x128xi32, #tpu.memory_space<hbm>> -> memref<128xi32, #tpu.memory_space<hbm>>
    tpu.wait_dma2 semaphore(%arg4 : memref<!tpu.dma_semaphore, #tpu.memory_space<semaphore_mem>>) src(%dma_wait3A_994 : memref<128xi32, #tpu.memory_space<hbm>>) dst(%dma_wait3A_992 : memref<128xi32, #tpu.memory_space<hbm>>)
    %mul3A_995 = arith.constant 128 : i32
    %mul3A_996 = arith.muli %mul3A_995, %add3A : i32
    %mul3A_997 = arith.constant 56 : i32
    %mul3A_998 = arith.muli %mul3A_997, %add3A : i32
    %add3A_999 = arith.constant 27 : i32
    %add3A_1000 = arith.addi %mul3A_998, %add3A_999 : i32
    %mul3A_1001 = arith.constant 128 : i32
    %mul3A_1002 = arith.muli %mul3A_1001, %add3A_1000 : i32
    %dma_wait3A_1003 = arith.constant 27 : i32
    %dma_wait3A_1004 = tpu.memref_slice %arg3[%mul3A_1002] : memref<229376xi32, #tpu.memory_space<hbm>> -> memref<128xi32, #tpu.memory_space<hbm>>
    %dma_wait3A_1005 = tpu.memref_slice %arg2[%dma_wait3A_1003, %mul3A_996] : memref<56x4096xi32, #tpu.memory_space<hbm>> -> memref<1x128xi32, #tpu.memory_space<hbm>>
    %dma_wait3A_1006 = tpu.memref_squeeze %dma_wait3A_1005 : memref<1x128xi32, #tpu.memory_space<hbm>> -> memref<128xi32, #tpu.memory_space<hbm>>
    tpu.wait_dma2 semaphore(%arg4 : memref<!tpu.dma_semaphore, #tpu.memory_space<semaphore_mem>>) src(%dma_wait3A_1006 : memref<128xi32, #tpu.memory_space<hbm>>) dst(%dma_wait3A_1004 : memref<128xi32, #tpu.memory_space<hbm>>)
    %mul3A_1007 = arith.constant 128 : i32
    %mul3A_1008 = arith.muli %mul3A_1007, %add3A : i32
    %mul3A_1009 = arith.constant 56 : i32
    %mul3A_1010 = arith.muli %mul3A_1009, %add3A : i32
    %add3A_1011 = arith.constant 28 : i32
    %add3A_1012 = arith.addi %mul3A_1010, %add3A_1011 : i32
    %mul3A_1013 = arith.constant 128 : i32
    %mul3A_1014 = arith.muli %mul3A_1013, %add3A_1012 : i32
    %dma_wait3A_1015 = arith.constant 28 : i32
    %dma_wait3A_1016 = tpu.memref_slice %arg3[%mul3A_1014] : memref<229376xi32, #tpu.memory_space<hbm>> -> memref<128xi32, #tpu.memory_space<hbm>>
    %dma_wait3A_1017 = tpu.memref_slice %arg2[%dma_wait3A_1015, %mul3A_1008] : memref<56x4096xi32, #tpu.memory_space<hbm>> -> memref<1x128xi32, #tpu.memory_space<hbm>>
    %dma_wait3A_1018 = tpu.memref_squeeze %dma_wait3A_1017 : memref<1x128xi32, #tpu.memory_space<hbm>> -> memref<128xi32, #tpu.memory_space<hbm>>
    tpu.wait_dma2 semaphore(%arg4 : memref<!tpu.dma_semaphore, #tpu.memory_space<semaphore_mem>>) src(%dma_wait3A_1018 : memref<128xi32, #tpu.memory_space<hbm>>) dst(%dma_wait3A_1016 : memref<128xi32, #tpu.memory_space<hbm>>)
    %mul3A_1019 = arith.constant 128 : i32
    %mul3A_1020 = arith.muli %mul3A_1019, %add3A : i32
    %mul3A_1021 = arith.constant 56 : i32
    %mul3A_1022 = arith.muli %mul3A_1021, %add3A : i32
    %add3A_1023 = arith.constant 29 : i32
    %add3A_1024 = arith.addi %mul3A_1022, %add3A_1023 : i32
    %mul3A_1025 = arith.constant 128 : i32
    %mul3A_1026 = arith.muli %mul3A_1025, %add3A_1024 : i32
    %dma_wait3A_1027 = arith.constant 29 : i32
    %dma_wait3A_1028 = tpu.memref_slice %arg3[%mul3A_1026] : memref<229376xi32, #tpu.memory_space<hbm>> -> memref<128xi32, #tpu.memory_space<hbm>>
    %dma_wait3A_1029 = tpu.memref_slice %arg2[%dma_wait3A_1027, %mul3A_1020] : memref<56x4096xi32, #tpu.memory_space<hbm>> -> memref<1x128xi32, #tpu.memory_space<hbm>>
    %dma_wait3A_1030 = tpu.memref_squeeze %dma_wait3A_1029 : memref<1x128xi32, #tpu.memory_space<hbm>> -> memref<128xi32, #tpu.memory_space<hbm>>
    tpu.wait_dma2 semaphore(%arg4 : memref<!tpu.dma_semaphore, #tpu.memory_space<semaphore_mem>>) src(%dma_wait3A_1030 : memref<128xi32, #tpu.memory_space<hbm>>) dst(%dma_wait3A_1028 : memref<128xi32, #tpu.memory_space<hbm>>)
    %mul3A_1031 = arith.constant 128 : i32
    %mul3A_1032 = arith.muli %mul3A_1031, %add3A : i32
    %mul3A_1033 = arith.constant 56 : i32
    %mul3A_1034 = arith.muli %mul3A_1033, %add3A : i32
    %add3A_1035 = arith.constant 30 : i32
    %add3A_1036 = arith.addi %mul3A_1034, %add3A_1035 : i32
    %mul3A_1037 = arith.constant 128 : i32
    %mul3A_1038 = arith.muli %mul3A_1037, %add3A_1036 : i32
    %dma_wait3A_1039 = arith.constant 30 : i32
    %dma_wait3A_1040 = tpu.memref_slice %arg3[%mul3A_1038] : memref<229376xi32, #tpu.memory_space<hbm>> -> memref<128xi32, #tpu.memory_space<hbm>>
    %dma_wait3A_1041 = tpu.memref_slice %arg2[%dma_wait3A_1039, %mul3A_1032] : memref<56x4096xi32, #tpu.memory_space<hbm>> -> memref<1x128xi32, #tpu.memory_space<hbm>>
    %dma_wait3A_1042 = tpu.memref_squeeze %dma_wait3A_1041 : memref<1x128xi32, #tpu.memory_space<hbm>> -> memref<128xi32, #tpu.memory_space<hbm>>
    tpu.wait_dma2 semaphore(%arg4 : memref<!tpu.dma_semaphore, #tpu.memory_space<semaphore_mem>>) src(%dma_wait3A_1042 : memref<128xi32, #tpu.memory_space<hbm>>) dst(%dma_wait3A_1040 : memref<128xi32, #tpu.memory_space<hbm>>)
    %mul3A_1043 = arith.constant 128 : i32
    %mul3A_1044 = arith.muli %mul3A_1043, %add3A : i32
    %mul3A_1045 = arith.constant 56 : i32
    %mul3A_1046 = arith.muli %mul3A_1045, %add3A : i32
    %add3A_1047 = arith.constant 31 : i32
    %add3A_1048 = arith.addi %mul3A_1046, %add3A_1047 : i32
    %mul3A_1049 = arith.constant 128 : i32
    %mul3A_1050 = arith.muli %mul3A_1049, %add3A_1048 : i32
    %dma_wait3A_1051 = arith.constant 31 : i32
    %dma_wait3A_1052 = tpu.memref_slice %arg3[%mul3A_1050] : memref<229376xi32, #tpu.memory_space<hbm>> -> memref<128xi32, #tpu.memory_space<hbm>>
    %dma_wait3A_1053 = tpu.memref_slice %arg2[%dma_wait3A_1051, %mul3A_1044] : memref<56x4096xi32, #tpu.memory_space<hbm>> -> memref<1x128xi32, #tpu.memory_space<hbm>>
    %dma_wait3A_1054 = tpu.memref_squeeze %dma_wait3A_1053 : memref<1x128xi32, #tpu.memory_space<hbm>> -> memref<128xi32, #tpu.memory_space<hbm>>
    tpu.wait_dma2 semaphore(%arg4 : memref<!tpu.dma_semaphore, #tpu.memory_space<semaphore_mem>>) src(%dma_wait3A_1054 : memref<128xi32, #tpu.memory_space<hbm>>) dst(%dma_wait3A_1052 : memref<128xi32, #tpu.memory_space<hbm>>)
    %mul3A_1055 = arith.constant 128 : i32
    %mul3A_1056 = arith.muli %mul3A_1055, %add3A : i32
    %mul3A_1057 = arith.constant 56 : i32
    %mul3A_1058 = arith.muli %mul3A_1057, %add3A : i32
    %add3A_1059 = arith.constant 32 : i32
    %add3A_1060 = arith.addi %mul3A_1058, %add3A_1059 : i32
    %mul3A_1061 = arith.constant 128 : i32
    %mul3A_1062 = arith.muli %mul3A_1061, %add3A_1060 : i32
    %dma_wait3A_1063 = arith.constant 32 : i32
    %dma_wait3A_1064 = tpu.memref_slice %arg3[%mul3A_1062] : memref<229376xi32, #tpu.memory_space<hbm>> -> memref<128xi32, #tpu.memory_space<hbm>>
    %dma_wait3A_1065 = tpu.memref_slice %arg2[%dma_wait3A_1063, %mul3A_1056] : memref<56x4096xi32, #tpu.memory_space<hbm>> -> memref<1x128xi32, #tpu.memory_space<hbm>>
    %dma_wait3A_1066 = tpu.memref_squeeze %dma_wait3A_1065 : memref<1x128xi32, #tpu.memory_space<hbm>> -> memref<128xi32, #tpu.memory_space<hbm>>
    tpu.wait_dma2 semaphore(%arg4 : memref<!tpu.dma_semaphore, #tpu.memory_space<semaphore_mem>>) src(%dma_wait3A_1066 : memref<128xi32, #tpu.memory_space<hbm>>) dst(%dma_wait3A_1064 : memref<128xi32, #tpu.memory_space<hbm>>)
    %mul3A_1067 = arith.constant 128 : i32
    %mul3A_1068 = arith.muli %mul3A_1067, %add3A : i32
    %mul3A_1069 = arith.constant 56 : i32
    %mul3A_1070 = arith.muli %mul3A_1069, %add3A : i32
    %add3A_1071 = arith.constant 33 : i32
    %add3A_1072 = arith.addi %mul3A_1070, %add3A_1071 : i32
    %mul3A_1073 = arith.constant 128 : i32
    %mul3A_1074 = arith.muli %mul3A_1073, %add3A_1072 : i32
    %dma_wait3A_1075 = arith.constant 33 : i32
    %dma_wait3A_1076 = tpu.memref_slice %arg3[%mul3A_1074] : memref<229376xi32, #tpu.memory_space<hbm>> -> memref<128xi32, #tpu.memory_space<hbm>>
    %dma_wait3A_1077 = tpu.memref_slice %arg2[%dma_wait3A_1075, %mul3A_1068] : memref<56x4096xi32, #tpu.memory_space<hbm>> -> memref<1x128xi32, #tpu.memory_space<hbm>>
    %dma_wait3A_1078 = tpu.memref_squeeze %dma_wait3A_1077 : memref<1x128xi32, #tpu.memory_space<hbm>> -> memref<128xi32, #tpu.memory_space<hbm>>
    tpu.wait_dma2 semaphore(%arg4 : memref<!tpu.dma_semaphore, #tpu.memory_space<semaphore_mem>>) src(%dma_wait3A_1078 : memref<128xi32, #tpu.memory_space<hbm>>) dst(%dma_wait3A_1076 : memref<128xi32, #tpu.memory_space<hbm>>)
    %mul3A_1079 = arith.constant 128 : i32
    %mul3A_1080 = arith.muli %mul3A_1079, %add3A : i32
    %mul3A_1081 = arith.constant 56 : i32
    %mul3A_1082 = arith.muli %mul3A_1081, %add3A : i32
    %add3A_1083 = arith.constant 34 : i32
    %add3A_1084 = arith.addi %mul3A_1082, %add3A_1083 : i32
    %mul3A_1085 = arith.constant 128 : i32
    %mul3A_1086 = arith.muli %mul3A_1085, %add3A_1084 : i32
    %dma_wait3A_1087 = arith.constant 34 : i32
    %dma_wait3A_1088 = tpu.memref_slice %arg3[%mul3A_1086] : memref<229376xi32, #tpu.memory_space<hbm>> -> memref<128xi32, #tpu.memory_space<hbm>>
    %dma_wait3A_1089 = tpu.memref_slice %arg2[%dma_wait3A_1087, %mul3A_1080] : memref<56x4096xi32, #tpu.memory_space<hbm>> -> memref<1x128xi32, #tpu.memory_space<hbm>>
    %dma_wait3A_1090 = tpu.memref_squeeze %dma_wait3A_1089 : memref<1x128xi32, #tpu.memory_space<hbm>> -> memref<128xi32, #tpu.memory_space<hbm>>
    tpu.wait_dma2 semaphore(%arg4 : memref<!tpu.dma_semaphore, #tpu.memory_space<semaphore_mem>>) src(%dma_wait3A_1090 : memref<128xi32, #tpu.memory_space<hbm>>) dst(%dma_wait3A_1088 : memref<128xi32, #tpu.memory_space<hbm>>)
    %mul3A_1091 = arith.constant 128 : i32
    %mul3A_1092 = arith.muli %mul3A_1091, %add3A : i32
    %mul3A_1093 = arith.constant 56 : i32
    %mul3A_1094 = arith.muli %mul3A_1093, %add3A : i32
    %add3A_1095 = arith.constant 35 : i32
    %add3A_1096 = arith.addi %mul3A_1094, %add3A_1095 : i32
    %mul3A_1097 = arith.constant 128 : i32
    %mul3A_1098 = arith.muli %mul3A_1097, %add3A_1096 : i32
    %dma_wait3A_1099 = arith.constant 35 : i32
    %dma_wait3A_1100 = tpu.memref_slice %arg3[%mul3A_1098] : memref<229376xi32, #tpu.memory_space<hbm>> -> memref<128xi32, #tpu.memory_space<hbm>>
    %dma_wait3A_1101 = tpu.memref_slice %arg2[%dma_wait3A_1099, %mul3A_1092] : memref<56x4096xi32, #tpu.memory_space<hbm>> -> memref<1x128xi32, #tpu.memory_space<hbm>>
    %dma_wait3A_1102 = tpu.memref_squeeze %dma_wait3A_1101 : memref<1x128xi32, #tpu.memory_space<hbm>> -> memref<128xi32, #tpu.memory_space<hbm>>
    tpu.wait_dma2 semaphore(%arg4 : memref<!tpu.dma_semaphore, #tpu.memory_space<semaphore_mem>>) src(%dma_wait3A_1102 : memref<128xi32, #tpu.memory_space<hbm>>) dst(%dma_wait3A_1100 : memref<128xi32, #tpu.memory_space<hbm>>)
    %mul3A_1103 = arith.constant 128 : i32
    %mul3A_1104 = arith.muli %mul3A_1103, %add3A : i32
    %mul3A_1105 = arith.constant 56 : i32
    %mul3A_1106 = arith.muli %mul3A_1105, %add3A : i32
    %add3A_1107 = arith.constant 36 : i32
    %add3A_1108 = arith.addi %mul3A_1106, %add3A_1107 : i32
    %mul3A_1109 = arith.constant 128 : i32
    %mul3A_1110 = arith.muli %mul3A_1109, %add3A_1108 : i32
    %dma_wait3A_1111 = arith.constant 36 : i32
    %dma_wait3A_1112 = tpu.memref_slice %arg3[%mul3A_1110] : memref<229376xi32, #tpu.memory_space<hbm>> -> memref<128xi32, #tpu.memory_space<hbm>>
    %dma_wait3A_1113 = tpu.memref_slice %arg2[%dma_wait3A_1111, %mul3A_1104] : memref<56x4096xi32, #tpu.memory_space<hbm>> -> memref<1x128xi32, #tpu.memory_space<hbm>>
    %dma_wait3A_1114 = tpu.memref_squeeze %dma_wait3A_1113 : memref<1x128xi32, #tpu.memory_space<hbm>> -> memref<128xi32, #tpu.memory_space<hbm>>
    tpu.wait_dma2 semaphore(%arg4 : memref<!tpu.dma_semaphore, #tpu.memory_space<semaphore_mem>>) src(%dma_wait3A_1114 : memref<128xi32, #tpu.memory_space<hbm>>) dst(%dma_wait3A_1112 : memref<128xi32, #tpu.memory_space<hbm>>)
    %mul3A_1115 = arith.constant 128 : i32
    %mul3A_1116 = arith.muli %mul3A_1115, %add3A : i32
    %mul3A_1117 = arith.constant 56 : i32
    %mul3A_1118 = arith.muli %mul3A_1117, %add3A : i32
    %add3A_1119 = arith.constant 37 : i32
    %add3A_1120 = arith.addi %mul3A_1118, %add3A_1119 : i32
    %mul3A_1121 = arith.constant 128 : i32
    %mul3A_1122 = arith.muli %mul3A_1121, %add3A_1120 : i32
    %dma_wait3A_1123 = arith.constant 37 : i32
    %dma_wait3A_1124 = tpu.memref_slice %arg3[%mul3A_1122] : memref<229376xi32, #tpu.memory_space<hbm>> -> memref<128xi32, #tpu.memory_space<hbm>>
    %dma_wait3A_1125 = tpu.memref_slice %arg2[%dma_wait3A_1123, %mul3A_1116] : memref<56x4096xi32, #tpu.memory_space<hbm>> -> memref<1x128xi32, #tpu.memory_space<hbm>>
    %dma_wait3A_1126 = tpu.memref_squeeze %dma_wait3A_1125 : memref<1x128xi32, #tpu.memory_space<hbm>> -> memref<128xi32, #tpu.memory_space<hbm>>
    tpu.wait_dma2 semaphore(%arg4 : memref<!tpu.dma_semaphore, #tpu.memory_space<semaphore_mem>>) src(%dma_wait3A_1126 : memref<128xi32, #tpu.memory_space<hbm>>) dst(%dma_wait3A_1124 : memref<128xi32, #tpu.memory_space<hbm>>)
    %mul3A_1127 = arith.constant 128 : i32
    %mul3A_1128 = arith.muli %mul3A_1127, %add3A : i32
    %mul3A_1129 = arith.constant 56 : i32
    %mul3A_1130 = arith.muli %mul3A_1129, %add3A : i32
    %add3A_1131 = arith.constant 38 : i32
    %add3A_1132 = arith.addi %mul3A_1130, %add3A_1131 : i32
    %mul3A_1133 = arith.constant 128 : i32
    %mul3A_1134 = arith.muli %mul3A_1133, %add3A_1132 : i32
    %dma_wait3A_1135 = arith.constant 38 : i32
    %dma_wait3A_1136 = tpu.memref_slice %arg3[%mul3A_1134] : memref<229376xi32, #tpu.memory_space<hbm>> -> memref<128xi32, #tpu.memory_space<hbm>>
    %dma_wait3A_1137 = tpu.memref_slice %arg2[%dma_wait3A_1135, %mul3A_1128] : memref<56x4096xi32, #tpu.memory_space<hbm>> -> memref<1x128xi32, #tpu.memory_space<hbm>>
    %dma_wait3A_1138 = tpu.memref_squeeze %dma_wait3A_1137 : memref<1x128xi32, #tpu.memory_space<hbm>> -> memref<128xi32, #tpu.memory_space<hbm>>
    tpu.wait_dma2 semaphore(%arg4 : memref<!tpu.dma_semaphore, #tpu.memory_space<semaphore_mem>>) src(%dma_wait3A_1138 : memref<128xi32, #tpu.memory_space<hbm>>) dst(%dma_wait3A_1136 : memref<128xi32, #tpu.memory_space<hbm>>)
    %mul3A_1139 = arith.constant 128 : i32
    %mul3A_1140 = arith.muli %mul3A_1139, %add3A : i32
    %mul3A_1141 = arith.constant 56 : i32
    %mul3A_1142 = arith.muli %mul3A_1141, %add3A : i32
    %add3A_1143 = arith.constant 39 : i32
    %add3A_1144 = arith.addi %mul3A_1142, %add3A_1143 : i32
    %mul3A_1145 = arith.constant 128 : i32
    %mul3A_1146 = arith.muli %mul3A_1145, %add3A_1144 : i32
    %dma_wait3A_1147 = arith.constant 39 : i32
    %dma_wait3A_1148 = tpu.memref_slice %arg3[%mul3A_1146] : memref<229376xi32, #tpu.memory_space<hbm>> -> memref<128xi32, #tpu.memory_space<hbm>>
    %dma_wait3A_1149 = tpu.memref_slice %arg2[%dma_wait3A_1147, %mul3A_1140] : memref<56x4096xi32, #tpu.memory_space<hbm>> -> memref<1x128xi32, #tpu.memory_space<hbm>>
    %dma_wait3A_1150 = tpu.memref_squeeze %dma_wait3A_1149 : memref<1x128xi32, #tpu.memory_space<hbm>> -> memref<128xi32, #tpu.memory_space<hbm>>
    tpu.wait_dma2 semaphore(%arg4 : memref<!tpu.dma_semaphore, #tpu.memory_space<semaphore_mem>>) src(%dma_wait3A_1150 : memref<128xi32, #tpu.memory_space<hbm>>) dst(%dma_wait3A_1148 : memref<128xi32, #tpu.memory_space<hbm>>)
    %mul3A_1151 = arith.constant 128 : i32
    %mul3A_1152 = arith.muli %mul3A_1151, %add3A : i32
    %mul3A_1153 = arith.constant 56 : i32
    %mul3A_1154 = arith.muli %mul3A_1153, %add3A : i32
    %add3A_1155 = arith.constant 40 : i32
    %add3A_1156 = arith.addi %mul3A_1154, %add3A_1155 : i32
    %mul3A_1157 = arith.constant 128 : i32
    %mul3A_1158 = arith.muli %mul3A_1157, %add3A_1156 : i32
    %dma_wait3A_1159 = arith.constant 40 : i32
    %dma_wait3A_1160 = tpu.memref_slice %arg3[%mul3A_1158] : memref<229376xi32, #tpu.memory_space<hbm>> -> memref<128xi32, #tpu.memory_space<hbm>>
    %dma_wait3A_1161 = tpu.memref_slice %arg2[%dma_wait3A_1159, %mul3A_1152] : memref<56x4096xi32, #tpu.memory_space<hbm>> -> memref<1x128xi32, #tpu.memory_space<hbm>>
    %dma_wait3A_1162 = tpu.memref_squeeze %dma_wait3A_1161 : memref<1x128xi32, #tpu.memory_space<hbm>> -> memref<128xi32, #tpu.memory_space<hbm>>
    tpu.wait_dma2 semaphore(%arg4 : memref<!tpu.dma_semaphore, #tpu.memory_space<semaphore_mem>>) src(%dma_wait3A_1162 : memref<128xi32, #tpu.memory_space<hbm>>) dst(%dma_wait3A_1160 : memref<128xi32, #tpu.memory_space<hbm>>)
    %mul3A_1163 = arith.constant 128 : i32
    %mul3A_1164 = arith.muli %mul3A_1163, %add3A : i32
    %mul3A_1165 = arith.constant 56 : i32
    %mul3A_1166 = arith.muli %mul3A_1165, %add3A : i32
    %add3A_1167 = arith.constant 41 : i32
    %add3A_1168 = arith.addi %mul3A_1166, %add3A_1167 : i32
    %mul3A_1169 = arith.constant 128 : i32
    %mul3A_1170 = arith.muli %mul3A_1169, %add3A_1168 : i32
    %dma_wait3A_1171 = arith.constant 41 : i32
    %dma_wait3A_1172 = tpu.memref_slice %arg3[%mul3A_1170] : memref<229376xi32, #tpu.memory_space<hbm>> -> memref<128xi32, #tpu.memory_space<hbm>>
    %dma_wait3A_1173 = tpu.memref_slice %arg2[%dma_wait3A_1171, %mul3A_1164] : memref<56x4096xi32, #tpu.memory_space<hbm>> -> memref<1x128xi32, #tpu.memory_space<hbm>>
    %dma_wait3A_1174 = tpu.memref_squeeze %dma_wait3A_1173 : memref<1x128xi32, #tpu.memory_space<hbm>> -> memref<128xi32, #tpu.memory_space<hbm>>
    tpu.wait_dma2 semaphore(%arg4 : memref<!tpu.dma_semaphore, #tpu.memory_space<semaphore_mem>>) src(%dma_wait3A_1174 : memref<128xi32, #tpu.memory_space<hbm>>) dst(%dma_wait3A_1172 : memref<128xi32, #tpu.memory_space<hbm>>)
    %mul3A_1175 = arith.constant 128 : i32
    %mul3A_1176 = arith.muli %mul3A_1175, %add3A : i32
    %mul3A_1177 = arith.constant 56 : i32
    %mul3A_1178 = arith.muli %mul3A_1177, %add3A : i32
    %add3A_1179 = arith.constant 42 : i32
    %add3A_1180 = arith.addi %mul3A_1178, %add3A_1179 : i32
    %mul3A_1181 = arith.constant 128 : i32
    %mul3A_1182 = arith.muli %mul3A_1181, %add3A_1180 : i32
    %dma_wait3A_1183 = arith.constant 42 : i32
    %dma_wait3A_1184 = tpu.memref_slice %arg3[%mul3A_1182] : memref<229376xi32, #tpu.memory_space<hbm>> -> memref<128xi32, #tpu.memory_space<hbm>>
    %dma_wait3A_1185 = tpu.memref_slice %arg2[%dma_wait3A_1183, %mul3A_1176] : memref<56x4096xi32, #tpu.memory_space<hbm>> -> memref<1x128xi32, #tpu.memory_space<hbm>>
    %dma_wait3A_1186 = tpu.memref_squeeze %dma_wait3A_1185 : memref<1x128xi32, #tpu.memory_space<hbm>> -> memref<128xi32, #tpu.memory_space<hbm>>
    tpu.wait_dma2 semaphore(%arg4 : memref<!tpu.dma_semaphore, #tpu.memory_space<semaphore_mem>>) src(%dma_wait3A_1186 : memref<128xi32, #tpu.memory_space<hbm>>) dst(%dma_wait3A_1184 : memref<128xi32, #tpu.memory_space<hbm>>)
    %mul3A_1187 = arith.constant 128 : i32
    %mul3A_1188 = arith.muli %mul3A_1187, %add3A : i32
    %mul3A_1189 = arith.constant 56 : i32
    %mul3A_1190 = arith.muli %mul3A_1189, %add3A : i32
    %add3A_1191 = arith.constant 43 : i32
    %add3A_1192 = arith.addi %mul3A_1190, %add3A_1191 : i32
    %mul3A_1193 = arith.constant 128 : i32
    %mul3A_1194 = arith.muli %mul3A_1193, %add3A_1192 : i32
    %dma_wait3A_1195 = arith.constant 43 : i32
    %dma_wait3A_1196 = tpu.memref_slice %arg3[%mul3A_1194] : memref<229376xi32, #tpu.memory_space<hbm>> -> memref<128xi32, #tpu.memory_space<hbm>>
    %dma_wait3A_1197 = tpu.memref_slice %arg2[%dma_wait3A_1195, %mul3A_1188] : memref<56x4096xi32, #tpu.memory_space<hbm>> -> memref<1x128xi32, #tpu.memory_space<hbm>>
    %dma_wait3A_1198 = tpu.memref_squeeze %dma_wait3A_1197 : memref<1x128xi32, #tpu.memory_space<hbm>> -> memref<128xi32, #tpu.memory_space<hbm>>
    tpu.wait_dma2 semaphore(%arg4 : memref<!tpu.dma_semaphore, #tpu.memory_space<semaphore_mem>>) src(%dma_wait3A_1198 : memref<128xi32, #tpu.memory_space<hbm>>) dst(%dma_wait3A_1196 : memref<128xi32, #tpu.memory_space<hbm>>)
    %mul3A_1199 = arith.constant 128 : i32
    %mul3A_1200 = arith.muli %mul3A_1199, %add3A : i32
    %mul3A_1201 = arith.constant 56 : i32
    %mul3A_1202 = arith.muli %mul3A_1201, %add3A : i32
    %add3A_1203 = arith.constant 44 : i32
    %add3A_1204 = arith.addi %mul3A_1202, %add3A_1203 : i32
    %mul3A_1205 = arith.constant 128 : i32
    %mul3A_1206 = arith.muli %mul3A_1205, %add3A_1204 : i32
    %dma_wait3A_1207 = arith.constant 44 : i32
    %dma_wait3A_1208 = tpu.memref_slice %arg3[%mul3A_1206] : memref<229376xi32, #tpu.memory_space<hbm>> -> memref<128xi32, #tpu.memory_space<hbm>>
    %dma_wait3A_1209 = tpu.memref_slice %arg2[%dma_wait3A_1207, %mul3A_1200] : memref<56x4096xi32, #tpu.memory_space<hbm>> -> memref<1x128xi32, #tpu.memory_space<hbm>>
    %dma_wait3A_1210 = tpu.memref_squeeze %dma_wait3A_1209 : memref<1x128xi32, #tpu.memory_space<hbm>> -> memref<128xi32, #tpu.memory_space<hbm>>
    tpu.wait_dma2 semaphore(%arg4 : memref<!tpu.dma_semaphore, #tpu.memory_space<semaphore_mem>>) src(%dma_wait3A_1210 : memref<128xi32, #tpu.memory_space<hbm>>) dst(%dma_wait3A_1208 : memref<128xi32, #tpu.memory_space<hbm>>)
    %mul3A_1211 = arith.constant 128 : i32
    %mul3A_1212 = arith.muli %mul3A_1211, %add3A : i32
    %mul3A_1213 = arith.constant 56 : i32
    %mul3A_1214 = arith.muli %mul3A_1213, %add3A : i32
    %add3A_1215 = arith.constant 45 : i32
    %add3A_1216 = arith.addi %mul3A_1214, %add3A_1215 : i32
    %mul3A_1217 = arith.constant 128 : i32
    %mul3A_1218 = arith.muli %mul3A_1217, %add3A_1216 : i32
    %dma_wait3A_1219 = arith.constant 45 : i32
    %dma_wait3A_1220 = tpu.memref_slice %arg3[%mul3A_1218] : memref<229376xi32, #tpu.memory_space<hbm>> -> memref<128xi32, #tpu.memory_space<hbm>>
    %dma_wait3A_1221 = tpu.memref_slice %arg2[%dma_wait3A_1219, %mul3A_1212] : memref<56x4096xi32, #tpu.memory_space<hbm>> -> memref<1x128xi32, #tpu.memory_space<hbm>>
    %dma_wait3A_1222 = tpu.memref_squeeze %dma_wait3A_1221 : memref<1x128xi32, #tpu.memory_space<hbm>> -> memref<128xi32, #tpu.memory_space<hbm>>
    tpu.wait_dma2 semaphore(%arg4 : memref<!tpu.dma_semaphore, #tpu.memory_space<semaphore_mem>>) src(%dma_wait3A_1222 : memref<128xi32, #tpu.memory_space<hbm>>) dst(%dma_wait3A_1220 : memref<128xi32, #tpu.memory_space<hbm>>)
    %mul3A_1223 = arith.constant 128 : i32
    %mul3A_1224 = arith.muli %mul3A_1223, %add3A : i32
    %mul3A_1225 = arith.constant 56 : i32
    %mul3A_1226 = arith.muli %mul3A_1225, %add3A : i32
    %add3A_1227 = arith.constant 46 : i32
    %add3A_1228 = arith.addi %mul3A_1226, %add3A_1227 : i32
    %mul3A_1229 = arith.constant 128 : i32
    %mul3A_1230 = arith.muli %mul3A_1229, %add3A_1228 : i32
    %dma_wait3A_1231 = arith.constant 46 : i32
    %dma_wait3A_1232 = tpu.memref_slice %arg3[%mul3A_1230] : memref<229376xi32, #tpu.memory_space<hbm>> -> memref<128xi32, #tpu.memory_space<hbm>>
    %dma_wait3A_1233 = tpu.memref_slice %arg2[%dma_wait3A_1231, %mul3A_1224] : memref<56x4096xi32, #tpu.memory_space<hbm>> -> memref<1x128xi32, #tpu.memory_space<hbm>>
    %dma_wait3A_1234 = tpu.memref_squeeze %dma_wait3A_1233 : memref<1x128xi32, #tpu.memory_space<hbm>> -> memref<128xi32, #tpu.memory_space<hbm>>
    tpu.wait_dma2 semaphore(%arg4 : memref<!tpu.dma_semaphore, #tpu.memory_space<semaphore_mem>>) src(%dma_wait3A_1234 : memref<128xi32, #tpu.memory_space<hbm>>) dst(%dma_wait3A_1232 : memref<128xi32, #tpu.memory_space<hbm>>)
    %mul3A_1235 = arith.constant 128 : i32
    %mul3A_1236 = arith.muli %mul3A_1235, %add3A : i32
    %mul3A_1237 = arith.constant 56 : i32
    %mul3A_1238 = arith.muli %mul3A_1237, %add3A : i32
    %add3A_1239 = arith.constant 47 : i32
    %add3A_1240 = arith.addi %mul3A_1238, %add3A_1239 : i32
    %mul3A_1241 = arith.constant 128 : i32
    %mul3A_1242 = arith.muli %mul3A_1241, %add3A_1240 : i32
    %dma_wait3A_1243 = arith.constant 47 : i32
    %dma_wait3A_1244 = tpu.memref_slice %arg3[%mul3A_1242] : memref<229376xi32, #tpu.memory_space<hbm>> -> memref<128xi32, #tpu.memory_space<hbm>>
    %dma_wait3A_1245 = tpu.memref_slice %arg2[%dma_wait3A_1243, %mul3A_1236] : memref<56x4096xi32, #tpu.memory_space<hbm>> -> memref<1x128xi32, #tpu.memory_space<hbm>>
    %dma_wait3A_1246 = tpu.memref_squeeze %dma_wait3A_1245 : memref<1x128xi32, #tpu.memory_space<hbm>> -> memref<128xi32, #tpu.memory_space<hbm>>
    tpu.wait_dma2 semaphore(%arg4 : memref<!tpu.dma_semaphore, #tpu.memory_space<semaphore_mem>>) src(%dma_wait3A_1246 : memref<128xi32, #tpu.memory_space<hbm>>) dst(%dma_wait3A_1244 : memref<128xi32, #tpu.memory_space<hbm>>)
    %mul3A_1247 = arith.constant 128 : i32
    %mul3A_1248 = arith.muli %mul3A_1247, %add3A : i32
    %mul3A_1249 = arith.constant 56 : i32
    %mul3A_1250 = arith.muli %mul3A_1249, %add3A : i32
    %add3A_1251 = arith.constant 48 : i32
    %add3A_1252 = arith.addi %mul3A_1250, %add3A_1251 : i32
    %mul3A_1253 = arith.constant 128 : i32
    %mul3A_1254 = arith.muli %mul3A_1253, %add3A_1252 : i32
    %dma_wait3A_1255 = arith.constant 48 : i32
    %dma_wait3A_1256 = tpu.memref_slice %arg3[%mul3A_1254] : memref<229376xi32, #tpu.memory_space<hbm>> -> memref<128xi32, #tpu.memory_space<hbm>>
    %dma_wait3A_1257 = tpu.memref_slice %arg2[%dma_wait3A_1255, %mul3A_1248] : memref<56x4096xi32, #tpu.memory_space<hbm>> -> memref<1x128xi32, #tpu.memory_space<hbm>>
    %dma_wait3A_1258 = tpu.memref_squeeze %dma_wait3A_1257 : memref<1x128xi32, #tpu.memory_space<hbm>> -> memref<128xi32, #tpu.memory_space<hbm>>
    tpu.wait_dma2 semaphore(%arg4 : memref<!tpu.dma_semaphore, #tpu.memory_space<semaphore_mem>>) src(%dma_wait3A_1258 : memref<128xi32, #tpu.memory_space<hbm>>) dst(%dma_wait3A_1256 : memref<128xi32, #tpu.memory_space<hbm>>)
    %mul3A_1259 = arith.constant 128 : i32
    %mul3A_1260 = arith.muli %mul3A_1259, %add3A : i32
    %mul3A_1261 = arith.constant 56 : i32
    %mul3A_1262 = arith.muli %mul3A_1261, %add3A : i32
    %add3A_1263 = arith.constant 49 : i32
    %add3A_1264 = arith.addi %mul3A_1262, %add3A_1263 : i32
    %mul3A_1265 = arith.constant 128 : i32
    %mul3A_1266 = arith.muli %mul3A_1265, %add3A_1264 : i32
    %dma_wait3A_1267 = arith.constant 49 : i32
    %dma_wait3A_1268 = tpu.memref_slice %arg3[%mul3A_1266] : memref<229376xi32, #tpu.memory_space<hbm>> -> memref<128xi32, #tpu.memory_space<hbm>>
    %dma_wait3A_1269 = tpu.memref_slice %arg2[%dma_wait3A_1267, %mul3A_1260] : memref<56x4096xi32, #tpu.memory_space<hbm>> -> memref<1x128xi32, #tpu.memory_space<hbm>>
    %dma_wait3A_1270 = tpu.memref_squeeze %dma_wait3A_1269 : memref<1x128xi32, #tpu.memory_space<hbm>> -> memref<128xi32, #tpu.memory_space<hbm>>
    tpu.wait_dma2 semaphore(%arg4 : memref<!tpu.dma_semaphore, #tpu.memory_space<semaphore_mem>>) src(%dma_wait3A_1270 : memref<128xi32, #tpu.memory_space<hbm>>) dst(%dma_wait3A_1268 : memref<128xi32, #tpu.memory_space<hbm>>)
    %mul3A_1271 = arith.constant 128 : i32
    %mul3A_1272 = arith.muli %mul3A_1271, %add3A : i32
    %mul3A_1273 = arith.constant 56 : i32
    %mul3A_1274 = arith.muli %mul3A_1273, %add3A : i32
    %add3A_1275 = arith.constant 50 : i32
    %add3A_1276 = arith.addi %mul3A_1274, %add3A_1275 : i32
    %mul3A_1277 = arith.constant 128 : i32
    %mul3A_1278 = arith.muli %mul3A_1277, %add3A_1276 : i32
    %dma_wait3A_1279 = arith.constant 50 : i32
    %dma_wait3A_1280 = tpu.memref_slice %arg3[%mul3A_1278] : memref<229376xi32, #tpu.memory_space<hbm>> -> memref<128xi32, #tpu.memory_space<hbm>>
    %dma_wait3A_1281 = tpu.memref_slice %arg2[%dma_wait3A_1279, %mul3A_1272] : memref<56x4096xi32, #tpu.memory_space<hbm>> -> memref<1x128xi32, #tpu.memory_space<hbm>>
    %dma_wait3A_1282 = tpu.memref_squeeze %dma_wait3A_1281 : memref<1x128xi32, #tpu.memory_space<hbm>> -> memref<128xi32, #tpu.memory_space<hbm>>
    tpu.wait_dma2 semaphore(%arg4 : memref<!tpu.dma_semaphore, #tpu.memory_space<semaphore_mem>>) src(%dma_wait3A_1282 : memref<128xi32, #tpu.memory_space<hbm>>) dst(%dma_wait3A_1280 : memref<128xi32, #tpu.memory_space<hbm>>)
    %mul3A_1283 = arith.constant 128 : i32
    %mul3A_1284 = arith.muli %mul3A_1283, %add3A : i32
    %mul3A_1285 = arith.constant 56 : i32
    %mul3A_1286 = arith.muli %mul3A_1285, %add3A : i32
    %add3A_1287 = arith.constant 51 : i32
    %add3A_1288 = arith.addi %mul3A_1286, %add3A_1287 : i32
    %mul3A_1289 = arith.constant 128 : i32
    %mul3A_1290 = arith.muli %mul3A_1289, %add3A_1288 : i32
    %dma_wait3A_1291 = arith.constant 51 : i32
    %dma_wait3A_1292 = tpu.memref_slice %arg3[%mul3A_1290] : memref<229376xi32, #tpu.memory_space<hbm>> -> memref<128xi32, #tpu.memory_space<hbm>>
    %dma_wait3A_1293 = tpu.memref_slice %arg2[%dma_wait3A_1291, %mul3A_1284] : memref<56x4096xi32, #tpu.memory_space<hbm>> -> memref<1x128xi32, #tpu.memory_space<hbm>>
    %dma_wait3A_1294 = tpu.memref_squeeze %dma_wait3A_1293 : memref<1x128xi32, #tpu.memory_space<hbm>> -> memref<128xi32, #tpu.memory_space<hbm>>
    tpu.wait_dma2 semaphore(%arg4 : memref<!tpu.dma_semaphore, #tpu.memory_space<semaphore_mem>>) src(%dma_wait3A_1294 : memref<128xi32, #tpu.memory_space<hbm>>) dst(%dma_wait3A_1292 : memref<128xi32, #tpu.memory_space<hbm>>)
    %mul3A_1295 = arith.constant 128 : i32
    %mul3A_1296 = arith.muli %mul3A_1295, %add3A : i32
    %mul3A_1297 = arith.constant 56 : i32
    %mul3A_1298 = arith.muli %mul3A_1297, %add3A : i32
    %add3A_1299 = arith.constant 52 : i32
    %add3A_1300 = arith.addi %mul3A_1298, %add3A_1299 : i32
    %mul3A_1301 = arith.constant 128 : i32
    %mul3A_1302 = arith.muli %mul3A_1301, %add3A_1300 : i32
    %dma_wait3A_1303 = arith.constant 52 : i32
    %dma_wait3A_1304 = tpu.memref_slice %arg3[%mul3A_1302] : memref<229376xi32, #tpu.memory_space<hbm>> -> memref<128xi32, #tpu.memory_space<hbm>>
    %dma_wait3A_1305 = tpu.memref_slice %arg2[%dma_wait3A_1303, %mul3A_1296] : memref<56x4096xi32, #tpu.memory_space<hbm>> -> memref<1x128xi32, #tpu.memory_space<hbm>>
    %dma_wait3A_1306 = tpu.memref_squeeze %dma_wait3A_1305 : memref<1x128xi32, #tpu.memory_space<hbm>> -> memref<128xi32, #tpu.memory_space<hbm>>
    tpu.wait_dma2 semaphore(%arg4 : memref<!tpu.dma_semaphore, #tpu.memory_space<semaphore_mem>>) src(%dma_wait3A_1306 : memref<128xi32, #tpu.memory_space<hbm>>) dst(%dma_wait3A_1304 : memref<128xi32, #tpu.memory_space<hbm>>)
    %mul3A_1307 = arith.constant 128 : i32
    %mul3A_1308 = arith.muli %mul3A_1307, %add3A : i32
    %mul3A_1309 = arith.constant 56 : i32
    %mul3A_1310 = arith.muli %mul3A_1309, %add3A : i32
    %add3A_1311 = arith.constant 53 : i32
    %add3A_1312 = arith.addi %mul3A_1310, %add3A_1311 : i32
    %mul3A_1313 = arith.constant 128 : i32
    %mul3A_1314 = arith.muli %mul3A_1313, %add3A_1312 : i32
    %dma_wait3A_1315 = arith.constant 53 : i32
    %dma_wait3A_1316 = tpu.memref_slice %arg3[%mul3A_1314] : memref<229376xi32, #tpu.memory_space<hbm>> -> memref<128xi32, #tpu.memory_space<hbm>>
    %dma_wait3A_1317 = tpu.memref_slice %arg2[%dma_wait3A_1315, %mul3A_1308] : memref<56x4096xi32, #tpu.memory_space<hbm>> -> memref<1x128xi32, #tpu.memory_space<hbm>>
    %dma_wait3A_1318 = tpu.memref_squeeze %dma_wait3A_1317 : memref<1x128xi32, #tpu.memory_space<hbm>> -> memref<128xi32, #tpu.memory_space<hbm>>
    tpu.wait_dma2 semaphore(%arg4 : memref<!tpu.dma_semaphore, #tpu.memory_space<semaphore_mem>>) src(%dma_wait3A_1318 : memref<128xi32, #tpu.memory_space<hbm>>) dst(%dma_wait3A_1316 : memref<128xi32, #tpu.memory_space<hbm>>)
    %mul3A_1319 = arith.constant 128 : i32
    %mul3A_1320 = arith.muli %mul3A_1319, %add3A : i32
    %mul3A_1321 = arith.constant 56 : i32
    %mul3A_1322 = arith.muli %mul3A_1321, %add3A : i32
    %add3A_1323 = arith.constant 54 : i32
    %add3A_1324 = arith.addi %mul3A_1322, %add3A_1323 : i32
    %mul3A_1325 = arith.constant 128 : i32
    %mul3A_1326 = arith.muli %mul3A_1325, %add3A_1324 : i32
    %dma_wait3A_1327 = arith.constant 54 : i32
    %dma_wait3A_1328 = tpu.memref_slice %arg3[%mul3A_1326] : memref<229376xi32, #tpu.memory_space<hbm>> -> memref<128xi32, #tpu.memory_space<hbm>>
    %dma_wait3A_1329 = tpu.memref_slice %arg2[%dma_wait3A_1327, %mul3A_1320] : memref<56x4096xi32, #tpu.memory_space<hbm>> -> memref<1x128xi32, #tpu.memory_space<hbm>>
    %dma_wait3A_1330 = tpu.memref_squeeze %dma_wait3A_1329 : memref<1x128xi32, #tpu.memory_space<hbm>> -> memref<128xi32, #tpu.memory_space<hbm>>
    tpu.wait_dma2 semaphore(%arg4 : memref<!tpu.dma_semaphore, #tpu.memory_space<semaphore_mem>>) src(%dma_wait3A_1330 : memref<128xi32, #tpu.memory_space<hbm>>) dst(%dma_wait3A_1328 : memref<128xi32, #tpu.memory_space<hbm>>)
    %mul3A_1331 = arith.constant 128 : i32
    %mul3A_1332 = arith.muli %mul3A_1331, %add3A : i32
    %mul3A_1333 = arith.constant 56 : i32
    %mul3A_1334 = arith.muli %mul3A_1333, %add3A : i32
    %add3A_1335 = arith.constant 55 : i32
    %add3A_1336 = arith.addi %mul3A_1334, %add3A_1335 : i32
    %mul3A_1337 = arith.constant 128 : i32
    %mul3A_1338 = arith.muli %mul3A_1337, %add3A_1336 : i32
    %dma_wait3A_1339 = arith.constant 55 : i32
    %dma_wait3A_1340 = tpu.memref_slice %arg3[%mul3A_1338] : memref<229376xi32, #tpu.memory_space<hbm>> -> memref<128xi32, #tpu.memory_space<hbm>>
    %dma_wait3A_1341 = tpu.memref_slice %arg2[%dma_wait3A_1339, %mul3A_1332] : memref<56x4096xi32, #tpu.memory_space<hbm>> -> memref<1x128xi32, #tpu.memory_space<hbm>>
    %dma_wait3A_1342 = tpu.memref_squeeze %dma_wait3A_1341 : memref<1x128xi32, #tpu.memory_space<hbm>> -> memref<128xi32, #tpu.memory_space<hbm>>
    tpu.wait_dma2 semaphore(%arg4 : memref<!tpu.dma_semaphore, #tpu.memory_space<semaphore_mem>>) src(%dma_wait3A_1342 : memref<128xi32, #tpu.memory_space<hbm>>) dst(%dma_wait3A_1340 : memref<128xi32, #tpu.memory_space<hbm>>)
    return
  }
}

#map = affine_map<(d0, d1) -> (0, 0)>
#map1 = affine_map<(d0, d1) -> (0)>
module attributes {stable_mosaic.version = 14 : i64} {
  func.func @_embed_sum(%arg0: i32, %arg1: i32, %arg2: memref<1000000x128xf32, #tpu.memory_space<hbm>>, %arg3: memref<229376xi32, #tpu.memory_space<hbm>>, %arg4: memref<4096x64xf32, #tpu.memory_space<hbm>>, %arg5: memref<7168xi32, #tpu.memory_space<vmem>>, %arg6: memref<128x128xf32, #tpu.memory_space<vmem>>, %arg7: memref<128x128xf32, #tpu.memory_space<vmem>>, %arg8: memref<128x64xf32, #tpu.memory_space<vmem>>, %arg9: memref<!tpu.dma_semaphore, #tpu.memory_space<semaphore_mem>>, %arg10: memref<!tpu.dma_semaphore, #tpu.memory_space<semaphore_mem>>) attributes {dimension_semantics = [#tpu.dimension_semantics<core_parallel>, #tpu.dimension_semantics<subcore_parallel>], iteration_bounds = array<i64: 2, 16>, scalar_prefetch = 0 : i64, scratch_operands = 6 : i64, tpu.core_type = #tpu.core_type<sc_vector_subcore>, window_params = [{transform_indices = #map}, {transform_indices = #map1}, {transform_indices = #map}]} {
    %mul3A = arith.constant 16 : i32
    %mul3A_0 = arith.muli %arg0, %mul3A : i32
    %add3A = arith.addi %mul3A_0, %arg1 : i32
    %mul3A_1 = arith.constant 128 : i32
    %mul3A_2 = arith.muli %add3A, %mul3A_1 : i32
    %mul3A_3 = arith.constant 7168 : i32
    %mul3A_4 = arith.muli %mul3A_3, %add3A : i32
    "tpu.region"() ({
      %run_scoped3A = tpu.sem_alloc : memref<!tpu.dma_semaphore, #tpu.memory_space<semaphore_mem>>
      %dma_start3A_40 = tpu.memref_slice %arg3[%mul3A_4] : memref<229376xi32, #tpu.memory_space<hbm>> -> memref<7168xi32, #tpu.memory_space<hbm>>
      %dma_start3A_41 = tpu.memref_slice %arg3[%mul3A_4] : memref<229376xi32, #tpu.memory_space<hbm>> -> memref<7168xi32, #tpu.memory_space<hbm>>
      tpu.enqueue_dma source(%dma_start3A_41 : memref<7168xi32, #tpu.memory_space<hbm>>) target(%arg5 : memref<7168xi32, #tpu.memory_space<vmem>>) target_semaphore(%run_scoped3A : memref<!tpu.dma_semaphore, #tpu.memory_space<semaphore_mem>>)
      %dma_wait3A_42 = tpu.memref_slice %arg3[%mul3A_4] : memref<229376xi32, #tpu.memory_space<hbm>> -> memref<7168xi32, #tpu.memory_space<hbm>>
      %dma_wait3A_43 = tpu.memref_slice %arg3[%mul3A_4] : memref<229376xi32, #tpu.memory_space<hbm>> -> memref<7168xi32, #tpu.memory_space<hbm>>
      tpu.wait_dma2 semaphore(%run_scoped3A : memref<!tpu.dma_semaphore, #tpu.memory_space<semaphore_mem>>) src(%dma_wait3A_43 : memref<7168xi32, #tpu.memory_space<hbm>>) dst(%arg5 : memref<7168xi32, #tpu.memory_space<vmem>>)
      tpu.yield
    }) : () -> ()
    %dma_start3A = arith.constant 0 : i32
    %dma_start3A_5 = tpu.memref_slice %arg5[%dma_start3A] : memref<7168xi32, #tpu.memory_space<vmem>> -> memref<128xi32, #tpu.memory_space<vmem>>
    %dma_start3A_6 = arith.constant 0 : i32
    %dma_start3A_7 = arith.constant 0 : i32
    %dma_start3A_8 = tpu.memref_slice %arg2[%dma_start3A_6, %dma_start3A_7] : memref<1000000x128xf32, #tpu.memory_space<hbm>> -> memref<1000000x128xf32, #tpu.memory_space<hbm>>
    tpu.enqueue_indirect_dma source(%dma_start3A_8 : memref<1000000x128xf32, #tpu.memory_space<hbm>>) target(%arg6 : memref<128x128xf32, #tpu.memory_space<vmem>>) offsets(%dma_start3A_5 : memref<128xi32, #tpu.memory_space<vmem>>) semaphore(%arg9 : memref<!tpu.dma_semaphore, #tpu.memory_space<semaphore_mem>>)
    %dma_start3A_9 = arith.constant 128 : i32
    %dma_start3A_10 = tpu.memref_slice %arg5[%dma_start3A_9] : memref<7168xi32, #tpu.memory_space<vmem>> -> memref<128xi32, #tpu.memory_space<vmem>>
    %dma_start3A_11 = arith.constant 0 : i32
    %dma_start3A_12 = arith.constant 0 : i32
    %dma_start3A_13 = tpu.memref_slice %arg2[%dma_start3A_11, %dma_start3A_12] : memref<1000000x128xf32, #tpu.memory_space<hbm>> -> memref<1000000x128xf32, #tpu.memory_space<hbm>>
    tpu.enqueue_indirect_dma source(%dma_start3A_13 : memref<1000000x128xf32, #tpu.memory_space<hbm>>) target(%arg7 : memref<128x128xf32, #tpu.memory_space<vmem>>) offsets(%dma_start3A_10 : memref<128xi32, #tpu.memory_space<vmem>>) semaphore(%arg10 : memref<!tpu.dma_semaphore, #tpu.memory_space<semaphore_mem>>)
    %dma_wait3A = arith.constant 0 : i32
    %dma_wait3A_14 = tpu.memref_slice %arg5[%dma_wait3A] : memref<7168xi32, #tpu.memory_space<vmem>> -> memref<128xi32, #tpu.memory_space<vmem>>
    %dma_wait3A_15 = arith.constant 0 : i32
    %dma_wait3A_16 = arith.constant 0 : i32
    %dma_wait3A_17 = tpu.memref_slice %arg2[%dma_wait3A_15, %dma_wait3A_16] : memref<1000000x128xf32, #tpu.memory_space<hbm>> -> memref<1000000x128xf32, #tpu.memory_space<hbm>>
    tpu.wait_indirect_dma semaphore(%arg9 : memref<!tpu.dma_semaphore, #tpu.memory_space<semaphore_mem>>) src(%dma_wait3A_17 : memref<1000000x128xf32, #tpu.memory_space<hbm>>) dst(%arg6 : memref<128x128xf32, #tpu.memory_space<vmem>>)
    %scan3A = arith.constant 0 : i32
    %scan3A_18 = arith.constant 0 : i32
    %scan3A_19 = arith.constant 128 : i32
    %scan3A_20 = arith.addi %scan3A_18, %scan3A_19 : i32
    %scan3A_21 = arith.constant 1 : i32
    scf.for %scan3A_40 = %scan3A_18 to %scan3A_20 step %scan3A_21  : i32 {
      %get3A = arith.index_cast %scan3A_40 : i32 to index
      %get3A_41 = arith.constant 0 : index
      %get3A_42 = tpu.vector_load %arg6[%get3A, %get3A_41] {strides = array<i32>} : memref<128x128xf32, #tpu.memory_space<vmem>>, vector<1x16xf32>,
      %get3A_43 = vector.shape_cast %get3A_42 : vector<1x16xf32> to vector<16xf32>
      %swap3A = arith.index_cast %scan3A_40 : i32 to index
      %swap3A_44 = arith.constant 0 : index
      %swap3A_45 = tpu.vector_load %arg8[%swap3A, %swap3A_44] {strides = array<i32>} : memref<128x64xf32, #tpu.memory_space<vmem>>, vector<1x16xf32>,
      %swap3A_46 = vector.shape_cast %swap3A_45 : vector<1x16xf32> to vector<16xf32>
      %swap3A_47 = vector.shape_cast %get3A_43 : vector<16xf32> to vector<1x16xf32>
      tpu.vector_store %arg8[%swap3A, %swap3A_44], %swap3A_47 {strides = array<i32>} : memref<128x64xf32, #tpu.memory_space<vmem>>, vector<1x16xf32>,
      %get3A_48 = arith.index_cast %scan3A_40 : i32 to index
      %get3A_49 = arith.constant 16 : index
      %get3A_50 = tpu.vector_load %arg6[%get3A_48, %get3A_49] {strides = array<i32>} : memref<128x128xf32, #tpu.memory_space<vmem>>, vector<1x16xf32>,
      %get3A_51 = vector.shape_cast %get3A_50 : vector<1x16xf32> to vector<16xf32>
      %swap3A_52 = arith.index_cast %scan3A_40 : i32 to index
      %swap3A_53 = arith.constant 16 : index
      %swap3A_54 = tpu.vector_load %arg8[%swap3A_52, %swap3A_53] {strides = array<i32>} : memref<128x64xf32, #tpu.memory_space<vmem>>, vector<1x16xf32>,
      %swap3A_55 = vector.shape_cast %swap3A_54 : vector<1x16xf32> to vector<16xf32>
      %swap3A_56 = vector.shape_cast %get3A_51 : vector<16xf32> to vector<1x16xf32>
      tpu.vector_store %arg8[%swap3A_52, %swap3A_53], %swap3A_56 {strides = array<i32>} : memref<128x64xf32, #tpu.memory_space<vmem>>, vector<1x16xf32>,
      %get3A_57 = arith.index_cast %scan3A_40 : i32 to index
      %get3A_58 = arith.constant 32 : index
      %get3A_59 = tpu.vector_load %arg6[%get3A_57, %get3A_58] {strides = array<i32>} : memref<128x128xf32, #tpu.memory_space<vmem>>, vector<1x16xf32>,
      %get3A_60 = vector.shape_cast %get3A_59 : vector<1x16xf32> to vector<16xf32>
      %swap3A_61 = arith.index_cast %scan3A_40 : i32 to index
      %swap3A_62 = arith.constant 32 : index
      %swap3A_63 = tpu.vector_load %arg8[%swap3A_61, %swap3A_62] {strides = array<i32>} : memref<128x64xf32, #tpu.memory_space<vmem>>, vector<1x16xf32>,
      %swap3A_64 = vector.shape_cast %swap3A_63 : vector<1x16xf32> to vector<16xf32>
      %swap3A_65 = vector.shape_cast %get3A_60 : vector<16xf32> to vector<1x16xf32>
      tpu.vector_store %arg8[%swap3A_61, %swap3A_62], %swap3A_65 {strides = array<i32>} : memref<128x64xf32, #tpu.memory_space<vmem>>, vector<1x16xf32>,
      %get3A_66 = arith.index_cast %scan3A_40 : i32 to index
      %get3A_67 = arith.constant 48 : index
      %get3A_68 = tpu.vector_load %arg6[%get3A_66, %get3A_67] {strides = array<i32>} : memref<128x128xf32, #tpu.memory_space<vmem>>, vector<1x16xf32>,
      %get3A_69 = vector.shape_cast %get3A_68 : vector<1x16xf32> to vector<16xf32>
      %swap3A_70 = arith.index_cast %scan3A_40 : i32 to index
      %swap3A_71 = arith.constant 48 : index
      %swap3A_72 = tpu.vector_load %arg8[%swap3A_70, %swap3A_71] {strides = array<i32>} : memref<128x64xf32, #tpu.memory_space<vmem>>, vector<1x16xf32>,
      %swap3A_73 = vector.shape_cast %swap3A_72 : vector<1x16xf32> to vector<16xf32>
      %swap3A_74 = vector.shape_cast %get3A_69 : vector<16xf32> to vector<1x16xf32>
      tpu.vector_store %arg8[%swap3A_70, %swap3A_71], %swap3A_74 {strides = array<i32>} : memref<128x64xf32, #tpu.memory_space<vmem>>, vector<1x16xf32>,
    }
    %scan3A_22 = arith.constant 128 : i32
    %scan3A_23 = arith.constant 0 : i32
    %scan3A_24 = arith.constant 0 : i32
    %scan3A_25 = arith.constant 24 : i32
    %scan3A_26 = arith.addi %scan3A_24, %scan3A_25 : i32
    %scan3A_27 = arith.constant 1 : i32
    scf.for %scan3A_40 = %scan3A_24 to %scan3A_26 step %scan3A_27  : i32 {
      %mul3A_41 = arith.constant 2 : i32
      %mul3A_42 = arith.muli %mul3A_41, %scan3A_40 : i32
      %add3A_43 = arith.constant 1 : i32
      %add3A_44 = arith.addi %mul3A_42, %add3A_43 : i32
      %add3A_45 = arith.constant 0 : i32
      %add3A_46 = arith.addi %add3A_44, %add3A_45 : i32
      %add3A_47 = arith.constant 1 : i32
      %add3A_48 = arith.addi %add3A_46, %add3A_47 : i32
      %lt3A = arith.constant 50 : i32
      %lt3A_49 = arith.cmpi slt, %add3A_48, %lt3A : i32
      %convert_element_type3A = arith.extui %lt3A_49 : i1 to i32
      %cond3A = arith.constant 0 : i32
      %cond3A_50 = arith.cmpi ne, %convert_element_type3A, %cond3A : i32
      scf.if %cond3A_50 {
        %add3A_88 = arith.constant 1 : i32
        %add3A_89 = arith.addi %add3A_46, %add3A_88 : i32
        %mul3A_90 = arith.constant 128 : i32
        %mul3A_91 = arith.muli %mul3A_90, %add3A_89 : i32
        %dma_start3A_92 = tpu.memref_slice %arg5[%mul3A_91] : memref<7168xi32, #tpu.memory_space<vmem>> -> memref<128xi32, #tpu.memory_space<vmem>>
        %dma_start3A_93 = arith.constant 0 : i32
        %dma_start3A_94 = arith.constant 0 : i32
        %dma_start3A_95 = tpu.memref_slice %arg2[%dma_start3A_93, %dma_start3A_94] : memref<1000000x128xf32, #tpu.memory_space<hbm>> -> memref<1000000x128xf32, #tpu.memory_space<hbm>>
        tpu.enqueue_indirect_dma source(%dma_start3A_95 : memref<1000000x128xf32, #tpu.memory_space<hbm>>) target(%arg6 : memref<128x128xf32, #tpu.memory_space<vmem>>) offsets(%dma_start3A_92 : memref<128xi32, #tpu.memory_space<vmem>>) semaphore(%arg9 : memref<!tpu.dma_semaphore, #tpu.memory_space<semaphore_mem>>)
      } else {
      }
      %mul3A_51 = arith.constant 128 : i32
      %mul3A_52 = arith.muli %mul3A_51, %add3A_46 : i32
      %dma_wait3A_53 = tpu.memref_slice %arg5[%mul3A_52] : memref<7168xi32, #tpu.memory_space<vmem>> -> memref<128xi32, #tpu.memory_space<vmem>>
      %dma_wait3A_54 = arith.constant 0 : i32
      %dma_wait3A_55 = arith.constant 0 : i32
      %dma_wait3A_56 = tpu.memref_slice %arg2[%dma_wait3A_54, %dma_wait3A_55] : memref<1000000x128xf32, #tpu.memory_space<hbm>> -> memref<1000000x128xf32, #tpu.memory_space<hbm>>
      tpu.wait_indirect_dma semaphore(%arg10 : memref<!tpu.dma_semaphore, #tpu.memory_space<semaphore_mem>>) src(%dma_wait3A_56 : memref<1000000x128xf32, #tpu.memory_space<hbm>>) dst(%arg7 : memref<128x128xf32, #tpu.memory_space<vmem>>)
      %scan3A_57 = arith.constant 0 : i32
      %scan3A_58 = arith.constant 0 : i32
      %scan3A_59 = arith.constant 128 : i32
      %scan3A_60 = arith.addi %scan3A_58, %scan3A_59 : i32
      %scan3A_61 = arith.constant 1 : i32
      scf.for %scan3A_88 = %scan3A_58 to %scan3A_60 step %scan3A_61  : i32 {
        %get3A = arith.index_cast %scan3A_88 : i32 to index
        %get3A_89 = arith.constant 0 : index
        %get3A_90 = tpu.vector_load %arg7[%get3A, %get3A_89] {strides = array<i32>} : memref<128x128xf32, #tpu.memory_space<vmem>>, vector<1x16xf32>,
        %get3A_91 = vector.shape_cast %get3A_90 : vector<1x16xf32> to vector<16xf32>
        %get3A_92 = arith.index_cast %scan3A_88 : i32 to index
        %get3A_93 = arith.constant 0 : index
        %get3A_94 = tpu.vector_load %arg8[%get3A_92, %get3A_93] {strides = array<i32>} : memref<128x64xf32, #tpu.memory_space<vmem>>, vector<1x16xf32>,
        %get3A_95 = vector.shape_cast %get3A_94 : vector<1x16xf32> to vector<16xf32>
        %add3A_96 = arith.addf %get3A_91, %get3A_95 : vector<16xf32>
        %swap3A = arith.index_cast %scan3A_88 : i32 to index
        %swap3A_97 = arith.constant 0 : index
        %swap3A_98 = tpu.vector_load %arg8[%swap3A, %swap3A_97] {strides = array<i32>} : memref<128x64xf32, #tpu.memory_space<vmem>>, vector<1x16xf32>,
        %swap3A_99 = vector.shape_cast %swap3A_98 : vector<1x16xf32> to vector<16xf32>
        %swap3A_100 = vector.shape_cast %add3A_96 : vector<16xf32> to vector<1x16xf32>
        tpu.vector_store %arg8[%swap3A, %swap3A_97], %swap3A_100 {strides = array<i32>} : memref<128x64xf32, #tpu.memory_space<vmem>>, vector<1x16xf32>,
        %get3A_101 = arith.index_cast %scan3A_88 : i32 to index
        %get3A_102 = arith.constant 16 : index
        %get3A_103 = tpu.vector_load %arg7[%get3A_101, %get3A_102] {strides = array<i32>} : memref<128x128xf32, #tpu.memory_space<vmem>>, vector<1x16xf32>,
        %get3A_104 = vector.shape_cast %get3A_103 : vector<1x16xf32> to vector<16xf32>
        %get3A_105 = arith.index_cast %scan3A_88 : i32 to index
        %get3A_106 = arith.constant 16 : index
        %get3A_107 = tpu.vector_load %arg8[%get3A_105, %get3A_106] {strides = array<i32>} : memref<128x64xf32, #tpu.memory_space<vmem>>, vector<1x16xf32>,
        %get3A_108 = vector.shape_cast %get3A_107 : vector<1x16xf32> to vector<16xf32>
        %add3A_109 = arith.addf %get3A_104, %get3A_108 : vector<16xf32>
        %swap3A_110 = arith.index_cast %scan3A_88 : i32 to index
        %swap3A_111 = arith.constant 16 : index
        %swap3A_112 = tpu.vector_load %arg8[%swap3A_110, %swap3A_111] {strides = array<i32>} : memref<128x64xf32, #tpu.memory_space<vmem>>, vector<1x16xf32>,
        %swap3A_113 = vector.shape_cast %swap3A_112 : vector<1x16xf32> to vector<16xf32>
        %swap3A_114 = vector.shape_cast %add3A_109 : vector<16xf32> to vector<1x16xf32>
        tpu.vector_store %arg8[%swap3A_110, %swap3A_111], %swap3A_114 {strides = array<i32>} : memref<128x64xf32, #tpu.memory_space<vmem>>, vector<1x16xf32>,
        %get3A_115 = arith.index_cast %scan3A_88 : i32 to index
        %get3A_116 = arith.constant 32 : index
        %get3A_117 = tpu.vector_load %arg7[%get3A_115, %get3A_116] {strides = array<i32>} : memref<128x128xf32, #tpu.memory_space<vmem>>, vector<1x16xf32>,
        %get3A_118 = vector.shape_cast %get3A_117 : vector<1x16xf32> to vector<16xf32>
        %get3A_119 = arith.index_cast %scan3A_88 : i32 to index
        %get3A_120 = arith.constant 32 : index
        %get3A_121 = tpu.vector_load %arg8[%get3A_119, %get3A_120] {strides = array<i32>} : memref<128x64xf32, #tpu.memory_space<vmem>>, vector<1x16xf32>,
        %get3A_122 = vector.shape_cast %get3A_121 : vector<1x16xf32> to vector<16xf32>
        %add3A_123 = arith.addf %get3A_118, %get3A_122 : vector<16xf32>
        %swap3A_124 = arith.index_cast %scan3A_88 : i32 to index
        %swap3A_125 = arith.constant 32 : index
        %swap3A_126 = tpu.vector_load %arg8[%swap3A_124, %swap3A_125] {strides = array<i32>} : memref<128x64xf32, #tpu.memory_space<vmem>>, vector<1x16xf32>,
        %swap3A_127 = vector.shape_cast %swap3A_126 : vector<1x16xf32> to vector<16xf32>
        %swap3A_128 = vector.shape_cast %add3A_123 : vector<16xf32> to vector<1x16xf32>
        tpu.vector_store %arg8[%swap3A_124, %swap3A_125], %swap3A_128 {strides = array<i32>} : memref<128x64xf32, #tpu.memory_space<vmem>>, vector<1x16xf32>,
        %get3A_129 = arith.index_cast %scan3A_88 : i32 to index
        %get3A_130 = arith.constant 48 : index
        %get3A_131 = tpu.vector_load %arg7[%get3A_129, %get3A_130] {strides = array<i32>} : memref<128x128xf32, #tpu.memory_space<vmem>>, vector<1x16xf32>,
        %get3A_132 = vector.shape_cast %get3A_131 : vector<1x16xf32> to vector<16xf32>
        %get3A_133 = arith.index_cast %scan3A_88 : i32 to index
        %get3A_134 = arith.constant 48 : index
        %get3A_135 = tpu.vector_load %arg8[%get3A_133, %get3A_134] {strides = array<i32>} : memref<128x64xf32, #tpu.memory_space<vmem>>, vector<1x16xf32>,
        %get3A_136 = vector.shape_cast %get3A_135 : vector<1x16xf32> to vector<16xf32>
        %add3A_137 = arith.addf %get3A_132, %get3A_136 : vector<16xf32>
        %swap3A_138 = arith.index_cast %scan3A_88 : i32 to index
        %swap3A_139 = arith.constant 48 : index
        %swap3A_140 = tpu.vector_load %arg8[%swap3A_138, %swap3A_139] {strides = array<i32>} : memref<128x64xf32, #tpu.memory_space<vmem>>, vector<1x16xf32>,
        %swap3A_141 = vector.shape_cast %swap3A_140 : vector<1x16xf32> to vector<16xf32>
        %swap3A_142 = vector.shape_cast %add3A_137 : vector<16xf32> to vector<1x16xf32>
        tpu.vector_store %arg8[%swap3A_138, %swap3A_139], %swap3A_142 {strides = array<i32>} : memref<128x64xf32, #tpu.memory_space<vmem>>, vector<1x16xf32>,
      }
      %scan3A_62 = arith.constant 128 : i32
      %mul3A_63 = arith.constant 2 : i32
      %mul3A_64 = arith.muli %mul3A_63, %scan3A_40 : i32
      %add3A_65 = arith.constant 1 : i32
      %add3A_66 = arith.addi %mul3A_64, %add3A_65 : i32
      %add3A_67 = arith.constant 1 : i32
      %add3A_68 = arith.addi %add3A_66, %add3A_67 : i32
      %add3A_69 = arith.constant 1 : i32
      %add3A_70 = arith.addi %add3A_68, %add3A_69 : i32
      %lt3A_71 = arith.constant 50 : i32
      %lt3A_72 = arith.cmpi slt, %add3A_70, %lt3A_71 : i32
      %convert_element_type3A_73 = arith.extui %lt3A_72 : i1 to i32
      %cond3A_74 = arith.constant 0 : i32
      %cond3A_75 = arith.cmpi ne, %convert_element_type3A_73, %cond3A_74 : i32
      scf.if %cond3A_75 {
        %add3A_88 = arith.constant 1 : i32
        %add3A_89 = arith.addi %add3A_68, %add3A_88 : i32
        %mul3A_90 = arith.constant 128 : i32
        %mul3A_91 = arith.muli %mul3A_90, %add3A_89 : i32
        %dma_start3A_92 = tpu.memref_slice %arg5[%mul3A_91] : memref<7168xi32, #tpu.memory_space<vmem>> -> memref<128xi32, #tpu.memory_space<vmem>>
        %dma_start3A_93 = arith.constant 0 : i32
        %dma_start3A_94 = arith.constant 0 : i32
        %dma_start3A_95 = tpu.memref_slice %arg2[%dma_start3A_93, %dma_start3A_94] : memref<1000000x128xf32, #tpu.memory_space<hbm>> -> memref<1000000x128xf32, #tpu.memory_space<hbm>>
        tpu.enqueue_indirect_dma source(%dma_start3A_95 : memref<1000000x128xf32, #tpu.memory_space<hbm>>) target(%arg7 : memref<128x128xf32, #tpu.memory_space<vmem>>) offsets(%dma_start3A_92 : memref<128xi32, #tpu.memory_space<vmem>>) semaphore(%arg10 : memref<!tpu.dma_semaphore, #tpu.memory_space<semaphore_mem>>)
      } else {
      }
      %mul3A_76 = arith.constant 128 : i32
      %mul3A_77 = arith.muli %mul3A_76, %add3A_68 : i32
      %dma_wait3A_78 = tpu.memref_slice %arg5[%mul3A_77] : memref<7168xi32, #tpu.memory_space<vmem>> -> memref<128xi32, #tpu.memory_space<vmem>>
      %dma_wait3A_79 = arith.constant 0 : i32
      %dma_wait3A_80 = arith.constant 0 : i32
      %dma_wait3A_81 = tpu.memref_slice %arg2[%dma_wait3A_79, %dma_wait3A_80] : memref<1000000x128xf32, #tpu.memory_space<hbm>> -> memref<1000000x128xf32, #tpu.memory_space<hbm>>
      tpu.wait_indirect_dma semaphore(%arg9 : memref<!tpu.dma_semaphore, #tpu.memory_space<semaphore_mem>>) src(%dma_wait3A_81 : memref<1000000x128xf32, #tpu.memory_space<hbm>>) dst(%arg6 : memref<128x128xf32, #tpu.memory_space<vmem>>)
      %scan3A_82 = arith.constant 0 : i32
      %scan3A_83 = arith.constant 0 : i32
      %scan3A_84 = arith.constant 128 : i32
      %scan3A_85 = arith.addi %scan3A_83, %scan3A_84 : i32
      %scan3A_86 = arith.constant 1 : i32
      scf.for %scan3A_88 = %scan3A_83 to %scan3A_85 step %scan3A_86  : i32 {
        %get3A = arith.index_cast %scan3A_88 : i32 to index
        %get3A_89 = arith.constant 0 : index
        %get3A_90 = tpu.vector_load %arg6[%get3A, %get3A_89] {strides = array<i32>} : memref<128x128xf32, #tpu.memory_space<vmem>>, vector<1x16xf32>,
        %get3A_91 = vector.shape_cast %get3A_90 : vector<1x16xf32> to vector<16xf32>
        %get3A_92 = arith.index_cast %scan3A_88 : i32 to index
        %get3A_93 = arith.constant 0 : index
        %get3A_94 = tpu.vector_load %arg8[%get3A_92, %get3A_93] {strides = array<i32>} : memref<128x64xf32, #tpu.memory_space<vmem>>, vector<1x16xf32>,
        %get3A_95 = vector.shape_cast %get3A_94 : vector<1x16xf32> to vector<16xf32>
        %add3A_96 = arith.addf %get3A_91, %get3A_95 : vector<16xf32>
        %swap3A = arith.index_cast %scan3A_88 : i32 to index
        %swap3A_97 = arith.constant 0 : index
        %swap3A_98 = tpu.vector_load %arg8[%swap3A, %swap3A_97] {strides = array<i32>} : memref<128x64xf32, #tpu.memory_space<vmem>>, vector<1x16xf32>,
        %swap3A_99 = vector.shape_cast %swap3A_98 : vector<1x16xf32> to vector<16xf32>
        %swap3A_100 = vector.shape_cast %add3A_96 : vector<16xf32> to vector<1x16xf32>
        tpu.vector_store %arg8[%swap3A, %swap3A_97], %swap3A_100 {strides = array<i32>} : memref<128x64xf32, #tpu.memory_space<vmem>>, vector<1x16xf32>,
        %get3A_101 = arith.index_cast %scan3A_88 : i32 to index
        %get3A_102 = arith.constant 16 : index
        %get3A_103 = tpu.vector_load %arg6[%get3A_101, %get3A_102] {strides = array<i32>} : memref<128x128xf32, #tpu.memory_space<vmem>>, vector<1x16xf32>,
        %get3A_104 = vector.shape_cast %get3A_103 : vector<1x16xf32> to vector<16xf32>
        %get3A_105 = arith.index_cast %scan3A_88 : i32 to index
        %get3A_106 = arith.constant 16 : index
        %get3A_107 = tpu.vector_load %arg8[%get3A_105, %get3A_106] {strides = array<i32>} : memref<128x64xf32, #tpu.memory_space<vmem>>, vector<1x16xf32>,
        %get3A_108 = vector.shape_cast %get3A_107 : vector<1x16xf32> to vector<16xf32>
        %add3A_109 = arith.addf %get3A_104, %get3A_108 : vector<16xf32>
        %swap3A_110 = arith.index_cast %scan3A_88 : i32 to index
        %swap3A_111 = arith.constant 16 : index
        %swap3A_112 = tpu.vector_load %arg8[%swap3A_110, %swap3A_111] {strides = array<i32>} : memref<128x64xf32, #tpu.memory_space<vmem>>, vector<1x16xf32>,
        %swap3A_113 = vector.shape_cast %swap3A_112 : vector<1x16xf32> to vector<16xf32>
        %swap3A_114 = vector.shape_cast %add3A_109 : vector<16xf32> to vector<1x16xf32>
        tpu.vector_store %arg8[%swap3A_110, %swap3A_111], %swap3A_114 {strides = array<i32>} : memref<128x64xf32, #tpu.memory_space<vmem>>, vector<1x16xf32>,
        %get3A_115 = arith.index_cast %scan3A_88 : i32 to index
        %get3A_116 = arith.constant 32 : index
        %get3A_117 = tpu.vector_load %arg6[%get3A_115, %get3A_116] {strides = array<i32>} : memref<128x128xf32, #tpu.memory_space<vmem>>, vector<1x16xf32>,
        %get3A_118 = vector.shape_cast %get3A_117 : vector<1x16xf32> to vector<16xf32>
        %get3A_119 = arith.index_cast %scan3A_88 : i32 to index
        %get3A_120 = arith.constant 32 : index
        %get3A_121 = tpu.vector_load %arg8[%get3A_119, %get3A_120] {strides = array<i32>} : memref<128x64xf32, #tpu.memory_space<vmem>>, vector<1x16xf32>,
        %get3A_122 = vector.shape_cast %get3A_121 : vector<1x16xf32> to vector<16xf32>
        %add3A_123 = arith.addf %get3A_118, %get3A_122 : vector<16xf32>
        %swap3A_124 = arith.index_cast %scan3A_88 : i32 to index
        %swap3A_125 = arith.constant 32 : index
        %swap3A_126 = tpu.vector_load %arg8[%swap3A_124, %swap3A_125] {strides = array<i32>} : memref<128x64xf32, #tpu.memory_space<vmem>>, vector<1x16xf32>,
        %swap3A_127 = vector.shape_cast %swap3A_126 : vector<1x16xf32> to vector<16xf32>
        %swap3A_128 = vector.shape_cast %add3A_123 : vector<16xf32> to vector<1x16xf32>
        tpu.vector_store %arg8[%swap3A_124, %swap3A_125], %swap3A_128 {strides = array<i32>} : memref<128x64xf32, #tpu.memory_space<vmem>>, vector<1x16xf32>,
        %get3A_129 = arith.index_cast %scan3A_88 : i32 to index
        %get3A_130 = arith.constant 48 : index
        %get3A_131 = tpu.vector_load %arg6[%get3A_129, %get3A_130] {strides = array<i32>} : memref<128x128xf32, #tpu.memory_space<vmem>>, vector<1x16xf32>,
        %get3A_132 = vector.shape_cast %get3A_131 : vector<1x16xf32> to vector<16xf32>
        %get3A_133 = arith.index_cast %scan3A_88 : i32 to index
        %get3A_134 = arith.constant 48 : index
        %get3A_135 = tpu.vector_load %arg8[%get3A_133, %get3A_134] {strides = array<i32>} : memref<128x64xf32, #tpu.memory_space<vmem>>, vector<1x16xf32>,
        %get3A_136 = vector.shape_cast %get3A_135 : vector<1x16xf32> to vector<16xf32>
        %add3A_137 = arith.addf %get3A_132, %get3A_136 : vector<16xf32>
        %swap3A_138 = arith.index_cast %scan3A_88 : i32 to index
        %swap3A_139 = arith.constant 48 : index
        %swap3A_140 = tpu.vector_load %arg8[%swap3A_138, %swap3A_139] {strides = array<i32>} : memref<128x64xf32, #tpu.memory_space<vmem>>, vector<1x16xf32>,
        %swap3A_141 = vector.shape_cast %swap3A_140 : vector<1x16xf32> to vector<16xf32>
        %swap3A_142 = vector.shape_cast %add3A_137 : vector<16xf32> to vector<1x16xf32>
        tpu.vector_store %arg8[%swap3A_138, %swap3A_139], %swap3A_142 {strides = array<i32>} : memref<128x64xf32, #tpu.memory_space<vmem>>, vector<1x16xf32>,
      }
      %scan3A_87 = arith.constant 128 : i32
    }
    %scan3A_28 = arith.constant 24 : i32
    %dma_wait3A_29 = arith.constant 6272 : i32
    %dma_wait3A_30 = tpu.memref_slice %arg5[%dma_wait3A_29] : memref<7168xi32, #tpu.memory_space<vmem>> -> memref<128xi32, #tpu.memory_space<vmem>>
    %dma_wait3A_31 = arith.constant 0 : i32
    %dma_wait3A_32 = arith.constant 0 : i32
    %dma_wait3A_33 = tpu.memref_slice %arg2[%dma_wait3A_31, %dma_wait3A_32] : memref<1000000x128xf32, #tpu.memory_space<hbm>> -> memref<1000000x128xf32, #tpu.memory_space<hbm>>
    tpu.wait_indirect_dma semaphore(%arg10 : memref<!tpu.dma_semaphore, #tpu.memory_space<semaphore_mem>>) src(%dma_wait3A_33 : memref<1000000x128xf32, #tpu.memory_space<hbm>>) dst(%arg7 : memref<128x128xf32, #tpu.memory_space<vmem>>)
    %scan3A_34 = arith.constant 0 : i32
    %scan3A_35 = arith.constant 0 : i32
    %scan3A_36 = arith.constant 128 : i32
    %scan3A_37 = arith.addi %scan3A_35, %scan3A_36 : i32
    %scan3A_38 = arith.constant 1 : i32
    scf.for %scan3A_40 = %scan3A_35 to %scan3A_37 step %scan3A_38  : i32 {
      %get3A = arith.index_cast %scan3A_40 : i32 to index
      %get3A_41 = arith.constant 0 : index
      %get3A_42 = tpu.vector_load %arg7[%get3A, %get3A_41] {strides = array<i32>} : memref<128x128xf32, #tpu.memory_space<vmem>>, vector<1x16xf32>,
      %get3A_43 = vector.shape_cast %get3A_42 : vector<1x16xf32> to vector<16xf32>
      %get3A_44 = arith.index_cast %scan3A_40 : i32 to index
      %get3A_45 = arith.constant 0 : index
      %get3A_46 = tpu.vector_load %arg8[%get3A_44, %get3A_45] {strides = array<i32>} : memref<128x64xf32, #tpu.memory_space<vmem>>, vector<1x16xf32>,
      %get3A_47 = vector.shape_cast %get3A_46 : vector<1x16xf32> to vector<16xf32>
      %add3A_48 = arith.addf %get3A_43, %get3A_47 : vector<16xf32>
      %swap3A = arith.index_cast %scan3A_40 : i32 to index
      %swap3A_49 = arith.constant 0 : index
      %swap3A_50 = tpu.vector_load %arg8[%swap3A, %swap3A_49] {strides = array<i32>} : memref<128x64xf32, #tpu.memory_space<vmem>>, vector<1x16xf32>,
      %swap3A_51 = vector.shape_cast %swap3A_50 : vector<1x16xf32> to vector<16xf32>
      %swap3A_52 = vector.shape_cast %add3A_48 : vector<16xf32> to vector<1x16xf32>
      tpu.vector_store %arg8[%swap3A, %swap3A_49], %swap3A_52 {strides = array<i32>} : memref<128x64xf32, #tpu.memory_space<vmem>>, vector<1x16xf32>,
      %get3A_53 = arith.index_cast %scan3A_40 : i32 to index
      %get3A_54 = arith.constant 16 : index
      %get3A_55 = tpu.vector_load %arg7[%get3A_53, %get3A_54] {strides = array<i32>} : memref<128x128xf32, #tpu.memory_space<vmem>>, vector<1x16xf32>,
      %get3A_56 = vector.shape_cast %get3A_55 : vector<1x16xf32> to vector<16xf32>
      %get3A_57 = arith.index_cast %scan3A_40 : i32 to index
      %get3A_58 = arith.constant 16 : index
      %get3A_59 = tpu.vector_load %arg8[%get3A_57, %get3A_58] {strides = array<i32>} : memref<128x64xf32, #tpu.memory_space<vmem>>, vector<1x16xf32>,
      %get3A_60 = vector.shape_cast %get3A_59 : vector<1x16xf32> to vector<16xf32>
      %add3A_61 = arith.addf %get3A_56, %get3A_60 : vector<16xf32>
      %swap3A_62 = arith.index_cast %scan3A_40 : i32 to index
      %swap3A_63 = arith.constant 16 : index
      %swap3A_64 = tpu.vector_load %arg8[%swap3A_62, %swap3A_63] {strides = array<i32>} : memref<128x64xf32, #tpu.memory_space<vmem>>, vector<1x16xf32>,
      %swap3A_65 = vector.shape_cast %swap3A_64 : vector<1x16xf32> to vector<16xf32>
      %swap3A_66 = vector.shape_cast %add3A_61 : vector<16xf32> to vector<1x16xf32>
      tpu.vector_store %arg8[%swap3A_62, %swap3A_63], %swap3A_66 {strides = array<i32>} : memref<128x64xf32, #tpu.memory_space<vmem>>, vector<1x16xf32>,
      %get3A_67 = arith.index_cast %scan3A_40 : i32 to index
      %get3A_68 = arith.constant 32 : index
      %get3A_69 = tpu.vector_load %arg7[%get3A_67, %get3A_68] {strides = array<i32>} : memref<128x128xf32, #tpu.memory_space<vmem>>, vector<1x16xf32>,
      %get3A_70 = vector.shape_cast %get3A_69 : vector<1x16xf32> to vector<16xf32>
      %get3A_71 = arith.index_cast %scan3A_40 : i32 to index
      %get3A_72 = arith.constant 32 : index
      %get3A_73 = tpu.vector_load %arg8[%get3A_71, %get3A_72] {strides = array<i32>} : memref<128x64xf32, #tpu.memory_space<vmem>>, vector<1x16xf32>,
      %get3A_74 = vector.shape_cast %get3A_73 : vector<1x16xf32> to vector<16xf32>
      %add3A_75 = arith.addf %get3A_70, %get3A_74 : vector<16xf32>
      %swap3A_76 = arith.index_cast %scan3A_40 : i32 to index
      %swap3A_77 = arith.constant 32 : index
      %swap3A_78 = tpu.vector_load %arg8[%swap3A_76, %swap3A_77] {strides = array<i32>} : memref<128x64xf32, #tpu.memory_space<vmem>>, vector<1x16xf32>,
      %swap3A_79 = vector.shape_cast %swap3A_78 : vector<1x16xf32> to vector<16xf32>
      %swap3A_80 = vector.shape_cast %add3A_75 : vector<16xf32> to vector<1x16xf32>
      tpu.vector_store %arg8[%swap3A_76, %swap3A_77], %swap3A_80 {strides = array<i32>} : memref<128x64xf32, #tpu.memory_space<vmem>>, vector<1x16xf32>,
      %get3A_81 = arith.index_cast %scan3A_40 : i32 to index
      %get3A_82 = arith.constant 48 : index
      %get3A_83 = tpu.vector_load %arg7[%get3A_81, %get3A_82] {strides = array<i32>} : memref<128x128xf32, #tpu.memory_space<vmem>>, vector<1x16xf32>,
      %get3A_84 = vector.shape_cast %get3A_83 : vector<1x16xf32> to vector<16xf32>
      %get3A_85 = arith.index_cast %scan3A_40 : i32 to index
      %get3A_86 = arith.constant 48 : index
      %get3A_87 = tpu.vector_load %arg8[%get3A_85, %get3A_86] {strides = array<i32>} : memref<128x64xf32, #tpu.memory_space<vmem>>, vector<1x16xf32>,
      %get3A_88 = vector.shape_cast %get3A_87 : vector<1x16xf32> to vector<16xf32>
      %add3A_89 = arith.addf %get3A_84, %get3A_88 : vector<16xf32>
      %swap3A_90 = arith.index_cast %scan3A_40 : i32 to index
      %swap3A_91 = arith.constant 48 : index
      %swap3A_92 = tpu.vector_load %arg8[%swap3A_90, %swap3A_91] {strides = array<i32>} : memref<128x64xf32, #tpu.memory_space<vmem>>, vector<1x16xf32>,
      %swap3A_93 = vector.shape_cast %swap3A_92 : vector<1x16xf32> to vector<16xf32>
      %swap3A_94 = vector.shape_cast %add3A_89 : vector<16xf32> to vector<1x16xf32>
      tpu.vector_store %arg8[%swap3A_90, %swap3A_91], %swap3A_94 {strides = array<i32>} : memref<128x64xf32, #tpu.memory_space<vmem>>, vector<1x16xf32>,
    }
    %scan3A_39 = arith.constant 128 : i32
    "tpu.region"() ({
      %run_scoped3A = tpu.sem_alloc : memref<!tpu.dma_semaphore, #tpu.memory_space<semaphore_mem>>
      %dma_start3A_40 = arith.constant 0 : i32
      %dma_start3A_41 = tpu.memref_slice %arg4[%mul3A_2, %dma_start3A_40] : memref<4096x64xf32, #tpu.memory_space<hbm>> -> memref<128x64xf32, #tpu.memory_space<hbm>>
      %dma_start3A_42 = arith.constant 0 : i32
      %dma_start3A_43 = tpu.memref_slice %arg4[%mul3A_2, %dma_start3A_42] : memref<4096x64xf32, #tpu.memory_space<hbm>> -> memref<128x64xf32, #tpu.memory_space<hbm>>
      tpu.enqueue_dma source(%arg8 : memref<128x64xf32, #tpu.memory_space<vmem>>) target(%dma_start3A_43 : memref<128x64xf32, #tpu.memory_space<hbm>>) target_semaphore(%run_scoped3A : memref<!tpu.dma_semaphore, #tpu.memory_space<semaphore_mem>>)
      %dma_wait3A_44 = arith.constant 0 : i32
      %dma_wait3A_45 = tpu.memref_slice %arg4[%mul3A_2, %dma_wait3A_44] : memref<4096x64xf32, #tpu.memory_space<hbm>> -> memref<128x64xf32, #tpu.memory_space<hbm>>
      %dma_wait3A_46 = arith.constant 0 : i32
      %dma_wait3A_47 = tpu.memref_slice %arg4[%mul3A_2, %dma_wait3A_46] : memref<4096x64xf32, #tpu.memory_space<hbm>> -> memref<128x64xf32, #tpu.memory_space<hbm>>
      tpu.wait_dma2 semaphore(%run_scoped3A : memref<!tpu.dma_semaphore, #tpu.memory_space<semaphore_mem>>) src(%arg8 : memref<128x64xf32, #tpu.memory_space<vmem>>) dst(%dma_wait3A_47 : memref<128x64xf32, #tpu.memory_space<hbm>>)
      tpu.yield
    }) : () -> ()
    return
  }
}

</mosaic_0001>

<sc_bundles>
// kernel: kernel.4.cloned.1.call-start
scs
__scs_entry_jumppad:
0x0: {  	(pc) =	sbr.rel $0x88, $3  }
0x1: {  	(tag) =	ssettag $0x0;
	lr =	simm.s32 $0x1  }
0x2: {  	[smem:$0x3F9F] =	sst lr;
	_ =	strace $0xD0000000  }
0x3: {  	_ = 	snop  }
0x4: {  	_ = 	snop  }
0x5: {  	_ = 	snop  }
0x6: {  	_ = 	snop  }
0x7: {  	_ = 	snop  }
__scs_overlays_trampoline_lowered:
0x8: {  	[smem:$0x3FAE] =	sst s0  }
0x9: {  	[smem:$0x3FAF] =	sst s1  }
0xa: {  	[smem:$0x3FB0] =	sst s2  }
0xb: {  	[smem:$0x3FB1] =	sst s3  }
0xc: {  	[smem:$0x3FB2] =	sst s4  }
0xd: {  	[smem:$0x3FB3] =	sst s5  }
0xe: {  	[smem:$0x3FB4] =	sst s6  }
0xf: {  	[smem:$0x3FB5] =	sst s7  }
0x10: {  	[smem:$0x3FB6] =	sst s8  }
0x11: {  	[smem:$0x3FB7] =	sst s9;
	s0 =	simm.s32 @!p0 $0x0  }
0x12: {  	s1 =	sld [smem:$0x3F9D];
	s0 =	simm.s32 @p0 $0x1  }
0x13: {  	[smem:$0x3FB8] =	sst s0;
	s0 =	simm.s32 @!p1 $0x0  }
0x14: {  	s2 =	sld [smem:$0x3F9C];
	s0 =	simm.s32 @p1 $0x1  }
0x15: {  	[smem:$0x3FB9] =	sst s0;
	s0 =	simm.s32 @!p2 $0x0  }
0x16: {  	s3 =	sld [smem:$0x3FDB];
	s0 =	simm.s32 @p2 $0x1  }
0x17: {  	s4 =	simm.s32 $0x1BF5;
	[smem:$0x3FBB] =	sst s0  }
0x18: {  	s0 =	sld [smem:$0x3F9E];
	_ =	swait.ge [sflag:s4], $0x0  }
0x19: {  	s7 =	sld [smem:$0x3F9F]  }
0x1a: {  	s8 =	sadd.s32 $0xFFFFE003, lr  }
0x1b: {  	s9 =	sadd.s32 $0xFFFFFEF7, lr;
	s5 =	simm.s32 $0xFFFFFFFF;
	p2 =	slt.u32 s8, $0xFFFFF086  }
0x1c: {  	p1 =	slt.u32 s9, $0xF7A;
	s5 =	simm.s32 @!p2 $0x0  }
0x1d: {  	s5 =	simm.s32 @p1 $0x1;
	p0 =	seq.s32 s7, s2  }
0x1e: {  	s7 =	smul.u32 @!p0 $0xF7A, s2;
	p2 =	seq.s32 @!p0 s5, $0x0  }
0x1f: {  	s9 =	smul.u32 $0xF7A, s1;
	s8 =	simm.s32 @!p0 $0x1BF5;
	p2 =	por !p2, p0  }
0x20: {  	[sflag:s8] =	ssyncset.s32 @!p0 $0xFFFFF086;
	s6 =	sadd.s32 @!p0 s3, s7;
	s7 =	simm.s32 @!p0 $0x108  }
0x21: {  	s3 =	sadd.s32 s3, s9;
	s6 =	sadd.s32 @!p0 $0x88, s6;
	s7 =	simm.s32 @p2 $0x1082  }
0x22: {  	[simem:s7], [sflag:s8] =	dma.local @!p0 [hbm:s6], $0xF7A  }
0x23: {  	s9 =	sor.u32 $0xD0000000, s2;
	s6 =	simm.s32 $0x108;
	_ =	swait.ge @!p0 [sflag:s8], $0x0  }
0x24: {  	s3 =	sadd.s32 $0x88, s3;
	s6 =	simm.s32 @!p1 $0x1082;
	[sflag:s4] =	ssyncset.s32 $0xFFFFF086  }
0x25: {  	[simem:s6], [sflag:s4] =	dma.local [hbm:s3], $0xF7A  }
0x26: {  	[smem:$0x3F9F] =	sst s1;
	(tag) =	ssettag s2;
	_ =	strace s9  }
0x27: {  	s1 =	sld [smem:$0x3FAF]  }
0x28: {  	s2 =	sld [smem:$0x3FB0]  }
0x29: {  	s4 =	sld [smem:$0x3FB2]  }
0x2a: {  	p0 =	seq.s32 s5, $0x0;
	s5 =	sld [smem:$0x3FB3]  }
0x2b: {  	s6 =	sld [smem:$0x3FB4]  }
0x2c: {  	s7 =	sld [smem:$0x3FB5]  }
0x2d: {  	s3 =	simm.s32 $0x108;
	s8 =	sld [smem:$0x3FB6]  }
0x2e: {  	s3 =	simm.s32 @!p0 $0x1082;
	s9 =	sld [smem:$0x3FB7]  }
0x2f: {  	lr =	sadd.s32 s0, s3;
	s0 =	sld [smem:$0x3FAE]  }
0x30: {  	s3 =	sld [smem:$0x3FB1]  }
0x31: {  	[smem:$0x3FBA] =	sst s10  }
0x32: {  	s10 =	sld [smem:$0x3FB8];
	_ =	sdelay $0x3  }
0x33: {  	p0 =	seq.s32 s10, $0x1;
	s10 =	sld [smem:$0x3FBA];
	_ =	sdelay $0x3  }
0x34: {  	[smem:$0x3FBA] =	sst s10  }
0x35: {  	s10 =	sld [smem:$0x3FB9];
	_ =	sdelay $0x3  }
0x36: {  	p1 =	seq.s32 s10, $0x1;
	s10 =	sld [smem:$0x3FBA];
	_ =	sdelay $0x3  }
0x37: {  	[smem:$0x3FBA] =	sst s10  }
0x38: {  	s10 =	sld [smem:$0x3FBB]  }
0x39: {  	_ = 	snop;
	(pc) =	sbr.ind lr, $3  }
0x3a: {  	_ = 	snop  }
0x3b: {  	_ = 	snop  }
0x3c: {  	p2 =	seq.s32 s10, $0x1;
	s10 =	sld [smem:$0x3FBA]  }
0x3d: {  	_ =	shalt  }
0x3e: {  	_ =	shalt  }
0x3f: {  	_ =	shalt  }
0x40: {  	_ =	shalt  }
0x41: {  	_ =	shalt  }
0x42: {  	_ =	shalt  }
0x43: {  	_ =	shalt  }
0x44: {  	_ =	shalt  }
0x45: {  	_ =	shalt  }
0x46: {  	_ =	shalt  }
0x47: {  	_ =	shalt  }
0x48: {  	_ =	shalt  }
0x49: {  	_ =	shalt  }
0x4a: {  	_ =	shalt  }
0x4b: {  	_ =	shalt  }
0x4c: {  	_ =	shalt  }
0x4d: {  	_ =	shalt  }
0x4e: {  	_ =	shalt  }
0x4f: {  	_ =	shalt  }
0x50: {  	_ =	shalt  }
0x51: {  	_ =	shalt  }
0x52: {  	_ =	shalt  }
0x53: {  	_ =	shalt  }
0x54: {  	_ =	shalt  }
0x55: {  	_ =	shalt  }
0x56: {  	_ =	shalt  }
0x57: {  	_ =	shalt  }
0x58: {  	_ =	shalt  }
0x59: {  	_ =	shalt  }
0x5a: {  	_ =	shalt  }
0x5b: {  	_ =	shalt  }
0x5c: {  	_ =	shalt  }
0x5d: {  	_ =	shalt  }
0x5e: {  	_ =	shalt  }
0x5f: {  	_ =	shalt  }
0x60: {  	_ =	shalt  }
0x61: {  	_ =	shalt  }
0x62: {  	_ =	shalt  }
0x63: {  	_ =	shalt  }
0x64: {  	_ =	shalt  }
0x65: {  	_ =	shalt  }
0x66: {  	_ =	shalt  }
0x67: {  	_ =	shalt  }
0x68: {  	_ =	shalt  }
0x69: {  	_ =	shalt  }
0x6a: {  	_ =	shalt  }
0x6b: {  	_ =	shalt  }
0x6c: {  	_ =	shalt  }
0x6d: {  	_ =	shalt  }
0x6e: {  	_ =	shalt  }
0x6f: {  	_ =	shalt  }
0x70: {  	_ =	shalt  }
0x71: {  	_ =	shalt  }
0x72: {  	_ =	shalt  }
0x73: {  	_ =	shalt  }
0x74: {  	_ =	shalt  }
0x75: {  	_ =	shalt  }
0x76: {  	_ =	shalt  }
0x77: {  	_ =	shalt  }
0x78: {  	_ =	shalt  }
0x79: {  	_ =	shalt  }
0x7a: {  	_ =	shalt  }
0x7b: {  	_ =	shalt  }
0x7c: {  	_ =	shalt  }
0x7d: {  	_ =	shalt  }
0x7e: {  	_ =	shalt  }
0x7f: {  	_ =	shalt  }
0x80: {  	_ =	shalt  }
0x81: {  	_ =	shalt  }
0x82: {  	_ =	shalt  }
0x83: {  	_ =	shalt  }
0x84: {  	_ =	shalt  }
0x85: {  	_ =	shalt  }
0x86: {  	_ =	shalt  }
0x87: {  	_ =	shalt  }
.Lfunc_end0:
.L_simem_size_0:
called_computation_lowered:
.L_overlay_start_0:
0x88: {  	s2 =	sld [smem:$0x3FD9]  }
0x89: {  	s3 =	sld [smem:$0x3FFE];
	_ =	sdelay $0x1  }
0x8a: {  	s1 =	srdreg.scid  }
0x8b: {  	s0 =	sand.u32 $0x1, s1  }
0x8c: {  	s17 =	sshll.u32 s0, $0xA;
	s2 =	sadd.s32 s3, s2  }
0x8d: {  	s2 =	sadd.s32 s2, s17  }
0x8e: {  	[smem:$0x3FC6] =	sst s2  }
0x8f: {  	_ = 	snop  }
0x90: {  	s2 =	sld [smem:$0x3FD0];
	(tm) =	ssettm $0x1  }
0x91: {  	s18 =	sld [smem:$0x3FFB];
	_ =	sdelay $0x3  }
0x92: {  	_ =	strace s18  }
0x93: {  	s3 =	sld [smem:$0x3FFC];
	_ =	sdelay $0x3  }
0x94: {  	_ =	strace s3  }
0x95: {  	s3 =	sld [smem:$0x3FFD];
	_ =	sdelay $0x3  }
0x96: {  	_ =	strace s3  }
0x97: {  	_ =	strace $0x8FFFFFFF  }
0x98: {  	s19 =	sld [smem:$0x3FDB];
	_ =	sdelay $0x1  }
0x99: {  	s4 =	simm.s32 $_scs_section_size  }
0x9a: {  	s5 =	simm.s32 $_size__tile_overlayer_lowered;
	s6 =	simm.s32 $_tile_overlayer_lowered  }
0x9b: {  	s22 =	simm.s32 $0x1BFF;
	s21 =	sshll.u32 s6, $0x1;
	s3 =	sadd.s32 s4, s19  }
0x9c: {  	s7 =	simm.s32 $0x0;
	s20 =	sshll.u32 s5, $0x1;
	s5 =	sadd.s32 s21, s3  }
0x9d: {  	[timem:s7], [sflag:s22] =	dma.local [hbm:s5], s20  }
0x9e: {  	_ =	swait.ge [sflag:s22], s20  }
0x9f: {  	s4 =	ssub.s32 $0x0, s20;
	[sflag:s22] =	ssyncset.done $0x0  }
0xa0: {  	[sflag:s22] =	ssyncadd.s32 s4;
	_ =	sdelay $0x1  }
0xa1: {  	s23 =	simm.s32 $0x1B8B  }
0xa2: {  	_ =	swait.ge [sflag:s23], $0x1  }
0xa3: {  	[sflag:s23] =	ssyncset.done $0x0  }
0xa4: {  	s25 =	simm.s32 $0x1B8E;
	s24 =	sld [smem:$0x3FFE];
	[sflag:s23] =	ssyncadd.s32 $0xFFFFFFFF  }
0xa5: {  	s26 =	simm.s32 $execute0_lowered;
	[smem:$0x3FD2] =	sst s25  }
0xa6: {  	s5 =	sshll.u32 s26, $0x1;
	_ =	strace $0x80000046;
	[dreg:$0x1] =	wrdreg $0xFFFFFFFF  }
0xa7: {  	s28 =	simm.s32 $_size_execute0_lowered;
	s3 =	sadd.s32 s3, s5;
	[dreg:$0x0] =	wrdreg $0x0  }
0xa8: {  	s5 =	sshll.u32 s28, $0x1;
	[dreg:$0x2] =	wrdreg s3  }
0xa9: {  	[dreg:$0x3] =	wrdreg s5  }
0xaa: {  	[dreg:$0x4] =	wrdreg $0xC0  }
0xab: {  	_ =	task [dreg:s7], $0x5FFFF  }
0xac: {  	[dreg:$0x1] =	wrdreg $0xFFFFFFFF  }
0xad: {  	[dreg:$0x0] =	wrdreg $0x60  }
0xae: {  	[dreg:$0x2] =	wrdreg s2  }
0xaf: {  	[dreg:$0x3] =	wrdreg s24  }
0xb0: {  	[dreg:$0x4] =	wrdreg $0x9  }
0xb1: {  	_ =	task.clear_ibuf [dreg:s7], $0x5FFFF;
	_ =	strace $0x90000046  }
0xb2: {  	s29 =	simm.s32 $0x9;
	_ =	strace $0x80000048  }
0xb3: {  	_ =	swait.ge [sflag:s29], $0x1  }
0xb4: {  	[sflag:s29] =	ssyncadd.s32 $0xFFFFFFFF  }
0xb5: {  	_ =	strace $0x90000048  }
0xb6: {  	_ =	sfence  }
0xb7: {  	s30 =	sld [smem:$0x0];
	_ =	sdelay $0x2  }
0xb8: {  	s31 =	sshll.u32 s1, $0xD;
	s1 =	sshrl.u32 s1, $0x2  }
0xb9: {  	s3 =	sand.u32 $0x4000, s31;
	s1 =	sadd.s32 s1, s30  }
0xba: {  	s0 =	sor.u32 s3, s0;
	s1 =	sshll.u32 s1, $0x11  }
0xbb: {  	s0 =	sor.u32 s1, s0  }
0xbc: {  	s0 =	sadd.s32 $0x8F2B, s0  }
0xbd: {  	[sflag:s0] =	ssyncadd.remote.s32 $0x1  }
0xbe: {  	_ =	sfence.sel $0xFFFF  }
0xbf: {  	[dreg:$0x0] =	wrdreg $0xFFFFFFFF;
	(pc) =	sbr.abs _section_cstart, $3  }
0xc0: {  	[dreg:$0x1] =	wrdreg $0xFFFFFFFF  }
0xc1: {  	_ =	task.clear_ibuf [dreg:s7], $0x2FFFF;
	_ =	strace $0x9FFFFFFF  }
0xc2: {  	(tm) =	ssettm $0x7FFFFFFF  }
0xc3: {  	_ =	shalt  }
tec
execute0_lowered:
.L_overlay_start_1:
0x0: {  	(tag) =	ssettag $0x1  }
0x1: {  	s0 =	srdreg.scid  }
0x2: {  	s1 =	sand.u32 $0x1, s0  }
0x3: {  	s0 =	stileid.u32;
	s2 =	sshll.u32 s1, $0x4  }
0x4: {  	s3 =	rddreg [dreg:$0x0];
	s6 =	simm.s32 $0x0;
	s4 =	sor.u32 s0, s2  }
0x5: {  	[smem:$0x7FF] =	sst s6;
	s6 =	sshll.u32 s4, $0x7  }
0x6: {  	s31 =	sadd.s32 s3, s6  }
0x7: {  	s26 =	rddreg [dreg:$0x1];
	s9 =	sadd.s32 $0x10, s31  }
0x8: {  	_ =	strace $0x80000047;
	s11 =	sadd.s32 $0x20, s31;
	[dreg:$0x4] =	wrdreg s9  }
0x9: {  	s13 =	sadd.s32 $0x30, s31;
	[dreg:$0x6] =	wrdreg s11  }
0xa: {  	s15 =	sadd.s32 $0x40, s31;
	[dreg:$0x8] =	wrdreg s13  }
0xb: {  	s17 =	sadd.s32 $0x50, s31;
	[dreg:$0xa] =	wrdreg s15  }
0xc: {  	s19 =	sadd.s32 $0x60, s31;
	[dreg:$0xc] =	wrdreg s17  }
0xd: {  	s21 =	sadd.s32 $0x70, s31;
	[dreg:$0xe] =	wrdreg s19  }
0xe: {  	s22 =	sadd.s32 $0x1000, s31;
	[dreg:$0x10] =	wrdreg s21  }
0xf: {  	s7 =	sadd.s32 $0x800, s26;
	s24 =	sadd.s32 $0x1010, s31;
	[dreg:$0x12] =	wrdreg s22  }
0x10: {  	s5 =	smul.u32 $0x380, s4;
	s26 =	sadd.s32 $0x1020, s31;
	[dreg:$0x14] =	wrdreg s24  }
0x11: {  	s6 =	sadd.s32 $0x1030, s31;
	[dreg:$0x16] =	wrdreg s26  }
0x12: {  	s2 =	sadd.s32 s7, s5;
	[dreg:$0x18] =	wrdreg s6  }
0x13: {  	s8 =	sadd.s32 $0x10, s2;
	[smem:$0x7C5] =	sst s2  }
0x14: {  	s10 =	sadd.s32 $0x20, s2;
	[dreg:$0x3] =	wrdreg s8  }
0x15: {  	s12 =	sadd.s32 $0x30, s2;
	[dreg:$0x5] =	wrdreg s10  }
0x16: {  	s14 =	sadd.s32 $0x40, s2;
	[dreg:$0x7] =	wrdreg s12  }
0x17: {  	s16 =	sadd.s32 $0x50, s2;
	[dreg:$0x9] =	wrdreg s14  }
0x18: {  	s18 =	sadd.s32 $0x60, s2;
	[dreg:$0xb] =	wrdreg s16  }
0x19: {  	s20 =	sadd.s32 $0x70, s2;
	[dreg:$0xd] =	wrdreg s18  }
0x1a: {  	s4 =	smul.u32 $0x1C00, s4;
	s22 =	sadd.s32 $0x2030, s31;
	[dreg:$0xf] =	wrdreg s20  }
0x1b: {  	s24 =	sadd.s32 $0x2040, s31;
	[smem:$0x7CE] =	sst s22  }
0x1c: {  	s4 =	sshrl.u32 s4, $0x3;
	s26 =	sadd.s32 $0x2050, s31;
	[smem:$0x7D0] =	sst s24  }
0x1d: {  	s5 =	sadd.s32 s7, s4;
	s6 =	sadd.s32 $0x2060, s31;
	[smem:$0x7D2] =	sst s26  }
0x1e: {  	s4 =	sadd.s32 $0x80, s5;
	[smem:$0x7D4] =	sst s6  }
0x1f: {  	s23 =	sadd.s32 $0x90, s5;
	[dreg:$0x11] =	wrdreg s4  }
0x20: {  	s25 =	sadd.s32 $0xA0, s5;
	[dreg:$0x13] =	wrdreg s23  }
0x21: {  	s3 =	sadd.s32 $0xB0, s5;
	[dreg:$0x15] =	wrdreg s25  }
0x22: {  	s7 =	sadd.s32 $0xC0, s5;
	[dreg:$0x17] =	wrdreg s3  }
0x23: {  	s8 =	sadd.s32 $0x1040, s31;
	[dreg:$0x19] =	wrdreg s7  }
0x24: {  	s9 =	sadd.s32 $0xD0, s5;
	[dreg:$0x1a] =	wrdreg s8  }
0x25: {  	s10 =	sadd.s32 $0x1050, s31;
	[dreg:$0x1b] =	wrdreg s9  }
0x26: {  	s11 =	sadd.s32 $0xE0, s5;
	[dreg:$0x1c] =	wrdreg s10  }
0x27: {  	s12 =	sadd.s32 $0x1060, s31;
	[dreg:$0x1d] =	wrdreg s11  }
0x28: {  	s13 =	sadd.s32 $0xF0, s5;
	[dreg:$0x1e] =	wrdreg s12  }
0x29: {  	s14 =	sadd.s32 $0x1070, s31;
	[dreg:$0x1f] =	wrdreg s13  }
0x2a: {  	s15 =	sadd.s32 $0x100, s5;
	[smem:$0x7C6] =	sst s14  }
0x2b: {  	s16 =	sadd.s32 $0x2000, s31;
	[smem:$0x7C7] =	sst s15  }
0x2c: {  	s17 =	sadd.s32 $0x110, s5;
	[smem:$0x7C8] =	sst s16  }
0x2d: {  	s18 =	sadd.s32 $0x2010, s31;
	[smem:$0x7C9] =	sst s17  }
0x2e: {  	s19 =	sadd.s32 $0x120, s5;
	[smem:$0x7CA] =	sst s18  }
0x2f: {  	s20 =	sadd.s32 $0x2020, s31;
	[smem:$0x7CB] =	sst s19  }
0x30: {  	s21 =	sadd.s32 $0x130, s5;
	[smem:$0x7CC] =	sst s20  }
0x31: {  	s22 =	sadd.s32 $0x3060, s31;
	[smem:$0x7CD] =	sst s21  }
0x32: {  	s24 =	sadd.s32 $0x3070, s31;
	[smem:$0x7E4] =	sst s22  }
0x33: {  	s26 =	sadd.s32 $0x4000, s31;
	[smem:$0x7E6] =	sst s24  }
0x34: {  	s6 =	sadd.s32 $0x4010, s31;
	[smem:$0x7E8] =	sst s26  }
0x35: {  	s23 =	sadd.s32 $0x140, s5;
	[smem:$0x7EA] =	sst s6  }
0x36: {  	s25 =	sadd.s32 $0x150, s5;
	[smem:$0x7CF] =	sst s23  }
0x37: {  	s3 =	sadd.s32 $0x160, s5;
	[smem:$0x7D1] =	sst s25  }
0x38: {  	s7 =	sadd.s32 $0x170, s5;
	[smem:$0x7D3] =	sst s3  }
0x39: {  	s8 =	sadd.s32 $0x2070, s31;
	[smem:$0x7D5] =	sst s7  }
0x3a: {  	s9 =	sadd.s32 $0x180, s5;
	[smem:$0x7D6] =	sst s8  }
0x3b: {  	s10 =	sadd.s32 $0x3000, s31;
	[smem:$0x7D7] =	sst s9  }
0x3c: {  	s11 =	sadd.s32 $0x190, s5;
	[smem:$0x7D8] =	sst s10  }
0x3d: {  	s12 =	sadd.s32 $0x3010, s31;
	[smem:$0x7D9] =	sst s11  }
0x3e: {  	s13 =	sadd.s32 $0x1A0, s5;
	[smem:$0x7DA] =	sst s12  }
0x3f: {  	s14 =	sadd.s32 $0x3020, s31;
	[smem:$0x7DB] =	sst s13  }
0x40: {  	s15 =	sadd.s32 $0x1B0, s5;
	[smem:$0x7DC] =	sst s14  }
0x41: {  	s16 =	sadd.s32 $0x3030, s31;
	[smem:$0x7DD] =	sst s15  }
0x42: {  	s17 =	sadd.s32 $0x1C0, s5;
	[smem:$0x7DE] =	sst s16  }
0x43: {  	s18 =	sadd.s32 $0x3040, s31;
	[smem:$0x7DF] =	sst s17  }
0x44: {  	s19 =	sadd.s32 $0x1D0, s5;
	[smem:$0x7E0] =	sst s18  }
0x45: {  	s20 =	sadd.s32 $0x3050, s31;
	[smem:$0x7E1] =	sst s19  }
0x46: {  	s21 =	sadd.s32 $0x1E0, s5;
	[smem:$0x7E2] =	sst s20  }
0x47: {  	s22 =	sadd.s32 $0x5010, s31;
	[smem:$0x7E3] =	sst s21  }
0x48: {  	s24 =	sadd.s32 $0x5020, s31;
	[smem:$0x7FA] =	sst s22  }
0x49: {  	s23 =	sadd.s32 $0x1F0, s5;
	[smem:$0x7FC] =	sst s24  }
0x4a: {  	s25 =	sadd.s32 $0x200, s5;
	[smem:$0x7E5] =	sst s23  }
0x4b: {  	s3 =	sadd.s32 $0x210, s5;
	[smem:$0x7E7] =	sst s25  }
0x4c: {  	s7 =	sadd.s32 $0x220, s5;
	[smem:$0x7E9] =	sst s3  }
0x4d: {  	s8 =	sadd.s32 $0x4020, s31;
	[smem:$0x7EB] =	sst s7  }
0x4e: {  	s9 =	sadd.s32 $0x230, s5;
	[smem:$0x7EC] =	sst s8  }
0x4f: {  	s10 =	sadd.s32 $0x4030, s31;
	[smem:$0x7ED] =	sst s9  }
0x50: {  	s11 =	sadd.s32 $0x240, s5;
	[smem:$0x7EE] =	sst s10  }
0x51: {  	s12 =	sadd.s32 $0x4040, s31;
	[smem:$0x7EF] =	sst s11  }
0x52: {  	s13 =	sadd.s32 $0x250, s5;
	[smem:$0x7F0] =	sst s12  }
0x53: {  	s14 =	sadd.s32 $0x4050, s31;
	[smem:$0x7F1] =	sst s13  }
0x54: {  	s15 =	sadd.s32 $0x260, s5;
	[smem:$0x7F2] =	sst s14  }
0x55: {  	s16 =	sadd.s32 $0x4060, s31;
	[smem:$0x7F3] =	sst s15  }
0x56: {  	s17 =	sadd.s32 $0x270, s5;
	[smem:$0x7F4] =	sst s16  }
0x57: {  	s18 =	sadd.s32 $0x4070, s31;
	[smem:$0x7F5] =	sst s17  }
0x58: {  	s19 =	sadd.s32 $0x280, s5;
	[smem:$0x7F6] =	sst s18  }
0x59: {  	s20 =	sadd.s32 $0x5000, s31;
	[smem:$0x7F7] =	sst s19  }
0x5a: {  	s21 =	sadd.s32 $0x290, s5;
	[smem:$0x7F8] =	sst s20  }
0x5b: {  	[smem:$0x7F9] =	sst s21;
	s23 =	sadd.s32 $0x2A0, s5  }
0x5c: {  	s25 =	sshll.u32 s0, $0x6;
	s7 =	sadd.s32 $0x2B0, s5;
	[smem:$0x7FB] =	sst s23  }
0x5d: {  	s4 =	sor.u32 $0x1C01, s25;
	[smem:$0x7FD] =	sst s7  }
0x5e: {  	[hbm:s2], [sflag:s4] =	dma.local [hbm:s31], $0x10  }
0x5f: {  	s26 =	rddreg [dreg:$0x3]  }
0x60: {  	s0 =	rddreg [dreg:$0x4]  }
0x61: {  	[hbm:s26], [sflag:s4] =	dma.local [hbm:s0], $0x10  }
0x62: {  	s6 =	rddreg [dreg:$0x5]  }
0x63: {  	s7 =	rddreg [dreg:$0x6]  }
0x64: {  	[hbm:s6], [sflag:s4] =	dma.local [hbm:s7], $0x10  }
0x65: {  	s6 =	rddreg [dreg:$0x7]  }
0x66: {  	s7 =	rddreg [dreg:$0x8]  }
0x67: {  	[hbm:s6], [sflag:s4] =	dma.local [hbm:s7], $0x10  }
0x68: {  	s6 =	rddreg [dreg:$0x9]  }
0x69: {  	s7 =	rddreg [dreg:$0xa]  }
0x6a: {  	[hbm:s6], [sflag:s4] =	dma.local [hbm:s7], $0x10  }
0x6b: {  	s6 =	rddreg [dreg:$0xb]  }
0x6c: {  	s7 =	rddreg [dreg:$0xc]  }
0x6d: {  	[hbm:s6], [sflag:s4] =	dma.local [hbm:s7], $0x10  }
0x6e: {  	s6 =	rddreg [dreg:$0xd]  }
0x6f: {  	s7 =	rddreg [dreg:$0xe]  }
0x70: {  	[hbm:s6], [sflag:s4] =	dma.local [hbm:s7], $0x10  }
0x71: {  	s6 =	rddreg [dreg:$0xf]  }
0x72: {  	s7 =	rddreg [dreg:$0x10]  }
0x73: {  	[hbm:s6], [sflag:s4] =	dma.local [hbm:s7], $0x10  }
0x74: {  	s6 =	rddreg [dreg:$0x11]  }
0x75: {  	s7 =	rddreg [dreg:$0x12]  }
0x76: {  	[hbm:s6], [sflag:s4] =	dma.local [hbm:s7], $0x10  }
0x77: {  	s6 =	rddreg [dreg:$0x13]  }
0x78: {  	s7 =	rddreg [dreg:$0x14]  }
0x79: {  	[hbm:s6], [sflag:s4] =	dma.local [hbm:s7], $0x10  }
0x7a: {  	s6 =	rddreg [dreg:$0x15]  }
0x7b: {  	s7 =	rddreg [dreg:$0x16]  }
0x7c: {  	[hbm:s6], [sflag:s4] =	dma.local [hbm:s7], $0x10  }
0x7d: {  	s6 =	rddreg [dreg:$0x17]  }
0x7e: {  	s7 =	rddreg [dreg:$0x18]  }
0x7f: {  	[hbm:s6], [sflag:s4] =	dma.local [hbm:s7], $0x10  }
0x80: {  	s6 =	rddreg [dreg:$0x19]  }
0x81: {  	s7 =	rddreg [dreg:$0x1a]  }
0x82: {  	[hbm:s6], [sflag:s4] =	dma.local [hbm:s7], $0x10  }
0x83: {  	s6 =	rddreg [dreg:$0x1b]  }
0x84: {  	s7 =	rddreg [dreg:$0x1c]  }
0x85: {  	[hbm:s6], [sflag:s4] =	dma.local [hbm:s7], $0x10  }
0x86: {  	s6 =	rddreg [dreg:$0x1d]  }
0x87: {  	s7 =	rddreg [dreg:$0x1e]  }
0x88: {  	[hbm:s6], [sflag:s4] =	dma.local [hbm:s7], $0x10  }
0x89: {  	s7 =	sld [smem:$0x7C6];
	_ =	sdelay $0x1  }
0x8a: {  	s6 =	rddreg [dreg:$0x1f]  }
0x8b: {  	[hbm:s6], [sflag:s4] =	dma.local [hbm:s7], $0x10  }
0x8c: {  	s6 =	sld [smem:$0x7C7]  }
0x8d: {  	s7 =	sld [smem:$0x7C8];
	_ =	sdelay $0x2  }
0x8e: {  	[hbm:s6], [sflag:s4] =	dma.local [hbm:s7], $0x10  }
0x8f: {  	s6 =	sld [smem:$0x7C9]  }
0x90: {  	s7 =	sld [smem:$0x7CA];
	_ =	sdelay $0x2  }
0x91: {  	[hbm:s6], [sflag:s4] =	dma.local [hbm:s7], $0x10  }
0x92: {  	s6 =	sld [smem:$0x7CB]  }
0x93: {  	s7 =	sld [smem:$0x7CC];
	_ =	sdelay $0x2  }
0x94: {  	[hbm:s6], [sflag:s4] =	dma.local [hbm:s7], $0x10  }
0x95: {  	s6 =	sld [smem:$0x7CD]  }
0x96: {  	s7 =	sld [smem:$0x7CE];
	_ =	sdelay $0x2  }
0x97: {  	[hbm:s6], [sflag:s4] =	dma.local [hbm:s7], $0x10  }
0x98: {  	s6 =	sld [smem:$0x7CF]  }
0x99: {  	s7 =	sld [smem:$0x7D0];
	_ =	sdelay $0x2  }
0x9a: {  	[hbm:s6], [sflag:s4] =	dma.local [hbm:s7], $0x10  }
0x9b: {  	s6 =	sld [smem:$0x7D1]  }
0x9c: {  	s7 =	sld [smem:$0x7D2];
	_ =	sdelay $0x2  }
0x9d: {  	[hbm:s6], [sflag:s4] =	dma.local [hbm:s7], $0x10  }
0x9e: {  	s6 =	sld [smem:$0x7D3]  }
0x9f: {  	s7 =	sld [smem:$0x7D4];
	_ =	sdelay $0x2  }
0xa0: {  	[hbm:s6], [sflag:s4] =	dma.local [hbm:s7], $0x10  }
0xa1: {  	s6 =	sld [smem:$0x7D5]  }
0xa2: {  	s7 =	sld [smem:$0x7D6];
	_ =	sdelay $0x2  }
0xa3: {  	[hbm:s6], [sflag:s4] =	dma.local [hbm:s7], $0x10  }
0xa4: {  	s6 =	sld [smem:$0x7D7]  }
0xa5: {  	s7 =	sld [smem:$0x7D8];
	_ =	sdelay $0x2  }
0xa6: {  	[hbm:s6], [sflag:s4] =	dma.local [hbm:s7], $0x10  }
0xa7: {  	s6 =	sld [smem:$0x7D9]  }
0xa8: {  	s7 =	sld [smem:$0x7DA];
	_ =	sdelay $0x2  }
0xa9: {  	[hbm:s6], [sflag:s4] =	dma.local [hbm:s7], $0x10  }
0xaa: {  	s6 =	sld [smem:$0x7DB]  }
0xab: {  	s7 =	sld [smem:$0x7DC];
	_ =	sdelay $0x2  }
0xac: {  	[hbm:s6], [sflag:s4] =	dma.local [hbm:s7], $0x10  }
0xad: {  	s6 =	sld [smem:$0x7DD]  }
0xae: {  	s7 =	sld [smem:$0x7DE];
	_ =	sdelay $0x2  }
0xaf: {  	[hbm:s6], [sflag:s4] =	dma.local [hbm:s7], $0x10  }
0xb0: {  	s6 =	sld [smem:$0x7DF]  }
0xb1: {  	s7 =	sld [smem:$0x7E0];
	_ =	sdelay $0x2  }
0xb2: {  	[hbm:s6], [sflag:s4] =	dma.local [hbm:s7], $0x10  }
0xb3: {  	s6 =	sld [smem:$0x7E1]  }
0xb4: {  	s7 =	sld [smem:$0x7E2];
	_ =	sdelay $0x2  }
0xb5: {  	[hbm:s6], [sflag:s4] =	dma.local [hbm:s7], $0x10  }
0xb6: {  	s6 =	sld [smem:$0x7E3]  }
0xb7: {  	s7 =	sld [smem:$0x7E4];
	_ =	sdelay $0x2  }
0xb8: {  	[hbm:s6], [sflag:s4] =	dma.local [hbm:s7], $0x10  }
0xb9: {  	s6 =	sld [smem:$0x7E5]  }
0xba: {  	s7 =	sld [smem:$0x7E6];
	_ =	sdelay $0x2  }
0xbb: {  	[hbm:s6], [sflag:s4] =	dma.local [hbm:s7], $0x10  }
0xbc: {  	s6 =	sld [smem:$0x7E7]  }
0xbd: {  	s7 =	sld [smem:$0x7E8];
	_ =	sdelay $0x2  }
0xbe: {  	[hbm:s6], [sflag:s4] =	dma.local [hbm:s7], $0x10  }
0xbf: {  	s6 =	sld [smem:$0x7E9]  }
0xc0: {  	s7 =	sld [smem:$0x7EA];
	_ =	sdelay $0x2  }
0xc1: {  	[hbm:s6], [sflag:s4] =	dma.local [hbm:s7], $0x10  }
0xc2: {  	s6 =	sld [smem:$0x7EB]  }
0xc3: {  	s7 =	sld [smem:$0x7EC];
	_ =	sdelay $0x2  }
0xc4: {  	[hbm:s6], [sflag:s4] =	dma.local [hbm:s7], $0x10  }
0xc5: {  	s6 =	sld [smem:$0x7ED]  }
0xc6: {  	s7 =	sld [smem:$0x7EE];
	_ =	sdelay $0x2  }
0xc7: {  	[hbm:s6], [sflag:s4] =	dma.local [hbm:s7], $0x10  }
0xc8: {  	s6 =	sld [smem:$0x7EF]  }
0xc9: {  	s7 =	sld [smem:$0x7F0];
	_ =	sdelay $0x2  }
0xca: {  	[hbm:s6], [sflag:s4] =	dma.local [hbm:s7], $0x10  }
0xcb: {  	s6 =	sld [smem:$0x7F1]  }
0xcc: {  	s7 =	sld [smem:$0x7F2];
	_ =	sdelay $0x2  }
0xcd: {  	[hbm:s6], [sflag:s4] =	dma.local [hbm:s7], $0x10  }
0xce: {  	s6 =	sld [smem:$0x7F3]  }
0xcf: {  	s7 =	sld [smem:$0x7F4];
	_ =	sdelay $0x2  }
0xd0: {  	[hbm:s6], [sflag:s4] =	dma.local [hbm:s7], $0x10  }
0xd1: {  	s6 =	sld [smem:$0x7F5]  }
0xd2: {  	s7 =	sld [smem:$0x7F6];
	_ =	sdelay $0x2  }
0xd3: {  	[hbm:s6], [sflag:s4] =	dma.local [hbm:s7], $0x10  }
0xd4: {  	s6 =	sld [smem:$0x7F7]  }
0xd5: {  	s7 =	sld [smem:$0x7F8];
	_ =	sdelay $0x2  }
0xd6: {  	[hbm:s6], [sflag:s4] =	dma.local [hbm:s7], $0x10  }
0xd7: {  	s6 =	sld [smem:$0x7F9]  }
0xd8: {  	s7 =	sld [smem:$0x7FA]  }
0xd9: {  	s29 =	sadd.s32 $0x6060, s31;
	s28 =	sadd.s32 $0x360, s5;
	s30 =	sadd.s32 $0x370, s5  }
0xda: {  	s24 =	sadd.s32 $0x6040, s31;
	s8 =	sadd.s32 $0x5040, s31;
	s9 =	sadd.s32 $0x2D0, s5  }
0xdb: {  	[hbm:s6], [sflag:s4] =	dma.local [hbm:s7], $0x10  }
0xdc: {  	s10 =	sadd.s32 $0x5050, s31;
	s11 =	sadd.s32 $0x2E0, s5;
	s14 =	sld [smem:$0x7FB]  }
0xdd: {  	s12 =	sadd.s32 $0x5060, s31;
	s13 =	sadd.s32 $0x2F0, s5;
	s15 =	sld [smem:$0x7FC]  }
0xde: {  	s16 =	sadd.s32 $0x6000, s31;
	s17 =	sadd.s32 $0x310, s5;
	s18 =	sadd.s32 $0x6010, s31  }
0xdf: {  	s19 =	sadd.s32 $0x320, s5;
	s20 =	sadd.s32 $0x6020, s31;
	s21 =	sadd.s32 $0x330, s5  }
0xe0: {  	[hbm:s14], [sflag:s4] =	dma.local [hbm:s15], $0x10  }
0xe1: {  	s3 =	smov.u32 s31;
	s23 =	sadd.s32 $0x340, s5;
	s22 =	sld [smem:$0x7FD]  }
0xe2: {  	s25 =	sadd.s32 $0x350, s5;
	s26 =	sadd.s32 $0x6050, s31;
	s6 =	sadd.s32 $0x5030, s31  }
0xe3: {  	s7 =	sadd.s32 $0x2C0, s5;
	s14 =	sadd.s32 $0x5070, s31;
	s15 =	sadd.s32 $0x300, s5  }
0xe4: {  	[hbm:s22], [sflag:s4] =	dma.local [hbm:s6], $0x10  }
0xe5: {  	s5 =	simm.s32 $0x1;
	s22 =	sadd.s32 $0x6030, s31;
	s31 =	sadd.s32 $0x6070, s31  }
0xe6: {  	[hbm:s7], [sflag:s4] =	dma.local [hbm:s8], $0x10  }
0xe7: {  	[hbm:s9], [sflag:s4] =	dma.local [hbm:s10], $0x10  }
0xe8: {  	[hbm:s11], [sflag:s4] =	dma.local [hbm:s12], $0x10  }
0xe9: {  	[hbm:s13], [sflag:s4] =	dma.local [hbm:s14], $0x10  }
0xea: {  	[hbm:s15], [sflag:s4] =	dma.local [hbm:s16], $0x10  }
0xeb: {  	[hbm:s17], [sflag:s4] =	dma.local [hbm:s18], $0x10  }
0xec: {  	[hbm:s19], [sflag:s4] =	dma.local [hbm:s20], $0x10  }
0xed: {  	[hbm:s21], [sflag:s4] =	dma.local [hbm:s22], $0x10  }
0xee: {  	[hbm:s23], [sflag:s4] =	dma.local [hbm:s24], $0x10  }
0xef: {  	[hbm:s25], [sflag:s4] =	dma.local [hbm:s26], $0x10  }
0xf0: {  	[hbm:s28], [sflag:s4] =	dma.local [hbm:s29], $0x10  }
0xf1: {  	[hbm:s30], [sflag:s4] =	dma.local [hbm:s31], $0x10  }
0xf2: {  	_ =	swait.ge [sflag:s5], $0x10  }
0xf3: {  	[sflag:s5] =	ssyncset.done $0x0  }
0xf4: {  	[sflag:s5] =	ssyncadd.s32 $0xFFFFFFF0  }
0xf5: {  	_ =	swait.ge [sflag:s5], $0x10  }
0xf6: {  	[sflag:s5] =	ssyncset.done $0x0  }
0xf7: {  	[sflag:s5] =	ssyncadd.s32 $0xFFFFFFF0  }
0xf8: {  	_ =	swait.ge [sflag:s5], $0x10  }
0xf9: {  	[sflag:s5] =	ssyncset.done $0x0  }
0xfa: {  	[sflag:s5] =	ssyncadd.s32 $0xFFFFFFF0  }
0xfb: {  	_ =	swait.ge [sflag:s5], $0x10  }
0xfc: {  	[sflag:s5] =	ssyncset.done $0x0  }
0xfd: {  	[sflag:s5] =	ssyncadd.s32 $0xFFFFFFF0  }
0xfe: {  	_ =	swait.ge [sflag:s5], $0x10  }
0xff: {  	[sflag:s5] =	ssyncset.done $0x0  }
0x100: {  	[sflag:s5] =	ssyncadd.s32 $0xFFFFFFF0  }
0x101: {  	_ =	swait.ge [sflag:s5], $0x10  }
0x102: {  	[sflag:s5] =	ssyncset.done $0x0  }
0x103: {  	[sflag:s5] =	ssyncadd.s32 $0xFFFFFFF0  }
0x104: {  	_ =	swait.ge [sflag:s5], $0x10  }
0x105: {  	[sflag:s5] =	ssyncset.done $0x0  }
0x106: {  	[sflag:s5] =	ssyncadd.s32 $0xFFFFFFF0  }
0x107: {  	_ =	swait.ge [sflag:s5], $0x10  }
0x108: {  	[sflag:s5] =	ssyncset.done $0x0  }
0x109: {  	[sflag:s5] =	ssyncadd.s32 $0xFFFFFFF0  }
0x10a: {  	_ =	swait.ge [sflag:s5], $0x10  }
0x10b: {  	[sflag:s5] =	ssyncset.done $0x0  }
0x10c: {  	[sflag:s5] =	ssyncadd.s32 $0xFFFFFFF0  }
0x10d: {  	_ =	swait.ge [sflag:s5], $0x10  }
0x10e: {  	[sflag:s5] =	ssyncset.done $0x0  }
0x10f: {  	[sflag:s5] =	ssyncadd.s32 $0xFFFFFFF0  }
0x110: {  	_ =	swait.ge [sflag:s5], $0x10  }
0x111: {  	[sflag:s5] =	ssyncset.done $0x0  }
0x112: {  	[sflag:s5] =	ssyncadd.s32 $0xFFFFFFF0  }
0x113: {  	_ =	swait.ge [sflag:s5], $0x10  }
0x114: {  	[sflag:s5] =	ssyncset.done $0x0  }
0x115: {  	[sflag:s5] =	ssyncadd.s32 $0xFFFFFFF0  }
0x116: {  	_ =	swait.ge [sflag:s5], $0x10  }
0x117: {  	[sflag:s5] =	ssyncset.done $0x0  }
0x118: {  	[sflag:s5] =	ssyncadd.s32 $0xFFFFFFF0  }
0x119: {  	_ =	swait.ge [sflag:s5], $0x10  }
0x11a: {  	[sflag:s5] =	ssyncset.done $0x0  }
0x11b: {  	[sflag:s5] =	ssyncadd.s32 $0xFFFFFFF0  }
0x11c: {  	_ =	swait.ge [sflag:s5], $0x10  }
0x11d: {  	[sflag:s5] =	ssyncset.done $0x0  }
0x11e: {  	[sflag:s5] =	ssyncadd.s32 $0xFFFFFFF0  }
0x11f: {  	_ =	swait.ge [sflag:s5], $0x10  }
0x120: {  	[sflag:s5] =	ssyncset.done $0x0  }
0x121: {  	[sflag:s5] =	ssyncadd.s32 $0xFFFFFFF0  }
0x122: {  	_ =	swait.ge [sflag:s5], $0x10  }
0x123: {  	[sflag:s5] =	ssyncset.done $0x0  }
0x124: {  	[sflag:s5] =	ssyncadd.s32 $0xFFFFFFF0  }
0x125: {  	_ =	swait.ge [sflag:s5], $0x10  }
0x126: {  	[sflag:s5] =	ssyncset.done $0x0  }
0x127: {  	[sflag:s5] =	ssyncadd.s32 $0xFFFFFFF0  }
0x128: {  	_ =	swait.ge [sflag:s5], $0x10  }
0x129: {  	[sflag:s5] =	ssyncset.done $0x0  }
0x12a: {  	[sflag:s5] =	ssyncadd.s32 $0xFFFFFFF0  }
0x12b: {  	_ =	swait.ge [sflag:s5], $0x10  }
0x12c: {  	[sflag:s5] =	ssyncset.done $0x0  }
0x12d: {  	[sflag:s5] =	ssyncadd.s32 $0xFFFFFFF0  }
0x12e: {  	_ =	swait.ge [sflag:s5], $0x10  }
0x12f: {  	[sflag:s5] =	ssyncset.done $0x0  }
0x130: {  	[sflag:s5] =	ssyncadd.s32 $0xFFFFFFF0  }
0x131: {  	_ =	swait.ge [sflag:s5], $0x10  }
0x132: {  	[sflag:s5] =	ssyncset.done $0x0  }
0x133: {  	[sflag:s5] =	ssyncadd.s32 $0xFFFFFFF0  }
0x134: {  	_ =	swait.ge [sflag:s5], $0x10  }
0x135: {  	[sflag:s5] =	ssyncset.done $0x0  }
0x136: {  	[sflag:s5] =	ssyncadd.s32 $0xFFFFFFF0  }
0x137: {  	_ =	swait.ge [sflag:s5], $0x10  }
0x138: {  	[sflag:s5] =	ssyncset.done $0x0  }
0x139: {  	[sflag:s5] =	ssyncadd.s32 $0xFFFFFFF0  }
0x13a: {  	_ =	swait.ge [sflag:s5], $0x10  }
0x13b: {  	[sflag:s5] =	ssyncset.done $0x0  }
0x13c: {  	[sflag:s5] =	ssyncadd.s32 $0xFFFFFFF0  }
0x13d: {  	_ =	swait.ge [sflag:s5], $0x10  }
0x13e: {  	[sflag:s5] =	ssyncset.done $0x0  }
0x13f: {  	[sflag:s5] =	ssyncadd.s32 $0xFFFFFFF0  }
0x140: {  	_ =	swait.ge [sflag:s5], $0x10  }
0x141: {  	[sflag:s5] =	ssyncset.done $0x0  }
0x142: {  	[sflag:s5] =	ssyncadd.s32 $0xFFFFFFF0  }
0x143: {  	_ =	swait.ge [sflag:s5], $0x10  }
0x144: {  	[sflag:s5] =	ssyncset.done $0x0  }
0x145: {  	[sflag:s5] =	ssyncadd.s32 $0xFFFFFFF0  }
0x146: {  	_ =	swait.ge [sflag:s5], $0x10  }
0x147: {  	[sflag:s5] =	ssyncset.done $0x0  }
0x148: {  	[sflag:s5] =	ssyncadd.s32 $0xFFFFFFF0  }
0x149: {  	_ =	swait.ge [sflag:s5], $0x10  }
0x14a: {  	[sflag:s5] =	ssyncset.done $0x0  }
0x14b: {  	[sflag:s5] =	ssyncadd.s32 $0xFFFFFFF0  }
0x14c: {  	_ =	swait.ge [sflag:s5], $0x10  }
0x14d: {  	[sflag:s5] =	ssyncset.done $0x0  }
0x14e: {  	[sflag:s5] =	ssyncadd.s32 $0xFFFFFFF0  }
0x14f: {  	_ =	swait.ge [sflag:s5], $0x10  }
0x150: {  	[sflag:s5] =	ssyncset.done $0x0  }
0x151: {  	[sflag:s5] =	ssyncadd.s32 $0xFFFFFFF0  }
0x152: {  	_ =	swait.ge [sflag:s5], $0x10  }
0x153: {  	[sflag:s5] =	ssyncset.done $0x0  }
0x154: {  	[sflag:s5] =	ssyncadd.s32 $0xFFFFFFF0  }
0x155: {  	_ =	swait.ge [sflag:s5], $0x10  }
0x156: {  	[sflag:s5] =	ssyncset.done $0x0  }
0x157: {  	[sflag:s5] =	ssyncadd.s32 $0xFFFFFFF0  }
0x158: {  	_ =	swait.ge [sflag:s5], $0x10  }
0x159: {  	[sflag:s5] =	ssyncset.done $0x0  }
0x15a: {  	[sflag:s5] =	ssyncadd.s32 $0xFFFFFFF0  }
0x15b: {  	_ =	swait.ge [sflag:s5], $0x10  }
0x15c: {  	[sflag:s5] =	ssyncset.done $0x0  }
0x15d: {  	[sflag:s5] =	ssyncadd.s32 $0xFFFFFFF0  }
0x15e: {  	_ =	swait.ge [sflag:s5], $0x10  }
0x15f: {  	[sflag:s5] =	ssyncset.done $0x0  }
0x160: {  	[sflag:s5] =	ssyncadd.s32 $0xFFFFFFF0  }
0x161: {  	_ =	swait.ge [sflag:s5], $0x10  }
0x162: {  	[sflag:s5] =	ssyncset.done $0x0  }
0x163: {  	[sflag:s5] =	ssyncadd.s32 $0xFFFFFFF0  }
0x164: {  	_ =	swait.ge [sflag:s5], $0x10  }
0x165: {  	s1 =	ssub.s32 $0x2, s1;
	[sflag:s5] =	ssyncset.done $0x0  }
0x166: {  	s2 =	sshrl.u32 s1, $0x1;
	[sflag:s5] =	ssyncadd.s32 $0xFFFFFFF0  }
0x167: {  	s0 =	ssub.s32 s1, s2;
	_ =	swait.ge [sflag:s5], $0x10  }
0x168: {  	s0 =	smax.u32 s0, $0x1;
	[sflag:s5] =	ssyncset.done $0x0  }
0x169: {  	p0 =	sne.s32 s0, $0x1;
	[sflag:s5] =	ssyncadd.s32 $0xFFFFFFF0  }
.Ltmp0:
0x16a: {  	_ =	swait.ge [sflag:s5], $0x10;
	(pc) =	sbr.rel @!p0 .LBB2_2-.Ltmp0, $4  }
0x16b: {  	[sflag:s5] =	ssyncset.done $0x0  }
0x16c: {  	[sflag:s5] =	ssyncadd.s32 $0xFFFFFFF0  }
0x16d: {  	_ =	swait.ge [sflag:s5], $0x10  }
0x16e: {  	s1 =	sadd.s32 $0xFFFFFFFF, s0;
	[sflag:s5] =	ssyncset.done $0x0  }
.LBB2_1:
0x16f: {  	[sflag:s5] =	ssyncadd.s32 $0xFFFFFFF0  }
0x170: {  	_ =	swait.ge [sflag:s5], $0x10  }
0x171: {  	[sflag:s5] =	ssyncset.done $0x0  }
0x172: {  	[sflag:s5] =	ssyncadd.s32 $0xFFFFFFF0  }
0x173: {  	_ =	swait.ge [sflag:s5], $0x10  }
0x174: {  	[sflag:s5] =	ssyncset.done $0x0  }
0x175: {  	[sflag:s5] =	ssyncadd.s32 $0xFFFFFFF0  }
0x176: {  	_ =	swait.ge [sflag:s5], $0x10  }
0x177: {  	[sflag:s5] =	ssyncset.done $0x0  }
0x178: {  	[sflag:s5] =	ssyncadd.s32 $0xFFFFFFF0  }
0x179: {  	_ =	swait.ge [sflag:s5], $0x10  }
0x17a: {  	[sflag:s5] =	ssyncset.done $0x0  }
0x17b: {  	[sflag:s5] =	ssyncadd.s32 $0xFFFFFFF0  }
0x17c: {  	_ =	swait.ge [sflag:s5], $0x10  }
0x17d: {  	[sflag:s5] =	ssyncset.done $0x0  }
0x17e: {  	[sflag:s5] =	ssyncadd.s32 $0xFFFFFFF0  }
0x17f: {  	_ =	swait.ge [sflag:s5], $0x10  }
0x180: {  	[sflag:s5] =	ssyncset.done $0x0  }
0x181: {  	[sflag:s5] =	ssyncadd.s32 $0xFFFFFFF0  }
0x182: {  	_ =	swait.ge [sflag:s5], $0x10  }
0x183: {  	[sflag:s5] =	ssyncset.done $0x0  }
0x184: {  	[sflag:s5] =	ssyncadd.s32 $0xFFFFFFF0  }
0x185: {  	_ =	swait.ge [sflag:s5], $0x10  }
0x186: {  	[sflag:s5] =	ssyncset.done $0x0  }
0x187: {  	[sflag:s5] =	ssyncadd.s32 $0xFFFFFFF0  }
0x188: {  	_ =	swait.ge [sflag:s5], $0x10  }
0x189: {  	[sflag:s5] =	ssyncset.done $0x0  }
0x18a: {  	[sflag:s5] =	ssyncadd.s32 $0xFFFFFFF0  }
0x18b: {  	_ =	swait.ge [sflag:s5], $0x10  }
0x18c: {  	[sflag:s5] =	ssyncset.done $0x0  }
0x18d: {  	[sflag:s5] =	ssyncadd.s32 $0xFFFFFFF0  }
0x18e: {  	_ =	swait.ge [sflag:s5], $0x10  }
0x18f: {  	[sflag:s5] =	ssyncset.done $0x0  }
0x190: {  	[sflag:s5] =	ssyncadd.s32 $0xFFFFFFF0  }
0x191: {  	_ =	swait.ge [sflag:s5], $0x10  }
0x192: {  	[sflag:s5] =	ssyncset.done $0x0  }
0x193: {  	[sflag:s5] =	ssyncadd.s32 $0xFFFFFFF0  }
0x194: {  	_ =	swait.ge [sflag:s5], $0x10  }
0x195: {  	[sflag:s5] =	ssyncset.done $0x0  }
0x196: {  	[sflag:s5] =	ssyncadd.s32 $0xFFFFFFF0  }
0x197: {  	_ =	swait.ge [sflag:s5], $0x10  }
0x198: {  	s0 =	sld [smem:$0x7C5]  }
0x199: {  	[sflag:s5] =	ssyncset.done $0x0  }
0x19a: {  	[sflag:s5] =	ssyncadd.s32 $0xFFFFFFF0  }
0x19b: {  	[hbm:s0], [sflag:s4] =	dma.local [hbm:s3], $0x10  }
0x19c: {  	s0 =	rddreg [dreg:$0x3]  }
0x19d: {  	s2 =	rddreg [dreg:$0x4]  }
0x19e: {  	[hbm:s0], [sflag:s4] =	dma.local [hbm:s2], $0x10  }
0x19f: {  	s0 =	rddreg [dreg:$0x5]  }
0x1a0: {  	s2 =	rddreg [dreg:$0x6]  }
0x1a1: {  	[hbm:s0], [sflag:s4] =	dma.local [hbm:s2], $0x10  }
0x1a2: {  	s0 =	rddreg [dreg:$0x7]  }
0x1a3: {  	s2 =	rddreg [dreg:$0x8]  }
0x1a4: {  	[hbm:s0], [sflag:s4] =	dma.local [hbm:s2], $0x10  }
0x1a5: {  	s0 =	rddreg [dreg:$0x9]  }
0x1a6: {  	s2 =	rddreg [dreg:$0xa]  }
0x1a7: {  	[hbm:s0], [sflag:s4] =	dma.local [hbm:s2], $0x10  }
0x1a8: {  	s0 =	rddreg [dreg:$0xb]  }
0x1a9: {  	s2 =	rddreg [dreg:$0xc]  }
0x1aa: {  	[hbm:s0], [sflag:s4] =	dma.local [hbm:s2], $0x10  }
0x1ab: {  	s0 =	rddreg [dreg:$0xd]  }
0x1ac: {  	s2 =	rddreg [dreg:$0xe]  }
0x1ad: {  	[hbm:s0], [sflag:s4] =	dma.local [hbm:s2], $0x10  }
0x1ae: {  	s0 =	rddreg [dreg:$0xf]  }
0x1af: {  	s2 =	rddreg [dreg:$0x10]  }
0x1b0: {  	[hbm:s0], [sflag:s4] =	dma.local [hbm:s2], $0x10  }
0x1b1: {  	s0 =	rddreg [dreg:$0x11]  }
0x1b2: {  	s2 =	rddreg [dreg:$0x12]  }
0x1b3: {  	[hbm:s0], [sflag:s4] =	dma.local [hbm:s2], $0x10  }
0x1b4: {  	s0 =	rddreg [dreg:$0x13]  }
0x1b5: {  	s2 =	rddreg [dreg:$0x14]  }
0x1b6: {  	[hbm:s0], [sflag:s4] =	dma.local [hbm:s2], $0x10  }
0x1b7: {  	s0 =	rddreg [dreg:$0x15]  }
0x1b8: {  	s2 =	rddreg [dreg:$0x16]  }
0x1b9: {  	[hbm:s0], [sflag:s4] =	dma.local [hbm:s2], $0x10  }
0x1ba: {  	s0 =	rddreg [dreg:$0x17]  }
0x1bb: {  	s2 =	rddreg [dreg:$0x18]  }
0x1bc: {  	[hbm:s0], [sflag:s4] =	dma.local [hbm:s2], $0x10  }
0x1bd: {  	s0 =	rddreg [dreg:$0x19]  }
0x1be: {  	s2 =	rddreg [dreg:$0x1a]  }
0x1bf: {  	[hbm:s0], [sflag:s4] =	dma.local [hbm:s2], $0x10  }
0x1c0: {  	s0 =	rddreg [dreg:$0x1b]  }
0x1c1: {  	s2 =	rddreg [dreg:$0x1c]  }
0x1c2: {  	[hbm:s0], [sflag:s4] =	dma.local [hbm:s2], $0x10  }
0x1c3: {  	s0 =	rddreg [dreg:$0x1d]  }
0x1c4: {  	s2 =	rddreg [dreg:$0x1e]  }
0x1c5: {  	[hbm:s0], [sflag:s4] =	dma.local [hbm:s2], $0x10  }
0x1c6: {  	s2 =	sld [smem:$0x7C6];
	_ =	sdelay $0x1  }
0x1c7: {  	s0 =	rddreg [dreg:$0x1f]  }
0x1c8: {  	[hbm:s0], [sflag:s4] =	dma.local [hbm:s2], $0x10  }
0x1c9: {  	s0 =	sld [smem:$0x7C7]  }
0x1ca: {  	s2 =	sld [smem:$0x7C8];
	_ =	sdelay $0x2  }
0x1cb: {  	[hbm:s0], [sflag:s4] =	dma.local [hbm:s2], $0x10  }
0x1cc: {  	s0 =	sld [smem:$0x7C9]  }
0x1cd: {  	s2 =	sld [smem:$0x7CA];
	_ =	sdelay $0x2  }
0x1ce: {  	[hbm:s0], [sflag:s4] =	dma.local [hbm:s2], $0x10  }
0x1cf: {  	s0 =	sld [smem:$0x7CB]  }
0x1d0: {  	s2 =	sld [smem:$0x7CC];
	_ =	sdelay $0x2  }
0x1d1: {  	[hbm:s0], [sflag:s4] =	dma.local [hbm:s2], $0x10  }
0x1d2: {  	s0 =	sld [smem:$0x7CD]  }
0x1d3: {  	s2 =	sld [smem:$0x7CE];
	_ =	sdelay $0x2  }
0x1d4: {  	[hbm:s0], [sflag:s4] =	dma.local [hbm:s2], $0x10  }
0x1d5: {  	s0 =	sld [smem:$0x7CF]  }
0x1d6: {  	s2 =	sld [smem:$0x7D0];
	_ =	sdelay $0x2  }
0x1d7: {  	[hbm:s0], [sflag:s4] =	dma.local [hbm:s2], $0x10  }
0x1d8: {  	s0 =	sld [smem:$0x7D1]  }
0x1d9: {  	s2 =	sld [smem:$0x7D2];
	_ =	sdelay $0x2  }
0x1da: {  	[hbm:s0], [sflag:s4] =	dma.local [hbm:s2], $0x10  }
0x1db: {  	s0 =	sld [smem:$0x7D3]  }
0x1dc: {  	s2 =	sld [smem:$0x7D4];
	_ =	sdelay $0x2  }
0x1dd: {  	[hbm:s0], [sflag:s4] =	dma.local [hbm:s2], $0x10  }
0x1de: {  	s0 =	sld [smem:$0x7D5]  }
0x1df: {  	s2 =	sld [smem:$0x7D6];
	_ =	sdelay $0x2  }
0x1e0: {  	[hbm:s0], [sflag:s4] =	dma.local [hbm:s2], $0x10  }
0x1e1: {  	s0 =	sld [smem:$0x7D7]  }
0x1e2: {  	s2 =	sld [smem:$0x7D8];
	_ =	sdelay $0x2  }
0x1e3: {  	[hbm:s0], [sflag:s4] =	dma.local [hbm:s2], $0x10  }
0x1e4: {  	s0 =	sld [smem:$0x7D9]  }
0x1e5: {  	s2 =	sld [smem:$0x7DA];
	_ =	sdelay $0x2  }
0x1e6: {  	[hbm:s0], [sflag:s4] =	dma.local [hbm:s2], $0x10  }
0x1e7: {  	s0 =	sld [smem:$0x7DB]  }
0x1e8: {  	s2 =	sld [smem:$0x7DC];
	_ =	sdelay $0x2  }
0x1e9: {  	[hbm:s0], [sflag:s4] =	dma.local [hbm:s2], $0x10  }
0x1ea: {  	s0 =	sld [smem:$0x7DD]  }
0x1eb: {  	s2 =	sld [smem:$0x7DE];
	_ =	sdelay $0x2  }
0x1ec: {  	[hbm:s0], [sflag:s4] =	dma.local [hbm:s2], $0x10  }
0x1ed: {  	s0 =	sld [smem:$0x7DF]  }
0x1ee: {  	s2 =	sld [smem:$0x7E0];
	_ =	sdelay $0x2  }
0x1ef: {  	[hbm:s0], [sflag:s4] =	dma.local [hbm:s2], $0x10  }
0x1f0: {  	s0 =	sld [smem:$0x7E1]  }
0x1f1: {  	s2 =	sld [smem:$0x7E2];
	_ =	sdelay $0x2  }
0x1f2: {  	[hbm:s0], [sflag:s4] =	dma.local [hbm:s2], $0x10  }
0x1f3: {  	s0 =	sld [smem:$0x7E3]  }
0x1f4: {  	s2 =	sld [smem:$0x7E4];
	_ =	sdelay $0x2  }
0x1f5: {  	[hbm:s0], [sflag:s4] =	dma.local [hbm:s2], $0x10  }
0x1f6: {  	s0 =	sld [smem:$0x7E5]  }
0x1f7: {  	s2 =	sld [smem:$0x7E6];
	_ =	sdelay $0x2  }
0x1f8: {  	[hbm:s0], [sflag:s4] =	dma.local [hbm:s2], $0x10  }
0x1f9: {  	s0 =	sld [smem:$0x7E7]  }
0x1fa: {  	s2 =	sld [smem:$0x7E8];
	_ =	sdelay $0x2  }
0x1fb: {  	[hbm:s0], [sflag:s4] =	dma.local [hbm:s2], $0x10  }
0x1fc: {  	s0 =	sld [smem:$0x7E9]  }
0x1fd: {  	s2 =	sld [smem:$0x7EA];
	_ =	sdelay $0x2  }
0x1fe: {  	[hbm:s0], [sflag:s4] =	dma.local [hbm:s2], $0x10  }
0x1ff: {  	s0 =	sld [smem:$0x7EB]  }
0x200: {  	s2 =	sld [smem:$0x7EC];
	_ =	sdelay $0x2  }
0x201: {  	[hbm:s0], [sflag:s4] =	dma.local [hbm:s2], $0x10  }
0x202: {  	s0 =	sld [smem:$0x7ED]  }
0x203: {  	s2 =	sld [smem:$0x7EE];
	_ =	sdelay $0x2  }
0x204: {  	[hbm:s0], [sflag:s4] =	dma.local [hbm:s2], $0x10  }
0x205: {  	s0 =	sld [smem:$0x7EF]  }
0x206: {  	s2 =	sld [smem:$0x7F0];
	_ =	sdelay $0x2  }
0x207: {  	[hbm:s0], [sflag:s4] =	dma.local [hbm:s2], $0x10  }
0x208: {  	s0 =	sld [smem:$0x7F1]  }
0x209: {  	s2 =	sld [smem:$0x7F2];
	_ =	sdelay $0x2  }
0x20a: {  	[hbm:s0], [sflag:s4] =	dma.local [hbm:s2], $0x10  }
0x20b: {  	s0 =	sld [smem:$0x7F3]  }
0x20c: {  	s2 =	sld [smem:$0x7F4];
	_ =	sdelay $0x2  }
0x20d: {  	[hbm:s0], [sflag:s4] =	dma.local [hbm:s2], $0x10  }
0x20e: {  	s0 =	sld [smem:$0x7F5]  }
0x20f: {  	s2 =	sld [smem:$0x7F6];
	_ =	sdelay $0x2  }
0x210: {  	[hbm:s0], [sflag:s4] =	dma.local [hbm:s2], $0x10  }
0x211: {  	s0 =	sld [smem:$0x7F7]  }
0x212: {  	s2 =	sld [smem:$0x7F8];
	_ =	sdelay $0x2  }
0x213: {  	[hbm:s0], [sflag:s4] =	dma.local [hbm:s2], $0x10  }
0x214: {  	s0 =	sld [smem:$0x7F9]  }
0x215: {  	s2 =	sld [smem:$0x7FA];
	_ =	sdelay $0x2  }
0x216: {  	[hbm:s0], [sflag:s4] =	dma.local [hbm:s2], $0x10  }
0x217: {  	s0 =	sld [smem:$0x7FB]  }
0x218: {  	s2 =	sld [smem:$0x7FC];
	_ =	sdelay $0x2  }
0x219: {  	[hbm:s0], [sflag:s4] =	dma.local [hbm:s2], $0x10  }
0x21a: {  	s0 =	sld [smem:$0x7FD];
	_ =	sdelay $0x2  }
0x21b: {  	[hbm:s0], [sflag:s4] =	dma.local [hbm:s6], $0x10  }
0x21c: {  	[hbm:s7], [sflag:s4] =	dma.local [hbm:s8], $0x10  }
0x21d: {  	[hbm:s9], [sflag:s4] =	dma.local [hbm:s10], $0x10  }
0x21e: {  	[hbm:s11], [sflag:s4] =	dma.local [hbm:s12], $0x10  }
0x21f: {  	[hbm:s13], [sflag:s4] =	dma.local [hbm:s14], $0x10  }
0x220: {  	[hbm:s15], [sflag:s4] =	dma.local [hbm:s16], $0x10  }
0x221: {  	[hbm:s17], [sflag:s4] =	dma.local [hbm:s18], $0x10  }
0x222: {  	[hbm:s19], [sflag:s4] =	dma.local [hbm:s20], $0x10  }
0x223: {  	[hbm:s21], [sflag:s4] =	dma.local [hbm:s22], $0x10  }
0x224: {  	[hbm:s23], [sflag:s4] =	dma.local [hbm:s24], $0x10  }
0x225: {  	[hbm:s25], [sflag:s4] =	dma.local [hbm:s26], $0x10  }
0x226: {  	[hbm:s28], [sflag:s4] =	dma.local [hbm:s29], $0x10  }
0x227: {  	[hbm:s30], [sflag:s4] =	dma.local [hbm:s31], $0x10  }
0x228: {  	_ =	swait.ge [sflag:s5], $0x10  }
0x229: {  	[sflag:s5] =	ssyncset.done $0x0  }
0x22a: {  	[sflag:s5] =	ssyncadd.s32 $0xFFFFFFF0  }
0x22b: {  	_ =	swait.ge [sflag:s5], $0x10  }
0x22c: {  	[sflag:s5] =	ssyncset.done $0x0  }
0x22d: {  	[sflag:s5] =	ssyncadd.s32 $0xFFFFFFF0  }
0x22e: {  	_ =	swait.ge [sflag:s5], $0x10  }
0x22f: {  	[sflag:s5] =	ssyncset.done $0x0  }
0x230: {  	[sflag:s5] =	ssyncadd.s32 $0xFFFFFFF0  }
0x231: {  	_ =	swait.ge [sflag:s5], $0x10  }
0x232: {  	[sflag:s5] =	ssyncset.done $0x0  }
0x233: {  	[sflag:s5] =	ssyncadd.s32 $0xFFFFFFF0  }
0x234: {  	_ =	swait.ge [sflag:s5], $0x10  }
0x235: {  	[sflag:s5] =	ssyncset.done $0x0  }
0x236: {  	[sflag:s5] =	ssyncadd.s32 $0xFFFFFFF0  }
0x237: {  	_ =	swait.ge [sflag:s5], $0x10  }
0x238: {  	[sflag:s5] =	ssyncset.done $0x0  }
0x239: {  	[sflag:s5] =	ssyncadd.s32 $0xFFFFFFF0  }
0x23a: {  	_ =	swait.ge [sflag:s5], $0x10  }
0x23b: {  	[sflag:s5] =	ssyncset.done $0x0  }
0x23c: {  	[sflag:s5] =	ssyncadd.s32 $0xFFFFFFF0  }
0x23d: {  	_ =	swait.ge [sflag:s5], $0x10  }
0x23e: {  	[sflag:s5] =	ssyncset.done $0x0  }
0x23f: {  	[sflag:s5] =	ssyncadd.s32 $0xFFFFFFF0  }
0x240: {  	_ =	swait.ge [sflag:s5], $0x10  }
0x241: {  	[sflag:s5] =	ssyncset.done $0x0  }
0x242: {  	[sflag:s5] =	ssyncadd.s32 $0xFFFFFFF0  }
0x243: {  	_ =	swait.ge [sflag:s5], $0x10  }
0x244: {  	[sflag:s5] =	ssyncset.done $0x0  }
0x245: {  	[sflag:s5] =	ssyncadd.s32 $0xFFFFFFF0  }
0x246: {  	_ =	swait.ge [sflag:s5], $0x10  }
0x247: {  	[sflag:s5] =	ssyncset.done $0x0  }
0x248: {  	[sflag:s5] =	ssyncadd.s32 $0xFFFFFFF0  }
0x249: {  	_ =	swait.ge [sflag:s5], $0x10  }
0x24a: {  	[sflag:s5] =	ssyncset.done $0x0  }
0x24b: {  	[sflag:s5] =	ssyncadd.s32 $0xFFFFFFF0  }
0x24c: {  	_ =	swait.ge [sflag:s5], $0x10  }
0x24d: {  	[sflag:s5] =	ssyncset.done $0x0  }
0x24e: {  	[sflag:s5] =	ssyncadd.s32 $0xFFFFFFF0  }
0x24f: {  	_ =	swait.ge [sflag:s5], $0x10  }
0x250: {  	[sflag:s5] =	ssyncset.done $0x0  }
0x251: {  	[sflag:s5] =	ssyncadd.s32 $0xFFFFFFF0  }
0x252: {  	_ =	swait.ge [sflag:s5], $0x10  }
0x253: {  	[sflag:s5] =	ssyncset.done $0x0  }
0x254: {  	[sflag:s5] =	ssyncadd.s32 $0xFFFFFFF0  }
0x255: {  	_ =	swait.ge [sflag:s5], $0x10  }
0x256: {  	[sflag:s5] =	ssyncset.done $0x0  }
0x257: {  	[sflag:s5] =	ssyncadd.s32 $0xFFFFFFF0  }
0x258: {  	_ =	swait.ge [sflag:s5], $0x10  }
0x259: {  	[sflag:s5] =	ssyncset.done $0x0  }
0x25a: {  	[sflag:s5] =	ssyncadd.s32 $0xFFFFFFF0  }
0x25b: {  	_ =	swait.ge [sflag:s5], $0x10  }
0x25c: {  	[sflag:s5] =	ssyncset.done $0x0  }
0x25d: {  	[sflag:s5] =	ssyncadd.s32 $0xFFFFFFF0  }
0x25e: {  	_ =	swait.ge [sflag:s5], $0x10  }
0x25f: {  	[sflag:s5] =	ssyncset.done $0x0  }
0x260: {  	[sflag:s5] =	ssyncadd.s32 $0xFFFFFFF0  }
0x261: {  	_ =	swait.ge [sflag:s5], $0x10  }
0x262: {  	[sflag:s5] =	ssyncset.done $0x0  }
0x263: {  	[sflag:s5] =	ssyncadd.s32 $0xFFFFFFF0  }
0x264: {  	_ =	swait.ge [sflag:s5], $0x10  }
0x265: {  	[sflag:s5] =	ssyncset.done $0x0  }
0x266: {  	[sflag:s5] =	ssyncadd.s32 $0xFFFFFFF0  }
0x267: {  	_ =	swait.ge [sflag:s5], $0x10  }
0x268: {  	[sflag:s5] =	ssyncset.done $0x0  }
0x269: {  	[sflag:s5] =	ssyncadd.s32 $0xFFFFFFF0  }
0x26a: {  	_ =	swait.ge [sflag:s5], $0x10  }
0x26b: {  	[sflag:s5] =	ssyncset.done $0x0  }
0x26c: {  	[sflag:s5] =	ssyncadd.s32 $0xFFFFFFF0  }
0x26d: {  	_ =	swait.ge [sflag:s5], $0x10  }
0x26e: {  	[sflag:s5] =	ssyncset.done $0x0  }
0x26f: {  	[sflag:s5] =	ssyncadd.s32 $0xFFFFFFF0  }
0x270: {  	_ =	swait.ge [sflag:s5], $0x10  }
0x271: {  	[sflag:s5] =	ssyncset.done $0x0  }
0x272: {  	[sflag:s5] =	ssyncadd.s32 $0xFFFFFFF0  }
0x273: {  	_ =	swait.ge [sflag:s5], $0x10  }
0x274: {  	[sflag:s5] =	ssyncset.done $0x0  }
0x275: {  	[sflag:s5] =	ssyncadd.s32 $0xFFFFFFF0  }
0x276: {  	_ =	swait.ge [sflag:s5], $0x10  }
0x277: {  	[sflag:s5] =	ssyncset.done $0x0  }
0x278: {  	[sflag:s5] =	ssyncadd.s32 $0xFFFFFFF0  }
0x279: {  	_ =	swait.ge [sflag:s5], $0x10  }
0x27a: {  	[sflag:s5] =	ssyncset.done $0x0  }
0x27b: {  	[sflag:s5] =	ssyncadd.s32 $0xFFFFFFF0  }
0x27c: {  	_ =	swait.ge [sflag:s5], $0x10  }
0x27d: {  	[sflag:s5] =	ssyncset.done $0x0  }
0x27e: {  	[sflag:s5] =	ssyncadd.s32 $0xFFFFFFF0  }
0x27f: {  	_ =	swait.ge [sflag:s5], $0x10  }
0x280: {  	[sflag:s5] =	ssyncset.done $0x0  }
0x281: {  	[sflag:s5] =	ssyncadd.s32 $0xFFFFFFF0  }
0x282: {  	_ =	swait.ge [sflag:s5], $0x10  }
0x283: {  	[sflag:s5] =	ssyncset.done $0x0  }
0x284: {  	[sflag:s5] =	ssyncadd.s32 $0xFFFFFFF0  }
0x285: {  	_ =	swait.ge [sflag:s5], $0x10  }
0x286: {  	[sflag:s5] =	ssyncset.done $0x0  }
0x287: {  	[sflag:s5] =	ssyncadd.s32 $0xFFFFFFF0  }
0x288: {  	_ =	swait.ge [sflag:s5], $0x10  }
0x289: {  	[sflag:s5] =	ssyncset.done $0x0  }
0x28a: {  	[sflag:s5] =	ssyncadd.s32 $0xFFFFFFF0  }
0x28b: {  	_ =	swait.ge [sflag:s5], $0x10  }
0x28c: {  	[sflag:s5] =	ssyncset.done $0x0  }
0x28d: {  	[sflag:s5] =	ssyncadd.s32 $0xFFFFFFF0  }
0x28e: {  	_ =	swait.ge [sflag:s5], $0x10  }
0x28f: {  	[sflag:s5] =	ssyncset.done $0x0  }
0x290: {  	[sflag:s5] =	ssyncadd.s32 $0xFFFFFFF0  }
0x291: {  	_ =	swait.ge [sflag:s5], $0x10  }
0x292: {  	[sflag:s5] =	ssyncset.done $0x0  }
0x293: {  	[sflag:s5] =	ssyncadd.s32 $0xFFFFFFF0  }
0x294: {  	_ =	swait.ge [sflag:s5], $0x10  }
0x295: {  	[sflag:s5] =	ssyncset.done $0x0  }
0x296: {  	[sflag:s5] =	ssyncadd.s32 $0xFFFFFFF0  }
0x297: {  	_ =	swait.ge [sflag:s5], $0x10  }
0x298: {  	[sflag:s5] =	ssyncset.done $0x0  }
0x299: {  	[sflag:s5] =	ssyncadd.s32 $0xFFFFFFF0  }
0x29a: {  	_ =	swait.ge [sflag:s5], $0x10  }
0x29b: {  	[sflag:s5] =	ssyncset.done $0x0  }
0x29c: {  	[sflag:s5] =	ssyncadd.s32 $0xFFFFFFF0  }
0x29d: {  	_ =	swait.ge [sflag:s5], $0x10  }
0x29e: {  	[sflag:s5] =	ssyncset.done $0x0  }
0x29f: {  	p0 =	sne.s32 s1, $0x1;
	[sflag:s5] =	ssyncadd.s32 $0xFFFFFFF0  }
.Ltmp1:
0x2a0: {  	_ =	swait.ge [sflag:s5], $0x10;
	(pc) =	sbr.rel @p0 .LBB2_1-.Ltmp1, $4  }
0x2a1: {  	[sflag:s5] =	ssyncset.done $0x0  }
0x2a2: {  	[sflag:s5] =	ssyncadd.s32 $0xFFFFFFF0  }
0x2a3: {  	_ =	swait.ge [sflag:s5], $0x10  }
0x2a4: {  	s1 =	sadd.s32 $0xFFFFFFFF, s1;
	[sflag:s5] =	ssyncset.done $0x0  }
.LBB2_2:
0x2a5: {  	[sflag:s5] =	ssyncadd.s32 $0xFFFFFFF0  }
0x2a6: {  	_ =	swait.ge [sflag:s5], $0x10  }
0x2a7: {  	[sflag:s5] =	ssyncset.done $0x0  }
0x2a8: {  	[sflag:s5] =	ssyncadd.s32 $0xFFFFFFF0  }
0x2a9: {  	_ =	swait.ge [sflag:s5], $0x10  }
0x2aa: {  	[sflag:s5] =	ssyncset.done $0x0  }
0x2ab: {  	[sflag:s5] =	ssyncadd.s32 $0xFFFFFFF0  }
0x2ac: {  	_ =	swait.ge [sflag:s5], $0x10  }
0x2ad: {  	[sflag:s5] =	ssyncset.done $0x0  }
0x2ae: {  	[sflag:s5] =	ssyncadd.s32 $0xFFFFFFF0  }
0x2af: {  	_ =	swait.ge [sflag:s5], $0x10  }
0x2b0: {  	[sflag:s5] =	ssyncset.done $0x0  }
0x2b1: {  	[sflag:s5] =	ssyncadd.s32 $0xFFFFFFF0  }
0x2b2: {  	_ =	swait.ge [sflag:s5], $0x10  }
0x2b3: {  	[sflag:s5] =	ssyncset.done $0x0  }
0x2b4: {  	[sflag:s5] =	ssyncadd.s32 $0xFFFFFFF0  }
0x2b5: {  	_ =	swait.ge [sflag:s5], $0x10  }
0x2b6: {  	[sflag:s5] =	ssyncset.done $0x0  }
0x2b7: {  	[sflag:s5] =	ssyncadd.s32 $0xFFFFFFF0  }
0x2b8: {  	_ =	swait.ge [sflag:s5], $0x10  }
0x2b9: {  	[sflag:s5] =	ssyncset.done $0x0  }
0x2ba: {  	[sflag:s5] =	ssyncadd.s32 $0xFFFFFFF0  }
0x2bb: {  	_ =	swait.ge [sflag:s5], $0x10  }
0x2bc: {  	[sflag:s5] =	ssyncset.done $0x0  }
0x2bd: {  	[sflag:s5] =	ssyncadd.s32 $0xFFFFFFF0  }
0x2be: {  	_ =	swait.ge [sflag:s5], $0x10  }
0x2bf: {  	[sflag:s5] =	ssyncset.done $0x0  }
0x2c0: {  	[sflag:s5] =	ssyncadd.s32 $0xFFFFFFF0  }
0x2c1: {  	_ =	swait.ge [sflag:s5], $0x10  }
0x2c2: {  	[sflag:s5] =	ssyncset.done $0x0  }
0x2c3: {  	[sflag:s5] =	ssyncadd.s32 $0xFFFFFFF0  }
0x2c4: {  	_ =	swait.ge [sflag:s5], $0x10  }
0x2c5: {  	[sflag:s5] =	ssyncset.done $0x0  }
0x2c6: {  	[sflag:s5] =	ssyncadd.s32 $0xFFFFFFF0  }
0x2c7: {  	_ =	swait.ge [sflag:s5], $0x10  }
0x2c8: {  	[sflag:s5] =	ssyncset.done $0x0  }
0x2c9: {  	[sflag:s5] =	ssyncadd.s32 $0xFFFFFFF0  }
0x2ca: {  	_ =	swait.ge [sflag:s5], $0x10  }
0x2cb: {  	[sflag:s5] =	ssyncset.done $0x0  }
0x2cc: {  	[sflag:s5] =	ssyncadd.s32 $0xFFFFFFF0  }
0x2cd: {  	_ =	swait.ge [sflag:s5], $0x10  }
0x2ce: {  	[sflag:s5] =	ssyncset.done $0x0  }
0x2cf: {  	[sflag:s5] =	ssyncadd.s32 $0xFFFFFFF0  }
0x2d0: {  	_ =	sfence.sel $0x180000  }
0x2d1: {  	[bflag:$0x0] =	sbarrier.arrive $0xFFFF  }
0x2d2: {  	_ =	strace $0x90000047  }
0x2d3: {  	s0 =	stileid.u32;
	[bflag:$0x2] =	sbarrier.arrive $0xFFFF  }
0x2d4: {  	p0 =	sne.s32 s0, $0x0;
	s0 =	rddreg [dreg:$0x2]  }
0x2d5: {  	s0 =	sadd.s32 @!p0 $0x100000, s0  }
0x2d6: {  	[sflag:s0] =	ssyncadd.tile.s32 @!p0 $0x1;
	_ =	shalt  }
.Lfunc_end2:
_tile_overlayer_lowered:
.L_overlay_start_2:
0x2d7: {  	(tag) =	ssettag $0x2  }
0x2d8: {  	s0 =	rddreg [dreg:$0x0];
	s2 =	stileid.u32  }
0x2d9: {  	s1 =	rddreg [dreg:$0x1];
	p0 =	sne.s32 s2, $0x0  }
0x2da: {  	s3 =	rddreg [dreg:$0x2];
	[bflag:$0x3] =	sbarrier.arrive $0xFFFF;
	s2 =	simm.s32 @!p0 $0x1C02  }
0x2db: {  	[timem:s3], [sflag:s2] =	dma.local @!p0 [hbm:s0], s1  }
0x2dc: {  	s0 =	simm.s32 @!p0 $0x2  }
0x2dd: {  	_ =	swait.ge @!p0 [sflag:s0], s1  }
0x2de: {  	s1 =	ssub.s32 @!p0 $0x0, s1;
	[sflag:s0] =	ssyncset.done @!p0 $0x0  }
0x2df: {  	[sflag:s0] =	ssyncadd.s32 @!p0 s1  }
0x2e0: {  	[bflag:$0x3] =	sbarrier.arrive $0xFFFF  }
0x2e1: {  	_ =	shalt  }

// kernel: kernel.7.cloned.1.call-start
scs
__scs_entry_jumppad:
0x0: {  	(pc) =	sbr.rel $0x88, $3  }
0x1: {  	(tag) =	ssettag $0x0;
	lr =	simm.s32 $0x1  }
0x2: {  	[smem:$0x3F9F] =	sst lr;
	_ =	strace $0xD0000000  }
0x3: {  	_ = 	snop  }
0x4: {  	_ = 	snop  }
0x5: {  	_ = 	snop  }
0x6: {  	_ = 	snop  }
0x7: {  	_ = 	snop  }
__scs_overlays_trampoline_lowered:
0x8: {  	[smem:$0x3FAE] =	sst s0  }
0x9: {  	[smem:$0x3FAF] =	sst s1  }
0xa: {  	[smem:$0x3FB0] =	sst s2  }
0xb: {  	[smem:$0x3FB1] =	sst s3  }
0xc: {  	[smem:$0x3FB2] =	sst s4  }
0xd: {  	[smem:$0x3FB3] =	sst s5  }
0xe: {  	[smem:$0x3FB4] =	sst s6  }
0xf: {  	[smem:$0x3FB5] =	sst s7  }
0x10: {  	[smem:$0x3FB6] =	sst s8  }
0x11: {  	[smem:$0x3FB7] =	sst s9;
	s0 =	simm.s32 @!p0 $0x0  }
0x12: {  	s1 =	sld [smem:$0x3F9D];
	s0 =	simm.s32 @p0 $0x1  }
0x13: {  	[smem:$0x3FB8] =	sst s0;
	s0 =	simm.s32 @!p1 $0x0  }
0x14: {  	s2 =	sld [smem:$0x3F9C];
	s0 =	simm.s32 @p1 $0x1  }
0x15: {  	[smem:$0x3FB9] =	sst s0;
	s0 =	simm.s32 @!p2 $0x0  }
0x16: {  	s3 =	sld [smem:$0x3FDB];
	s0 =	simm.s32 @p2 $0x1  }
0x17: {  	s4 =	simm.s32 $0x1BF5;
	[smem:$0x3FBB] =	sst s0  }
0x18: {  	s0 =	sld [smem:$0x3F9E];
	_ =	swait.ge [sflag:s4], $0x0  }
0x19: {  	s7 =	sld [smem:$0x3F9F]  }
0x1a: {  	s8 =	sadd.s32 $0xFFFFE003, lr  }
0x1b: {  	s9 =	sadd.s32 $0xFFFFFEF7, lr;
	s5 =	simm.s32 $0xFFFFFFFF;
	p2 =	slt.u32 s8, $0xFFFFF086  }
0x1c: {  	p1 =	slt.u32 s9, $0xF7A;
	s5 =	simm.s32 @!p2 $0x0  }
0x1d: {  	s5 =	simm.s32 @p1 $0x1;
	p0 =	seq.s32 s7, s2  }
0x1e: {  	s7 =	smul.u32 @!p0 $0xF7A, s2;
	p2 =	seq.s32 @!p0 s5, $0x0  }
0x1f: {  	s9 =	smul.u32 $0xF7A, s1;
	s8 =	simm.s32 @!p0 $0x1BF5;
	p2 =	por !p2, p0  }
0x20: {  	[sflag:s8] =	ssyncset.s32 @!p0 $0xFFFFF086;
	s6 =	sadd.s32 @!p0 s3, s7;
	s7 =	simm.s32 @!p0 $0x108  }
0x21: {  	s3 =	sadd.s32 s3, s9;
	s6 =	sadd.s32 @!p0 $0x88, s6;
	s7 =	simm.s32 @p2 $0x1082  }
0x22: {  	[simem:s7], [sflag:s8] =	dma.local @!p0 [hbm:s6], $0xF7A  }
0x23: {  	s9 =	sor.u32 $0xD0000000, s2;
	s6 =	simm.s32 $0x108;
	_ =	swait.ge @!p0 [sflag:s8], $0x0  }
0x24: {  	s3 =	sadd.s32 $0x88, s3;
	s6 =	simm.s32 @!p1 $0x1082;
	[sflag:s4] =	ssyncset.s32 $0xFFFFF086  }
0x25: {  	[simem:s6], [sflag:s4] =	dma.local [hbm:s3], $0xF7A  }
0x26: {  	[smem:$0x3F9F] =	sst s1;
	(tag) =	ssettag s2;
	_ =	strace s9  }
0x27: {  	s1 =	sld [smem:$0x3FAF]  }
0x28: {  	s2 =	sld [smem:$0x3FB0]  }
0x29: {  	s4 =	sld [smem:$0x3FB2]  }
0x2a: {  	p0 =	seq.s32 s5, $0x0;
	s5 =	sld [smem:$0x3FB3]  }
0x2b: {  	s6 =	sld [smem:$0x3FB4]  }
0x2c: {  	s7 =	sld [smem:$0x3FB5]  }
0x2d: {  	s3 =	simm.s32 $0x108;
	s8 =	sld [smem:$0x3FB6]  }
0x2e: {  	s3 =	simm.s32 @!p0 $0x1082;
	s9 =	sld [smem:$0x3FB7]  }
0x2f: {  	lr =	sadd.s32 s0, s3;
	s0 =	sld [smem:$0x3FAE]  }
0x30: {  	s3 =	sld [smem:$0x3FB1]  }
0x31: {  	[smem:$0x3FBA] =	sst s10  }
0x32: {  	s10 =	sld [smem:$0x3FB8];
	_ =	sdelay $0x3  }
0x33: {  	p0 =	seq.s32 s10, $0x1;
	s10 =	sld [smem:$0x3FBA];
	_ =	sdelay $0x3  }
0x34: {  	[smem:$0x3FBA] =	sst s10  }
0x35: {  	s10 =	sld [smem:$0x3FB9];
	_ =	sdelay $0x3  }
0x36: {  	p1 =	seq.s32 s10, $0x1;
	s10 =	sld [smem:$0x3FBA];
	_ =	sdelay $0x3  }
0x37: {  	[smem:$0x3FBA] =	sst s10  }
0x38: {  	s10 =	sld [smem:$0x3FBB]  }
0x39: {  	_ = 	snop;
	(pc) =	sbr.ind lr, $3  }
0x3a: {  	_ = 	snop  }
0x3b: {  	_ = 	snop  }
0x3c: {  	p2 =	seq.s32 s10, $0x1;
	s10 =	sld [smem:$0x3FBA]  }
0x3d: {  	_ =	shalt  }
0x3e: {  	_ =	shalt  }
0x3f: {  	_ =	shalt  }
0x40: {  	_ =	shalt  }
0x41: {  	_ =	shalt  }
0x42: {  	_ =	shalt  }
0x43: {  	_ =	shalt  }
0x44: {  	_ =	shalt  }
0x45: {  	_ =	shalt  }
0x46: {  	_ =	shalt  }
0x47: {  	_ =	shalt  }
0x48: {  	_ =	shalt  }
0x49: {  	_ =	shalt  }
0x4a: {  	_ =	shalt  }
0x4b: {  	_ =	shalt  }
0x4c: {  	_ =	shalt  }
0x4d: {  	_ =	shalt  }
0x4e: {  	_ =	shalt  }
0x4f: {  	_ =	shalt  }
0x50: {  	_ =	shalt  }
0x51: {  	_ =	shalt  }
0x52: {  	_ =	shalt  }
0x53: {  	_ =	shalt  }
0x54: {  	_ =	shalt  }
0x55: {  	_ =	shalt  }
0x56: {  	_ =	shalt  }
0x57: {  	_ =	shalt  }
0x58: {  	_ =	shalt  }
0x59: {  	_ =	shalt  }
0x5a: {  	_ =	shalt  }
0x5b: {  	_ =	shalt  }
0x5c: {  	_ =	shalt  }
0x5d: {  	_ =	shalt  }
0x5e: {  	_ =	shalt  }
0x5f: {  	_ =	shalt  }
0x60: {  	_ =	shalt  }
0x61: {  	_ =	shalt  }
0x62: {  	_ =	shalt  }
0x63: {  	_ =	shalt  }
0x64: {  	_ =	shalt  }
0x65: {  	_ =	shalt  }
0x66: {  	_ =	shalt  }
0x67: {  	_ =	shalt  }
0x68: {  	_ =	shalt  }
0x69: {  	_ =	shalt  }
0x6a: {  	_ =	shalt  }
0x6b: {  	_ =	shalt  }
0x6c: {  	_ =	shalt  }
0x6d: {  	_ =	shalt  }
0x6e: {  	_ =	shalt  }
0x6f: {  	_ =	shalt  }
0x70: {  	_ =	shalt  }
0x71: {  	_ =	shalt  }
0x72: {  	_ =	shalt  }
0x73: {  	_ =	shalt  }
0x74: {  	_ =	shalt  }
0x75: {  	_ =	shalt  }
0x76: {  	_ =	shalt  }
0x77: {  	_ =	shalt  }
0x78: {  	_ =	shalt  }
0x79: {  	_ =	shalt  }
0x7a: {  	_ =	shalt  }
0x7b: {  	_ =	shalt  }
0x7c: {  	_ =	shalt  }
0x7d: {  	_ =	shalt  }
0x7e: {  	_ =	shalt  }
0x7f: {  	_ =	shalt  }
0x80: {  	_ =	shalt  }
0x81: {  	_ =	shalt  }
0x82: {  	_ =	shalt  }
0x83: {  	_ =	shalt  }
0x84: {  	_ =	shalt  }
0x85: {  	_ =	shalt  }
0x86: {  	_ =	shalt  }
0x87: {  	_ =	shalt  }
.Lfunc_end0:
.L_simem_size_0:
called_computation.1_lowered:
.L_overlay_start_0:
0x88: {  	s2 =	sld [smem:$0x3FD9]  }
0x89: {  	s3 =	sld [smem:$0x3FFE];
	_ =	sdelay $0x1  }
0x8a: {  	s1 =	srdreg.scid  }
0x8b: {  	s0 =	sand.u32 $0x1, s1  }
0x8c: {  	s16 =	sshll.u32 s0, $0xA;
	s2 =	sadd.s32 s3, s2  }
0x8d: {  	s2 =	sadd.s32 s2, s16  }
0x8e: {  	[smem:$0x3FC6] =	sst s2  }
0x8f: {  	_ = 	snop  }
0x90: {  	(tm) =	ssettm $0x1  }
0x91: {  	s17 =	sld [smem:$0x3FFB];
	_ =	sdelay $0x3  }
0x92: {  	_ =	strace s17  }
0x93: {  	s2 =	sld [smem:$0x3FFC];
	_ =	sdelay $0x3  }
0x94: {  	_ =	strace s2  }
0x95: {  	s2 =	sld [smem:$0x3FFD];
	_ =	sdelay $0x3  }
0x96: {  	_ =	strace s2  }
0x97: {  	_ =	strace $0x8FFFFFFF  }
0x98: {  	s18 =	sld [smem:$0x3FDB];
	_ =	sdelay $0x1  }
0x99: {  	s19 =	simm.s32 $_scs_section_size  }
0x9a: {  	s4 =	simm.s32 $_size__tile_overlayer_lowered;
	s5 =	simm.s32 $_tile_overlayer_lowered  }
0x9b: {  	s22 =	simm.s32 $0x1BFF;
	s21 =	sshll.u32 s5, $0x1;
	s2 =	sadd.s32 s19, s18  }
0x9c: {  	s6 =	simm.s32 $0x0;
	s20 =	sshll.u32 s4, $0x1;
	s4 =	sadd.s32 s21, s2  }
0x9d: {  	[timem:s6], [sflag:s22] =	dma.local [hbm:s4], s20  }
0x9e: {  	_ =	swait.ge [sflag:s22], s20  }
0x9f: {  	s3 =	ssub.s32 $0x0, s20;
	[sflag:s22] =	ssyncset.done $0x0  }
0xa0: {  	[sflag:s22] =	ssyncadd.s32 s3;
	_ =	sdelay $0x1  }
0xa1: {  	s23 =	simm.s32 $0x1B8B  }
0xa2: {  	_ =	swait.ge [sflag:s23], $0x1  }
0xa3: {  	[sflag:s23] =	ssyncset.done $0x0  }
0xa4: {  	s25 =	simm.s32 $0x1B8E;
	s24 =	sld [smem:$0x3FFE];
	[sflag:s23] =	ssyncadd.s32 $0xFFFFFFFF  }
0xa5: {  	s26 =	simm.s32 $execute0_lowered;
	[smem:$0x3FD2] =	sst s25  }
0xa6: {  	s4 =	sshll.u32 s26, $0x1;
	_ =	strace $0x80000049;
	[dreg:$0x1] =	wrdreg $0xFFFFFFFF  }
0xa7: {  	s28 =	simm.s32 $_size_execute0_lowered;
	s2 =	sadd.s32 s2, s4;
	[dreg:$0x0] =	wrdreg $0x0  }
0xa8: {  	s4 =	sshll.u32 s28, $0x1;
	[dreg:$0x2] =	wrdreg s2  }
0xa9: {  	[dreg:$0x3] =	wrdreg s4  }
0xaa: {  	[dreg:$0x4] =	wrdreg $0xC0  }
0xab: {  	_ =	task [dreg:s6], $0x5FFFF  }
0xac: {  	[dreg:$0x1] =	wrdreg $0xFFFFFFFF  }
0xad: {  	[dreg:$0x0] =	wrdreg $0x60  }
0xae: {  	[dreg:$0x2] =	wrdreg s24  }
0xaf: {  	[dreg:$0x3] =	wrdreg $0x9  }
0xb0: {  	_ =	task.clear_ibuf [dreg:s6], $0x4FFFF;
	_ =	strace $0x90000049  }
0xb1: {  	s29 =	simm.s32 $0x9;
	_ =	strace $0x8000004B  }
0xb2: {  	_ =	swait.ge [sflag:s29], $0x1  }
0xb3: {  	[sflag:s29] =	ssyncadd.s32 $0xFFFFFFFF  }
0xb4: {  	_ =	strace $0x9000004B  }
0xb5: {  	_ =	sfence  }
0xb6: {  	s30 =	sld [smem:$0x0];
	_ =	sdelay $0x2  }
0xb7: {  	s31 =	sshll.u32 s1, $0xD;
	s1 =	sshrl.u32 s1, $0x2  }
0xb8: {  	s3 =	sand.u32 $0x4000, s31;
	s1 =	sadd.s32 s1, s30  }
0xb9: {  	s0 =	sor.u32 s3, s0;
	s1 =	sshll.u32 s1, $0x11  }
0xba: {  	s0 =	sor.u32 s1, s0  }
0xbb: {  	s0 =	sadd.s32 $0x8F2B, s0  }
0xbc: {  	[sflag:s0] =	ssyncadd.remote.s32 $0x1  }
0xbd: {  	_ =	sfence.sel $0xFFFF  }
0xbe: {  	[dreg:$0x0] =	wrdreg $0xFFFFFFFF;
	(pc) =	sbr.abs _section_cstart, $3  }
0xbf: {  	[dreg:$0x1] =	wrdreg $0xFFFFFFFF  }
0xc0: {  	_ =	task.clear_ibuf [dreg:s6], $0x2FFFF;
	_ =	strace $0x9FFFFFFF  }
0xc1: {  	(tm) =	ssettm $0x7FFFFFFF  }
tec
execute0_lowered:
.L_overlay_start_1:
0x0: {  	(tag) =	ssettag $0x1  }
0x1: {  	s4 =	rddreg [dreg:$0x0];
	s1 =	srdreg.scid  }
0x2: {  	s0 =	rddreg [dreg:$0x1];
	s2 =	simm.s32 $0x0;
	s9 =	simm.s32 $0x1C00  }
0x3: {  	s10 =	simm.s32 $0x5C00;
	s11 =	simm.s32 $0x1;
	s12 =	simm.s32 $0x2  }
0x4: {  	s13 =	simm.s32 $0x9C00;
	s14 =	simm.s32 $0x0;
	s5 =	sand.u32 $0x1, s1  }
0x5: {  	s1 =	stileid.u32;
	[smem:$0x7FF] =	sst s2;
	s3 =	sshll.u32 s5, $0x4  }
0x6: {  	_ =	strace $0x8000004A;
	s5 =	ssub.s32 $0x2, s5;
	s6 =	sor.u32 s1, s3  }
0x7: {  	s31 =	sshrl.u32 s5, $0x1;
	s7 =	smul.u32 $0x380, s6;
	s6 =	sshll.u32 s6, $0xB  }
0x8: {  	s3 =	sadd.s32 $0xF49C00, s4;
	s8 =	ssub.s32 s5, s31;
	s6 =	sadd.s32 s6, s4  }
0x9: {  	s7 =	sadd.s32 s7, s4;
	s5 =	sadd.s32 $0x7800, s6;
	s6 =	smax.u32 s8, $0x1  }
0xa: {  	s8 =	simm.s32 $0x80;
	s4 =	sadd.s32 $0x800, s7;
	s7 =	simm.s32 $0x3  }
.LBB2_1:
0xb: {  	[tilespmem:s2], [sflag:$0x3] =	stream.linear.gather [hbm4b:s4+s2], $0x1C00, $0x38;
	[tilespmem:$0xDC00] =	vst v63  }
0xc: {  	_ =	swait.ge [sflag:s7], $0x1C00  }
0xd: {  	[sflag:s7] =	ssyncset.done $0x0  }
0xe: {  	[sflag:s7] =	ssyncadd.s32 $0xFFFFE400  }
0xf: {  	[tilespmem:s9], [sflag:$0x1] =	stream.indirect.gather [hbm4b:s3+s8], $0x80, s2, s8, $0xb8;
	[tilespmem:$0xDC00] =	vst v63  }
0x10: {  	_ = 	snop  }
0x11: {  	[tilespmem:s10], [sflag:$0x2] =	stream.indirect.gather [hbm4b:s3+s8], $0x80, s8, s8, $0xb8;
	[tilespmem:$0xDC00] =	vst v63  }
0x12: {  	_ =	swait.ge [sflag:s11], $0x4000  }
0x13: {  	[sflag:s11] =	ssyncset.done $0x0  }
0x14: {  	s16 =	simm.s32 $0x0;
	[sflag:s11] =	ssyncadd.s32 $0xFFFFC000  }
0x15: {  	v0 =	vld [tilespmem:s16+$0x1C30]  }
0x16: {  	v1 =	vld [tilespmem:s16+$0x1C00]  }
0x17: {  	v2 =	vld [tilespmem:s16+$0x1C10]  }
0x18: {  	v3 =	vld [tilespmem:s16+$0x1C20]  }
0x19: {  	s17 =	simm.s32 $0x200  }
.LBB2_2:
0x1a: {  	s15 =	sshra.s32 s17, $0x2;
	p0 =	sne.s32 s17, $0xFE00;
	s17 =	sadd.s32 $0x200, s17;
	[tilespmem:s16+$0x9C30] =	vst v0  }
.Ltmp0:
0x1b: {  	v0 =	vld [tilespmem:s15+$0x1C30];
	[tilespmem:s16+$0x9C00] =	vst v1;
	(pc) =	sbr.rel @p0 .LBB2_2-.Ltmp0, $4  }
0x1c: {  	v1 =	vld [tilespmem:s15+$0x1C00];
	[tilespmem:s16+$0x9C10] =	vst v2  }
0x1d: {  	v2 =	vld [tilespmem:s15+$0x1C10];
	[tilespmem:s16+$0x9C20] =	vst v3;
	s16 =	smov.u32 s15  }
0x1e: {  	v3 =	vld [tilespmem:s16+$0x1C20]  }
0x1f: {  	s15 =	simm.s32 $0x0  }
0x20: {  	[tilespmem:s16+$0x9C30] =	vst v0  }
0x21: {  	[tilespmem:s16+$0x9C00] =	vst v1  }
0x22: {  	[tilespmem:s16+$0x9C10] =	vst v2  }
0x23: {  	[tilespmem:s16+$0x9C20] =	vst v3  }
.LBB2_4:
0x24: {  	s16 =	sshll.u32 s15, $0x8  }
0x25: {  	s16 =	sand.u32 $0x3FFFFF00, s16  }
0x26: {  	s17 =	sadd.s32 $0x100, s16  }
0x27: {  	[tilespmem:s9], [sflag:$0x1] =	stream.indirect.gather [hbm4b:s3+s8], $0x80, s17, s8, $0xb8;
	[tilespmem:$0xDC00] =	vst v63  }
0x28: {  	_ =	swait.ge [sflag:s12], $0x4000  }
0x29: {  	[sflag:s12] =	ssyncset.done $0x0  }
0x2a: {  	s17 =	simm.s32 $0x0;
	[sflag:s12] =	ssyncadd.s32 $0xFFFFC000  }
0x2b: {  	v5 =	vld [tilespmem:s17+$0x5C00]  }
0x2c: {  	v6 =	vld [tilespmem:s17+$0x5C10]  }
0x2d: {  	v1 =	vld [tilespmem:s17+$0x5C20]  }
0x2e: {  	v0 =	vld [tilespmem:s17+$0x5C30]  }
0x2f: {  	v2 =	vld [tilespmem:s17+$0x9C00]  }
0x30: {  	v4 =	vld [tilespmem:s17+$0x9C10]  }
0x31: {  	s18 =	simm.s32 $0x200;
	v3 =	vld [tilespmem:s17+$0x9C20]  }
.LBB2_5:
0x32: {  	s19 =	sshra.s32 s18, $0x2;
	p0 =	sne.s32 s18, $0xFE00;
	v7 =	vld [tilespmem:s17+$0x9C30];
	v8 =	vmov v1  }
0x33: {  	v9 =	vld [tilespmem:s19+$0x5C00];
	v10 =	vmov v0  }
0x34: {  	v11 =	vld [tilespmem:s19+$0x5C10];
	v2 =	vadd.f32 v2, v5  }
.Ltmp1:
0x35: {  	v1 =	vld [tilespmem:s19+$0x5C20];
	v4 =	vadd.f32 v4, v6;
	(pc) =	sbr.rel @p0 .LBB2_5-.Ltmp1, $4  }
0x36: {  	v0 =	vld [tilespmem:s19+$0x5C30];
	[tilespmem:s17+$0x9C00] =	vst v2;
	v3 =	vadd.f32 v3, v8  }
0x37: {  	v2 =	vld [tilespmem:s19+$0x9C00];
	[tilespmem:s17+$0x9C10] =	vst v4;
	v7 =	vadd.f32 v7, v10  }
0x38: {  	v4 =	vld [tilespmem:s19+$0x9C10];
	[tilespmem:s17+$0x9C20] =	vst v3;
	v5 =	vmov v9  }
0x39: {  	s18 =	sadd.s32 $0x200, s18;
	v3 =	vld [tilespmem:s19+$0x9C20];
	[tilespmem:s17+$0x9C30] =	vst v7;
	v6 =	vmov v11;
	s17 =	smov.u32 s19  }
0x3a: {  	v7 =	vld [tilespmem:s17+$0x9C30];
	_ =	sdelay $0x1  }
0x3b: {  	v2 =	vadd.f32 v2, v5  }
0x3c: {  	v4 =	vadd.f32 v4, v6  }
0x3d: {  	[tilespmem:s17+$0x9C00] =	vst v2;
	v1 =	vadd.f32 v3, v1  }
0x3e: {  	[tilespmem:s17+$0x9C10] =	vst v4;
	v0 =	vadd.f32 v7, v0  }
0x3f: {  	[tilespmem:s17+$0x9C20] =	vst v1  }
0x40: {  	s16 =	sadd.s32 $0x180, s16;
	[tilespmem:s17+$0x9C30] =	vst v0  }
0x41: {  	[tilespmem:s10], [sflag:$0x2] =	stream.indirect.gather [hbm4b:s3+s8], $0x80, s16, s8, $0xb8;
	[tilespmem:$0xDC00] =	vst v63  }
0x42: {  	_ =	swait.ge [sflag:s11], $0x4000  }
0x43: {  	[sflag:s11] =	ssyncset.done $0x0  }
0x44: {  	s16 =	simm.s32 $0x0;
	[sflag:s11] =	ssyncadd.s32 $0xFFFFC000  }
0x45: {  	v5 =	vld [tilespmem:s16+$0x1C00]  }
0x46: {  	v6 =	vld [tilespmem:s16+$0x1C10]  }
0x47: {  	v1 =	vld [tilespmem:s16+$0x1C20]  }
0x48: {  	v0 =	vld [tilespmem:s16+$0x1C30]  }
0x49: {  	v2 =	vld [tilespmem:s16+$0x9C00]  }
0x4a: {  	v4 =	vld [tilespmem:s16+$0x9C10]  }
0x4b: {  	s17 =	simm.s32 $0x200;
	v3 =	vld [tilespmem:s16+$0x9C20]  }
.LBB2_7:
0x4c: {  	s18 =	sshra.s32 s17, $0x2;
	p0 =	sne.s32 s17, $0xFE00;
	v7 =	vld [tilespmem:s16+$0x9C30];
	v8 =	vmov v1  }
0x4d: {  	v9 =	vld [tilespmem:s18+$0x1C00];
	v10 =	vmov v0  }
0x4e: {  	v11 =	vld [tilespmem:s18+$0x1C10];
	v2 =	vadd.f32 v2, v5  }
.Ltmp2:
0x4f: {  	v1 =	vld [tilespmem:s18+$0x1C20];
	v4 =	vadd.f32 v4, v6;
	(pc) =	sbr.rel @p0 .LBB2_7-.Ltmp2, $4  }
0x50: {  	v0 =	vld [tilespmem:s18+$0x1C30];
	[tilespmem:s16+$0x9C00] =	vst v2;
	v3 =	vadd.f32 v3, v8  }
0x51: {  	v2 =	vld [tilespmem:s18+$0x9C00];
	[tilespmem:s16+$0x9C10] =	vst v4;
	v7 =	vadd.f32 v7, v10  }
0x52: {  	v4 =	vld [tilespmem:s18+$0x9C10];
	[tilespmem:s16+$0x9C20] =	vst v3;
	v5 =	vmov v9  }
0x53: {  	s17 =	sadd.s32 $0x200, s17;
	v3 =	vld [tilespmem:s18+$0x9C20];
	[tilespmem:s16+$0x9C30] =	vst v7;
	v6 =	vmov v11;
	s16 =	smov.u32 s18  }
0x54: {  	v7 =	vld [tilespmem:s16+$0x9C30]  }
0x55: {  	s15 =	sadd.s32 $0x1, s15  }
0x56: {  	p0 =	sne.s32 s15, $0x18;
	v2 =	vadd.f32 v2, v5  }
.Ltmp3:
0x57: {  	v4 =	vadd.f32 v4, v6;
	(pc) =	sbr.rel @p0 .LBB2_4-.Ltmp3, $4  }
0x58: {  	[tilespmem:s16+$0x9C00] =	vst v2;
	v1 =	vadd.f32 v3, v1  }
0x59: {  	[tilespmem:s16+$0x9C10] =	vst v4;
	v0 =	vadd.f32 v7, v0  }
0x5a: {  	[tilespmem:s16+$0x9C20] =	vst v1  }
0x5b: {  	[tilespmem:s16+$0x9C30] =	vst v0  }
0x5c: {  	_ =	swait.ge [sflag:s12], $0x4000  }
0x5d: {  	[sflag:s12] =	ssyncset.done $0x0  }
0x5e: {  	s15 =	simm.s32 $0x0;
	[sflag:s12] =	ssyncadd.s32 $0xFFFFC000  }
0x5f: {  	v5 =	vld [tilespmem:s15+$0x5C00]  }
0x60: {  	v6 =	vld [tilespmem:s15+$0x5C10]  }
0x61: {  	v1 =	vld [tilespmem:s15+$0x5C20]  }
0x62: {  	v0 =	vld [tilespmem:s15+$0x5C30]  }
0x63: {  	v2 =	vld [tilespmem:s15+$0x9C00]  }
0x64: {  	v4 =	vld [tilespmem:s15+$0x9C10]  }
0x65: {  	s16 =	simm.s32 $0x200;
	v3 =	vld [tilespmem:s15+$0x9C20]  }
.LBB2_10:
0x66: {  	s17 =	sshra.s32 s16, $0x2;
	p0 =	sne.s32 s16, $0xFE00;
	v7 =	vld [tilespmem:s15+$0x9C30];
	v8 =	vmov v1  }
0x67: {  	v9 =	vld [tilespmem:s17+$0x5C00];
	v10 =	vmov v0  }
0x68: {  	v11 =	vld [tilespmem:s17+$0x5C10];
	v2 =	vadd.f32 v2, v5  }
.Ltmp4:
0x69: {  	v1 =	vld [tilespmem:s17+$0x5C20];
	v4 =	vadd.f32 v4, v6;
	(pc) =	sbr.rel @p0 .LBB2_10-.Ltmp4, $4  }
0x6a: {  	v0 =	vld [tilespmem:s17+$0x5C30];
	[tilespmem:s15+$0x9C00] =	vst v2;
	v3 =	vadd.f32 v3, v8  }
0x6b: {  	v2 =	vld [tilespmem:s17+$0x9C00];
	[tilespmem:s15+$0x9C10] =	vst v4;
	v7 =	vadd.f32 v7, v10  }
0x6c: {  	v4 =	vld [tilespmem:s17+$0x9C10];
	[tilespmem:s15+$0x9C20] =	vst v3;
	v5 =	vmov v9  }
0x6d: {  	s16 =	sadd.s32 $0x200, s16;
	v3 =	vld [tilespmem:s17+$0x9C20];
	[tilespmem:s15+$0x9C30] =	vst v7;
	v6 =	vmov v11;
	s15 =	smov.u32 s17  }
0x6e: {  	v7 =	vld [tilespmem:s15+$0x9C30];
	_ =	sdelay $0x1  }
0x6f: {  	v2 =	vadd.f32 v2, v5  }
0x70: {  	v4 =	vadd.f32 v4, v6  }
0x71: {  	[tilespmem:s15+$0x9C00] =	vst v2;
	v1 =	vadd.f32 v3, v1  }
0x72: {  	s14 =	sadd.s32 $0x1, s14;
	[tilespmem:s15+$0x9C10] =	vst v4;
	v0 =	vadd.f32 v7, v0  }
0x73: {  	p0 =	sne.s32 s14, s6;
	[tilespmem:s15+$0x9C20] =	vst v1  }
.Ltmp5:
0x74: {  	[tilespmem:s15+$0x9C30] =	vst v0;
	(pc) =	sbr.rel @p0 .LBB2_1-.Ltmp5, $4  }
0x75: {  	[hbm4b:s5+s2] =	stream.linear.scatter [tilespmem:s13], [sflag:$0x3], $0x4000, $0x38;
	[tilespmem:$0xDC00] =	vst v63  }
0x76: {  	_ =	swait.ge [sflag:s7], $0x4000  }
0x77: {  	[sflag:s7] =	ssyncset.done $0x0  }
0x78: {  	[sflag:s7] =	ssyncadd.s32 $0xFFFFC000  }
0x79: {  	_ =	sfence.sel $0x180000  }
0x7a: {  	[bflag:$0x0] =	sbarrier.arrive $0xFFFF  }
0x7b: {  	p0 =	sne.s32 s1, $0x0;
	_ =	strace $0x9000004A  }
0x7c: {  	s0 =	sadd.s32 @!p0 $0x100000, s0;
	[bflag:$0x2] =	sbarrier.arrive $0xFFFF  }
0x7d: {  	[sflag:s0] =	ssyncadd.tile.s32 @!p0 $0x1;
	_ =	shalt  }
.Lfunc_end2:
_tile_overlayer_lowered:
.L_overlay_start_2:
0x7e: {  	(tag) =	ssettag $0x2  }
0x7f: {  	s0 =	rddreg [dreg:$0x0];
	s2 =	stileid.u32  }
0x80: {  	s1 =	rddreg [dreg:$0x1];
	p0 =	sne.s32 s2, $0x0  }
0x81: {  	s3 =	rddreg [dreg:$0x2];
	[bflag:$0x3] =	sbarrier.arrive $0xFFFF;
	s2 =	simm.s32 @!p0 $0x1C03  }
0x82: {  	[timem:s3], [sflag:s2] =	dma.local @!p0 [hbm:s0], s1  }
0x83: {  	s0 =	simm.s32 @!p0 $0x3  }
0x84: {  	_ =	swait.ge @!p0 [sflag:s0], s1  }
0x85: {  	s1 =	ssub.s32 @!p0 $0x0, s1;
	[sflag:s0] =	ssyncset.done @!p0 $0x0  }
0x86: {  	[sflag:s0] =	ssyncadd.s32 @!p0 s1  }
0x87: {  	[bflag:$0x3] =	sbarrier.arrive $0xFFFF  }
0x88: {  	_ =	shalt  }

</sc_bundles>
